<compile_context>
chip_gen: v7x
topology: tpu7x:2x2x1
jax: 0.10.2.dev20260603
libtpu: 0.0.44.dev20260713+nightly
codegen_flags: <defaults>
</compile_context>

<pallas_src>
import functools
import jax
import jax.numpy as jnp
from jax.experimental import pallas as pl
from jax.experimental.pallas import tpu as pltpu

_RATIO = 0.3


def _argmax_kernel(text_ref, am_ref):
    t = text_ref[...]
    b, l = t.shape
    m = jnp.max(t, axis=1, keepdims=True)
    iota = jax.lax.broadcasted_iota(jnp.int32, (b, l), 1)
    am_ref[...] = jnp.min(jnp.where(t == m, iota, l), axis=1, keepdims=True)


def _argmax_call(text):
    B, L = text.shape
    return pl.pallas_call(
        _argmax_kernel,
        out_shape=jax.ShapeDtypeStruct((B, 1), jnp.int32),
    )(text)


def _extract_kernel(am_ref, atten_ref, text_ref, rows_ref):
    b = pl.program_id(0)
    a = am_ref[b]
    row = atten_ref[0, pl.ds(a % 8, 1), :]
    t = text_ref[...].reshape(1, text_ref.shape[-1])
    iota = jax.lax.broadcasted_iota(jnp.int32, row.shape, 1)
    row = jnp.where(iota == a, -1.0, row)
    row = jnp.where(t != 0, row, 0.0)
    rows_ref[...] = row.reshape(rows_ref.shape)


def _extract_call(am, atten, text3):
    B, L, _ = atten.shape
    grid_spec = pltpu.PrefetchScalarGridSpec(
        num_scalar_prefetch=1,
        grid=(B,),
        in_specs=[
            pl.BlockSpec((1, 8, L), lambda b, am_s: (b, am_s[b] // 8, 0)),
            pl.BlockSpec((1, 1, L), lambda b, am_s: (b, 0, 0)),
        ],
        out_specs=pl.BlockSpec((1, 1, L), lambda b, am_s: (b, 0, 0)),
    )
    return pl.pallas_call(
        _extract_kernel,
        grid_spec=grid_spec,
        out_shape=jax.ShapeDtypeStruct((B, 1, L), jnp.float32),
    )(am, atten, text3)


def _topk_kernel(rows_ref, idx_ref, *, k, k_pad):
    v = rows_ref[...]
    B, L = v.shape
    ix = jax.lax.broadcasted_iota(jnp.int32, (B, L), 1)
    ci = jax.lax.broadcasted_iota(jnp.int32, (1, L), 1)

    kk = 2
    while kk <= L:
        j = kk // 2
        while j >= 1:
            bit = (ci & j) != 0
            desc = (ci & kk) == 0
            if kk == L:
                desc = jnp.full_like(bit, True)
            pv = jnp.where(bit, jnp.roll(v, j, axis=1), jnp.roll(v, -j, axis=1))
            px = jnp.where(bit, jnp.roll(ix, j, axis=1), jnp.roll(ix, -j, axis=1))
            lo_v = jnp.where(bit, pv, v)
            hi_v = jnp.where(bit, v, pv)
            lo_i = jnp.where(bit, px, ix)
            hi_i = jnp.where(bit, ix, px)
            good = (lo_v > hi_v) | ((lo_v == hi_v) & (lo_i < hi_i))
            swap = jnp.logical_xor(good, desc)
            v = jnp.where(swap, pv, v)
            ix = jnp.where(swap, px, ix)
            j //= 2
        kk *= 2

    out = ix[:, :k_pad]
    cpad = jax.lax.broadcasted_iota(jnp.int32, (1, k_pad), 1)
    idx_ref[...] = jnp.where(cpad < k, out, -1)


def _topk_call(rows, k, k_pad):
    B, L = rows.shape
    return pl.pallas_call(
        functools.partial(_topk_kernel, k=k, k_pad=k_pad),
        out_shape=jax.ShapeDtypeStruct((B, k_pad), jnp.int32),
    )(rows)


def _gather_stats_kernel(feat_ref, tk_ref, xn_ref, g_ref, s_ref,
                         g_acc, s_acc):
    b = pl.program_id(0)
    nb = pl.num_programs(0)
    f = feat_ref[0]
    tk = tk_ref[0]
    L, D = f.shape
    kp = tk.shape[-1]
    cc = jax.lax.broadcasted_iota(jnp.int32, (L, kp), 0)
    pt = (cc == tk).astype(jnp.float32)
    f_hi = f.astype(jnp.bfloat16).astype(jnp.float32)
    f_lo = f - f_hi
    x = (jax.lax.dot_general(pt, f_hi, (((0,), (0,)), ((), ())),
                             preferred_element_type=jnp.float32)
         + jax.lax.dot_general(pt, f_lo, (((0,), (0,)), ((), ())),
                               preferred_element_type=jnp.float32))
    norm = jnp.sqrt(jnp.sum(x * x, axis=1, keepdims=True)) + 1e-8
    xn = x / norm
    xn_ref[0] = xn

    g_step = jax.lax.dot_general(xn, xn, (((0,), (0,)), ((), ())),
                                 preferred_element_type=jnp.float32)
    s_step = jnp.sum(xn, axis=0, keepdims=True)

    @pl.when(b == 0)
    def _():
        g_acc[...] = jnp.zeros_like(g_acc)
        s_acc[...] = jnp.zeros_like(s_acc)

    g_acc[...] += g_step
    s_acc[...] += s_step

    @pl.when(b == nb - 1)
    def _():
        g_ref[...] = g_acc[...]
        s_ref[...] = s_acc[...]


def _gather_stats_call(features, tk3, k_pad):
    B, L, D = features.shape
    grid = (B,)
    return pl.pallas_call(
        _gather_stats_kernel,
        grid=grid,
        in_specs=[
            pl.BlockSpec((1, L, D), lambda b: (b, 0, 0)),
            pl.BlockSpec((1, 1, k_pad), lambda b: (b, 0, 0)),
        ],
        out_specs=[
            pl.BlockSpec((1, k_pad, D), lambda b: (b, 0, 0)),
            pl.BlockSpec((D, D), lambda b: (0, 0)),
            pl.BlockSpec((1, D), lambda b: (0, 0)),
        ],
        out_shape=[
            jax.ShapeDtypeStruct((B, k_pad, D), jnp.float32),
            jax.ShapeDtypeStruct((D, D), jnp.float32),
            jax.ShapeDtypeStruct((1, D), jnp.float32),
        ],
        scratch_shapes=[
            pltpu.VMEM((D, D), jnp.float32),
            pltpu.VMEM((1, D), jnp.float32),
        ],
    )(features, tk3)


def _final_kernel(xn_ref, g_ref, s_ref, lw_ref, lb_ref, w1_ref, b1_ref,
                  gam_ref, bet_ref, w2_ref, b2_ref, out_ref,
                  scale_scr, shift_scr, *, n_rows):
    b = pl.program_id(0)

    @pl.when(b == 0)
    def _():
        w1 = w1_ref[...]
        s = s_ref[...] / n_rows
        g = g_ref[...] / n_rows
        mean_wx = jax.lax.dot_general(s, w1, (((1,), (1,)), ((), ())),
                                      preferred_element_type=jnp.float32)
        m = jax.lax.dot_general(w1, g, (((1,), (0,)), ((), ())),
                                preferred_element_type=jnp.float32)
        ones = jnp.ones((1, m.shape[1]), jnp.float32)
        e = jax.lax.dot_general(ones, m * w1, (((1,), (1,)), ((), ())),
                                preferred_element_type=jnp.float32)
        var = e - mean_wx * mean_wx
        mean_h = mean_wx + b1_ref[...]
        scale = gam_ref[...] * jax.lax.rsqrt(var + 1e-5)
        scale_scr[...] = scale
        shift_scr[...] = bet_ref[...] - mean_h * scale

    x = xn_ref[0]
    cap = jax.lax.dot_general(x, lw_ref[...], (((1,), (1,)), ((), ())),
                              preferred_element_type=jnp.float32) + lb_ref[...]
    h = jax.lax.dot_general(x, w1_ref[...], (((1,), (1,)), ((), ())),
                            preferred_element_type=jnp.float32) + b1_ref[...]
    h = h * scale_scr[...] + shift_scr[...]
    h = jnp.maximum(h, 0.0)
    out = jax.lax.dot_general(h, w2_ref[...], (((1,), (1,)), ((), ())),
                              preferred_element_type=jnp.float32) + b2_ref[...]
    out_ref[0] = out + cap


def _final_call(xn, g, s, lw, lb, w1, b1, gam, bet, w2, b2, n_rows):
    B, k_pad, D = xn.shape
    DE = lw.shape[0]
    H = w1.shape[0]
    grid = (B,)
    return pl.pallas_call(
        functools.partial(_final_kernel, n_rows=float(n_rows)),
        grid=grid,
        in_specs=[
            pl.BlockSpec((1, k_pad, D), lambda b: (b, 0, 0)),
            pl.BlockSpec((D, D), lambda b: (0, 0)),
            pl.BlockSpec((1, D), lambda b: (0, 0)),
            pl.BlockSpec((DE, D), lambda b: (0, 0)),
            pl.BlockSpec((1, DE), lambda b: (0, 0)),
            pl.BlockSpec((H, D), lambda b: (0, 0)),
            pl.BlockSpec((1, H), lambda b: (0, 0)),
            pl.BlockSpec((1, H), lambda b: (0, 0)),
            pl.BlockSpec((1, H), lambda b: (0, 0)),
            pl.BlockSpec((DE, H), lambda b: (0, 0)),
            pl.BlockSpec((1, DE), lambda b: (0, 0)),
        ],
        out_specs=pl.BlockSpec((1, k_pad, DE), lambda b: (b, 0, 0)),
        out_shape=jax.ShapeDtypeStruct((B, k_pad, DE), jnp.float32),
        scratch_shapes=[
            pltpu.VMEM((1, H), jnp.float32),
            pltpu.VMEM((1, H), jnp.float32),
        ],
    )(xn, g, s, lw, lb, w1, b1, gam, bet, w2, b2)


def kernel(features, text, atten, linear_W, linear_b, mlp_W1, mlp_b1,
           bn_gamma, bn_beta, mlp_W2, mlp_b2):
    B, L, D = features.shape
    k = int((atten.shape[1] - 2) * _RATIO)
    k_pad = ((k + 7) // 8) * 8

    am = _argmax_call(text).reshape(B)
    rows = _extract_call(am, atten, text.reshape(B, 1, L)).reshape(B, L)
    tk = _topk_call(rows, k, k_pad)
    tk3 = tk.reshape(B, 1, k_pad)
    xn, g, s = _gather_stats_call(features, tk3, k_pad)
    out = _final_call(xn, g, s, linear_W, linear_b.reshape(1, -1),
                      mlp_W1, mlp_b1.reshape(1, -1),
                      bn_gamma.reshape(1, -1), bn_beta.reshape(1, -1),
                      mlp_W2, mlp_b2.reshape(1, -1), n_rows=B * k)
    return out[:, :k, :]

# --- scband reference (transcript-rebuilt; emitter-appended) ---
"""Pipeline reference for scband-texual-embedding-layer-18399639896074 (READ-ONLY COPY).

The authoritative reference and input builder live on the scoring server;
editing this copy changes nothing except your own understanding.
"""

import jax, jax.numpy as jnp
import numpy as np

B, L, D_IN, D_EMB = 128, 512, 512, 1024
H = D_EMB // 2
RATIO = 0.3


def setup_inputs(seed: int = 0) -> dict:
    key = jax.random.key(seed)
    ks = jax.random.split(key, 8)
    features = jax.random.normal(ks[0], (B, L, D_IN), dtype=jnp.float32)
    # note: spec dtype is int64; use int32 in jax (x64 disabled by default), values identical in range
    text = jax.random.randint(ks[1], (B, L), 0, 49408, dtype=jnp.int32)
    atten = jax.random.uniform(ks[2], (B, L, L), dtype=jnp.float32)
    linear_W = jax.random.normal(ks[3], (D_EMB, D_IN), dtype=jnp.float32) * 0.02
    linear_b = jnp.zeros((D_EMB,), dtype=jnp.float32)
    mlp_W1 = jax.random.normal(ks[4], (H, D_IN), dtype=jnp.float32) * 0.02
    mlp_b1 = jnp.zeros((H,), dtype=jnp.float32)
    bn_gamma = jnp.ones((H,), dtype=jnp.float32)
    bn_beta = jnp.zeros((H,), dtype=jnp.float32)
    mlp_W2 = jax.random.normal(ks[5], (D_EMB, H), dtype=jnp.float32) * 0.02
    mlp_b2 = jnp.zeros((D_EMB,), dtype=jnp.float32)
    return {"features": features, "text": text, "atten": atten,
            "linear_W": linear_W, "linear_b": linear_b,
            "mlp_W1": mlp_W1, "mlp_b1": mlp_b1,
            "bn_gamma": bn_gamma, "bn_beta": bn_beta,
            "mlp_W2": mlp_W2, "mlp_b2": mlp_b2}


def reference(features, text, atten, linear_W, linear_b, mlp_W1, mlp_b1, bn_gamma, bn_beta, mlp_W2, mlp_b2):
    bs, Lq, D = features.shape
    k = int((atten.shape[1] - 2) * RATIO)  # static
    mask = (text != 0).astype(atten.dtype)
    am = jnp.argmax(text, axis=-1)  # [B]
    bidx = jnp.arange(bs)
    # atten[arange(bs), :, text.argmax(-1)] = -1
    atten = atten.at[bidx, :, am].set(-1.0)
    # atten = atten[arange(bs), text.argmax(-1), :]
    atten = atten[bidx, am, :]  # [B, L]
    atten = atten * mask
    _, topk_idx = jax.lax.top_k(atten, k)  # [B, k]
    feats = jnp.take_along_axis(features, topk_idx[:, :, None], axis=1)  # [B, k, D]
    # l2norm over last dim
    norm = jnp.sqrt(jnp.sum(feats ** 2, axis=-1, keepdims=True)) + 1e-8
    feats = feats / norm
    # cap_emb = linear(features.half())
    cap_emb = feats.astype(jnp.float16) @ linear_W.T + linear_b  # promotes to fp32
    # MLP: Linear -> BN (train-mode batch stats) -> ReLU -> Linear
    x = feats.reshape(bs * k, D)
    h = x @ mlp_W1.T + mlp_b1
    mean = jnp.mean(h, axis=0)
    var = jnp.var(h, axis=0)
    h = (h - mean) / jnp.sqrt(var + 1e-5) * bn_gamma + bn_beta
    h = jax.nn.relu(h)
    out = h @ mlp_W2.T + mlp_b2
    out = out.reshape(bs, k, D_EMB)
    res = (out + cap_emb).astype(jnp.float32)
    return res

if __name__ == "__main__":
    import jax
    _d = setup_inputs()
    print(jax.jit(kernel)(*tuple(_d.values())))

</pallas_src>

<mosaic_0001>
module attributes {stable_mosaic.version = 14 : i64} {
  func.func @_extract_kernel(%arg0: i32, %arg1: memref<128xi32, #tpu.memory_space<smem>>, %arg2: memref<1x8x512xf32, #tpu.memory_space<vmem>>, %arg3: memref<1x1x512xi32, #tpu.memory_space<vmem>>, %arg4: memref<1x1x512xf32, #tpu.memory_space<vmem>>) attributes {dimension_semantics = [#tpu.dimension_semantics<arbitrary>], iteration_bounds = array<i64: 128>, scalar_prefetch = 1 : i64, scratch_operands = 0 : i64, tpu.core_type = #tpu.core_type<tc>, window_params = [{transform_indices = @transform_0, window_bounds = array<i64: 1, 8, 512>}, {transform_indices = @transform_1, window_bounds = array<i64: 1, 1, 512>}, {transform_indices = @transform_2, window_bounds = array<i64: 1, 1, 512>}]} {
    %get3A = arith.index_cast %arg0 : i32 to index
    %get3A_0 = memref.load %arg1[%get3A] : memref<128xi32, #tpu.memory_space<smem>>
    %jit3A = arith.constant 8 : i32
    %eq3A = arith.constant 0 : i32
    %eq3A_1 = arith.cmpi eq, %jit3A, %eq3A : i32
    %jit3A_2 = arith.constant 1 : i32
    %select_n3A = arith.select %eq3A_1, %jit3A_2, %jit3A : i32
    %rem3A = arith.remsi %get3A_0, %select_n3A : i32
    %ne3A = arith.constant 0 : i32
    %ne3A_3 = arith.cmpi ne, %rem3A, %ne3A : i32
    %lt3A = arith.constant 0 : i32
    %lt3A_4 = arith.cmpi slt, %rem3A, %lt3A : i32
    %lt3A_5 = arith.constant 0 : i32
    %lt3A_6 = arith.cmpi slt, %select_n3A, %lt3A_5 : i32
    %ne3A_7 = arith.xori %lt3A_4, %lt3A_6 : i1
    %and3A = arith.andi %ne3A_7, %ne3A_3 : i1
    %add3A = arith.addi %rem3A, %select_n3A : i32
    %select_n3A_8 = arith.select %and3A, %add3A, %rem3A : i32
    %get3A_9 = arith.constant 0 : index
    %get3A_10 = arith.index_cast %select_n3A_8 : i32 to index
    %get3A_11 = arith.constant 0 : index
    %get3A_12 = vector.load %arg2[%get3A_9, %get3A_10, %get3A_11] : memref<1x8x512xf32, #tpu.memory_space<vmem>>, vector<1x1x512xf32>
    %get3A_13 = vector.shape_cast %get3A_12 : vector<1x1x512xf32> to vector<1x512xf32>
    %get3A_14 = arith.constant 0 : index
    %get3A_15 = arith.constant 0 : index
    %get3A_16 = arith.constant 0 : index
    %get3A_17 = vector.load %arg3[%get3A_14, %get3A_15, %get3A_16] : memref<1x1x512xi32, #tpu.memory_space<vmem>>, vector<1x1x512xi32>
    %reshape3A = vector.shape_cast %get3A_17 : vector<1x1x512xi32> to vector<1x512xi32>
    %iota3A = tpu.iota {dimensions = array<i32: 1>} : vector<1x512xi32>
    %eq3A_18 = vector.broadcast %get3A_0 : i32 to vector<1x512xi32>
    %eq3A_19 = arith.cmpi eq, %iota3A, %eq3A_18 : vector<1x512xi32>
    %jit3A_20 = arith.constant -1.000000e+00 : f32
    %broadcast_in_dim3A = vector.broadcast %jit3A_20 : f32 to vector<1x512xf32>
    %select_n3A_21 = arith.select %eq3A_19, %broadcast_in_dim3A, %get3A_13 : vector<1x512xi1>, vector<1x512xf32>
    %ne3A_22 = arith.constant 0 : i32
    %ne3A_23 = vector.broadcast %ne3A_22 : i32 to vector<1x512xi32>
    %ne3A_24 = arith.cmpi ne, %reshape3A, %ne3A_23 : vector<1x512xi32>
    %jit3A_25 = arith.constant 0.000000e+00 : f32
    %broadcast_in_dim3A_26 = vector.broadcast %jit3A_25 : f32 to vector<1x512xf32>
    %select_n3A_27 = arith.select %ne3A_24, %select_n3A_21, %broadcast_in_dim3A_26 : vector<1x512xi1>, vector<1x512xf32>
    %reshape3A_28 = vector.shape_cast %select_n3A_27 : vector<1x512xf32> to vector<1x1x512xf32>
    %swap3A = arith.constant 0 : index
    %swap3A_29 = arith.constant 0 : index
    %swap3A_30 = arith.constant 0 : index
    %swap3A_31 = vector.load %arg4[%swap3A, %swap3A_29, %swap3A_30] : memref<1x1x512xf32, #tpu.memory_space<vmem>>, vector<1x1x512xf32>
    tpu.vector_store %arg4[%swap3A, %swap3A_29, %swap3A_30], %reshape3A_28 {strides = array<i32>} : memref<1x1x512xf32, #tpu.memory_space<vmem>>, vector<1x1x512xf32>,
    return
  }
  func.func @transform_0(%arg0: i32, %arg1: memref<128xi32, #tpu.memory_space<smem>>) -> (i32, i32, i32) {
    %get3A = arith.index_cast %arg0 : i32 to index
    %get3A_0 = memref.load %arg1[%get3A] : memref<128xi32, #tpu.memory_space<smem>>
    %jit3A = arith.constant 8 : i32
    %div3A = arith.divsi %get3A_0, %jit3A : i32
    %sign3A = arith.constant 0 : i32
    %sign3A_1 = arith.cmpi sgt, %get3A_0, %sign3A : i32
    %sign3A_2 = arith.extui %sign3A_1 : i1 to i32
    %sign3A_3 = arith.constant 0 : i32
    %sign3A_4 = arith.cmpi slt, %get3A_0, %sign3A_3 : i32
    %sign3A_5 = arith.extui %sign3A_4 : i1 to i32
    %sign3A_6 = arith.subi %sign3A_2, %sign3A_5 : i32
    %sign3A_7 = arith.constant 0 : i32
    %sign3A_8 = arith.cmpi sgt, %jit3A, %sign3A_7 : i32
    %sign3A_9 = arith.extui %sign3A_8 : i1 to i32
    %sign3A_10 = arith.constant 0 : i32
    %sign3A_11 = arith.cmpi slt, %jit3A, %sign3A_10 : i32
    %sign3A_12 = arith.extui %sign3A_11 : i1 to i32
    %sign3A_13 = arith.subi %sign3A_9, %sign3A_12 : i32
    %ne3A = arith.cmpi ne, %sign3A_6, %sign3A_13 : i32
    %rem3A = arith.remsi %get3A_0, %jit3A : i32
    %ne3A_14 = arith.constant 0 : i32
    %ne3A_15 = arith.cmpi ne, %rem3A, %ne3A_14 : i32
    %and3A = arith.andi %ne3A, %ne3A_15 : i1
    %sub3A = arith.constant 1 : i32
    %sub3A_16 = arith.subi %div3A, %sub3A : i32
    %select_n3A = arith.select %and3A, %sub3A_16, %div3A : i32
    %c0_i32 = arith.constant 0 : i32
    %c0_i32_17 = arith.constant 0 : i32
    return %arg0, %select_n3A, %c0_i32 : i32, i32, i32
  }
  func.func @transform_1(%arg0: i32, %arg1: memref<128xi32, #tpu.memory_space<smem>>) -> (i32, i32, i32) {
    %c0_i32 = arith.constant 0 : i32
    %c0_i32_0 = arith.constant 0 : i32
    %c0_i32_1 = arith.constant 0 : i32
    return %arg0, %c0_i32, %c0_i32_0 : i32, i32, i32
  }
  func.func @transform_2(%arg0: i32, %arg1: memref<128xi32, #tpu.memory_space<smem>>) -> (i32, i32, i32) {
    %c0_i32 = arith.constant 0 : i32
    %c0_i32_0 = arith.constant 0 : i32
    %c0_i32_1 = arith.constant 0 : i32
    return %arg0, %c0_i32, %c0_i32_0 : i32, i32, i32
  }
}

module attributes {stable_mosaic.version = 14 : i64} {
  func.func @_argmax_kernel(%arg0: memref<128x512xi32, #tpu.memory_space<vmem>>, %arg1: memref<128x1xi32, #tpu.memory_space<vmem>>) attributes {dimension_semantics = [], scalar_prefetch = 0 : i64, scratch_operands = 0 : i64, tpu.core_type = #tpu.core_type<tc>} {
    %get3A = arith.constant 0 : index
    %get3A_0 = arith.constant 0 : index
    %get3A_1 = vector.load %arg0[%get3A, %get3A_0] : memref<128x512xi32, #tpu.memory_space<vmem>>, vector<128x512xi32>
    %reduce_max3A = arith.constant dense<-2147483648> : vector<128xi32>
    %reduce_max3A_2 = vector.multi_reduction <maxsi>, %get3A_1, %reduce_max3A [1] : vector<128x512xi32> to vector<128xi32>
    %broadcast_in_dim3A = vector.shape_cast %reduce_max3A_2 : vector<128xi32> to vector<128x1xi32>
    %iota3A = tpu.iota {dimensions = array<i32: 1>} : vector<128x512xi32>
    %eq3A = vector.broadcast %broadcast_in_dim3A : vector<128x1xi32> to vector<128x512xi32>
    %eq3A_3 = arith.cmpi eq, %get3A_1, %eq3A : vector<128x512xi32>
    %jit3A = arith.constant 512 : i32
    %broadcast_in_dim3A_4 = vector.broadcast %jit3A : i32 to vector<128x512xi32>
    %select_n3A = arith.select %eq3A_3, %iota3A, %broadcast_in_dim3A_4 : vector<128x512xi1>, vector<128x512xi32>
    %reduce_min3A = arith.constant dense<2147483647> : vector<128xi32>
    %reduce_min3A_5 = vector.multi_reduction <minsi>, %select_n3A, %reduce_min3A [1] : vector<128x512xi32> to vector<128xi32>
    %broadcast_in_dim3A_6 = vector.shape_cast %reduce_min3A_5 : vector<128xi32> to vector<128x1xi32>
    %swap3A = arith.constant 0 : index
    %swap3A_7 = arith.constant 0 : index
    %swap3A_8 = vector.load %arg1[%swap3A, %swap3A_7] : memref<128x1xi32, #tpu.memory_space<vmem>>, vector<128x1xi32>
    tpu.vector_store %arg1[%swap3A, %swap3A_7], %broadcast_in_dim3A_6 {strides = array<i32>} : memref<128x1xi32, #tpu.memory_space<vmem>>, vector<128x1xi32>,
    return
  }
}

module attributes {stable_mosaic.version = 14 : i64} {
  func.func @_topk_kernel(%arg0: memref<128x512xf32, #tpu.memory_space<vmem>>, %arg1: memref<128x160xi32, #tpu.memory_space<vmem>>) attributes {dimension_semantics = [], scalar_prefetch = 0 : i64, scratch_operands = 0 : i64, tpu.core_type = #tpu.core_type<tc>} {
    %get3A = arith.constant 0 : index
    %get3A_0 = arith.constant 0 : index
    %get3A_1 = vector.load %arg0[%get3A, %get3A_0] : memref<128x512xf32, #tpu.memory_space<vmem>>, vector<128x512xf32>
    %iota3A = tpu.iota {dimensions = array<i32: 1>} : vector<128x512xi32>
    %iota3A_2 = tpu.iota {dimensions = array<i32: 1>} : vector<1x512xi32>
    %and3A = arith.constant 1 : i32
    %and3A_3 = vector.broadcast %and3A : i32 to vector<1x512xi32>
    %and3A_4 = arith.andi %iota3A_2, %and3A_3 : vector<1x512xi32>
    %ne3A = arith.constant 0 : i32
    %ne3A_5 = vector.broadcast %ne3A : i32 to vector<1x512xi32>
    %ne3A_6 = arith.cmpi ne, %and3A_4, %ne3A_5 : vector<1x512xi32>
    %and3A_7 = arith.constant 2 : i32
    %and3A_8 = vector.broadcast %and3A_7 : i32 to vector<1x512xi32>
    %and3A_9 = arith.andi %iota3A_2, %and3A_8 : vector<1x512xi32>
    %eq3A = arith.constant 0 : i32
    %eq3A_10 = vector.broadcast %eq3A : i32 to vector<1x512xi32>
    %eq3A_11 = arith.cmpi eq, %and3A_9, %eq3A_10 : vector<1x512xi32>
    %slice3A = vector.extract_strided_slice %get3A_1 {offsets = [0, 511], sizes = [128, 1], strides = [1, 1]} : vector<128x512xf32> to vector<128x1xf32>
    %slice3A_12 = vector.extract_strided_slice %get3A_1 {offsets = [0, 0], sizes = [128, 511], strides = [1, 1]} : vector<128x512xf32> to vector<128x511xf32>
    %concatenate3A = tpu.concatenate %slice3A, %slice3A_12 in 1 : vector<128x1xf32>, vector<128x511xf32> -> vector<128x512xf32>
    %slice3A_13 = vector.extract_strided_slice %get3A_1 {offsets = [0, 1], sizes = [128, 511], strides = [1, 1]} : vector<128x512xf32> to vector<128x511xf32>
    %slice3A_14 = vector.extract_strided_slice %get3A_1 {offsets = [0, 0], sizes = [128, 1], strides = [1, 1]} : vector<128x512xf32> to vector<128x1xf32>
    %concatenate3A_15 = tpu.concatenate %slice3A_13, %slice3A_14 in 1 : vector<128x511xf32>, vector<128x1xf32> -> vector<128x512xf32>
    %broadcast_in_dim3A = vector.shape_cast %ne3A_6 : vector<1x512xi1> to vector<1x512xi1>
    %broadcast_in_dim3A_16 = vector.broadcast %broadcast_in_dim3A : vector<1x512xi1> to vector<128x512xi1>
    %select_n3A = arith.select %broadcast_in_dim3A_16, %concatenate3A, %concatenate3A_15 : vector<128x512xi1>, vector<128x512xf32>
    %slice3A_17 = vector.extract_strided_slice %iota3A {offsets = [0, 511], sizes = [128, 1], strides = [1, 1]} : vector<128x512xi32> to vector<128x1xi32>
    %slice3A_18 = vector.extract_strided_slice %iota3A {offsets = [0, 0], sizes = [128, 511], strides = [1, 1]} : vector<128x512xi32> to vector<128x511xi32>
    %concatenate3A_19 = tpu.concatenate %slice3A_17, %slice3A_18 in 1 : vector<128x1xi32>, vector<128x511xi32> -> vector<128x512xi32>
    %slice3A_20 = vector.extract_strided_slice %iota3A {offsets = [0, 1], sizes = [128, 511], strides = [1, 1]} : vector<128x512xi32> to vector<128x511xi32>
    %slice3A_21 = vector.extract_strided_slice %iota3A {offsets = [0, 0], sizes = [128, 1], strides = [1, 1]} : vector<128x512xi32> to vector<128x1xi32>
    %concatenate3A_22 = tpu.concatenate %slice3A_20, %slice3A_21 in 1 : vector<128x511xi32>, vector<128x1xi32> -> vector<128x512xi32>
    %broadcast_in_dim3A_23 = vector.shape_cast %ne3A_6 : vector<1x512xi1> to vector<1x512xi1>
    %broadcast_in_dim3A_24 = vector.broadcast %broadcast_in_dim3A_23 : vector<1x512xi1> to vector<128x512xi1>
    %select_n3A_25 = arith.select %broadcast_in_dim3A_24, %concatenate3A_19, %concatenate3A_22 : vector<128x512xi1>, vector<128x512xi32>
    %broadcast_in_dim3A_26 = vector.shape_cast %ne3A_6 : vector<1x512xi1> to vector<1x512xi1>
    %broadcast_in_dim3A_27 = vector.broadcast %broadcast_in_dim3A_26 : vector<1x512xi1> to vector<128x512xi1>
    %select_n3A_28 = arith.select %broadcast_in_dim3A_27, %select_n3A, %get3A_1 : vector<128x512xi1>, vector<128x512xf32>
    %broadcast_in_dim3A_29 = vector.shape_cast %ne3A_6 : vector<1x512xi1> to vector<1x512xi1>
    %broadcast_in_dim3A_30 = vector.broadcast %broadcast_in_dim3A_29 : vector<1x512xi1> to vector<128x512xi1>
    %select_n3A_31 = arith.select %broadcast_in_dim3A_30, %get3A_1, %select_n3A : vector<128x512xi1>, vector<128x512xf32>
    %broadcast_in_dim3A_32 = vector.shape_cast %ne3A_6 : vector<1x512xi1> to vector<1x512xi1>
    %broadcast_in_dim3A_33 = vector.broadcast %broadcast_in_dim3A_32 : vector<1x512xi1> to vector<128x512xi1>
    %select_n3A_34 = arith.select %broadcast_in_dim3A_33, %select_n3A_25, %iota3A : vector<128x512xi1>, vector<128x512xi32>
    %broadcast_in_dim3A_35 = vector.shape_cast %ne3A_6 : vector<1x512xi1> to vector<1x512xi1>
    %broadcast_in_dim3A_36 = vector.broadcast %broadcast_in_dim3A_35 : vector<1x512xi1> to vector<128x512xi1>
    %select_n3A_37 = arith.select %broadcast_in_dim3A_36, %iota3A, %select_n3A_25 : vector<128x512xi1>, vector<128x512xi32>
    %gt3A = arith.cmpf ogt, %select_n3A_28, %select_n3A_31 : vector<128x512xf32>
    %eq3A_38 = arith.cmpf oeq, %select_n3A_28, %select_n3A_31 : vector<128x512xf32>
    %lt3A = arith.cmpi slt, %select_n3A_34, %select_n3A_37 : vector<128x512xi32>
    %and3A_39 = arith.andi %eq3A_38, %lt3A : vector<128x512xi1>
    %or3A = arith.ori %gt3A, %and3A_39 : vector<128x512xi1>
    %xor3A = vector.broadcast %eq3A_11 : vector<1x512xi1> to vector<128x512xi1>
    %xor3A_40 = arith.xori %or3A, %xor3A : vector<128x512xi1>
    %select_n3A_41 = arith.select %xor3A_40, %select_n3A, %get3A_1 : vector<128x512xi1>, vector<128x512xf32>
    %select_n3A_42 = arith.select %xor3A_40, %select_n3A_25, %iota3A : vector<128x512xi1>, vector<128x512xi32>
    %and3A_43 = arith.constant 2 : i32
    %and3A_44 = vector.broadcast %and3A_43 : i32 to vector<1x512xi32>
    %and3A_45 = arith.andi %iota3A_2, %and3A_44 : vector<1x512xi32>
    %ne3A_46 = arith.constant 0 : i32
    %ne3A_47 = vector.broadcast %ne3A_46 : i32 to vector<1x512xi32>
    %ne3A_48 = arith.cmpi ne, %and3A_45, %ne3A_47 : vector<1x512xi32>
    %and3A_49 = arith.constant 4 : i32
    %and3A_50 = vector.broadcast %and3A_49 : i32 to vector<1x512xi32>
    %and3A_51 = arith.andi %iota3A_2, %and3A_50 : vector<1x512xi32>
    %eq3A_52 = arith.constant 0 : i32
    %eq3A_53 = vector.broadcast %eq3A_52 : i32 to vector<1x512xi32>
    %eq3A_54 = arith.cmpi eq, %and3A_51, %eq3A_53 : vector<1x512xi32>
    %slice3A_55 = vector.extract_strided_slice %select_n3A_41 {offsets = [0, 510], sizes = [128, 2], strides = [1, 1]} : vector<128x512xf32> to vector<128x2xf32>
    %slice3A_56 = vector.extract_strided_slice %select_n3A_41 {offsets = [0, 0], sizes = [128, 510], strides = [1, 1]} : vector<128x512xf32> to vector<128x510xf32>
    %concatenate3A_57 = tpu.concatenate %slice3A_55, %slice3A_56 in 1 : vector<128x2xf32>, vector<128x510xf32> -> vector<128x512xf32>
    %slice3A_58 = vector.extract_strided_slice %select_n3A_41 {offsets = [0, 2], sizes = [128, 510], strides = [1, 1]} : vector<128x512xf32> to vector<128x510xf32>
    %slice3A_59 = vector.extract_strided_slice %select_n3A_41 {offsets = [0, 0], sizes = [128, 2], strides = [1, 1]} : vector<128x512xf32> to vector<128x2xf32>
    %concatenate3A_60 = tpu.concatenate %slice3A_58, %slice3A_59 in 1 : vector<128x510xf32>, vector<128x2xf32> -> vector<128x512xf32>
    %broadcast_in_dim3A_61 = vector.shape_cast %ne3A_48 : vector<1x512xi1> to vector<1x512xi1>
    %broadcast_in_dim3A_62 = vector.broadcast %broadcast_in_dim3A_61 : vector<1x512xi1> to vector<128x512xi1>
    %select_n3A_63 = arith.select %broadcast_in_dim3A_62, %concatenate3A_57, %concatenate3A_60 : vector<128x512xi1>, vector<128x512xf32>
    %slice3A_64 = vector.extract_strided_slice %select_n3A_42 {offsets = [0, 510], sizes = [128, 2], strides = [1, 1]} : vector<128x512xi32> to vector<128x2xi32>
    %slice3A_65 = vector.extract_strided_slice %select_n3A_42 {offsets = [0, 0], sizes = [128, 510], strides = [1, 1]} : vector<128x512xi32> to vector<128x510xi32>
    %concatenate3A_66 = tpu.concatenate %slice3A_64, %slice3A_65 in 1 : vector<128x2xi32>, vector<128x510xi32> -> vector<128x512xi32>
    %slice3A_67 = vector.extract_strided_slice %select_n3A_42 {offsets = [0, 2], sizes = [128, 510], strides = [1, 1]} : vector<128x512xi32> to vector<128x510xi32>
    %slice3A_68 = vector.extract_strided_slice %select_n3A_42 {offsets = [0, 0], sizes = [128, 2], strides = [1, 1]} : vector<128x512xi32> to vector<128x2xi32>
    %concatenate3A_69 = tpu.concatenate %slice3A_67, %slice3A_68 in 1 : vector<128x510xi32>, vector<128x2xi32> -> vector<128x512xi32>
    %broadcast_in_dim3A_70 = vector.shape_cast %ne3A_48 : vector<1x512xi1> to vector<1x512xi1>
    %broadcast_in_dim3A_71 = vector.broadcast %broadcast_in_dim3A_70 : vector<1x512xi1> to vector<128x512xi1>
    %select_n3A_72 = arith.select %broadcast_in_dim3A_71, %concatenate3A_66, %concatenate3A_69 : vector<128x512xi1>, vector<128x512xi32>
    %broadcast_in_dim3A_73 = vector.shape_cast %ne3A_48 : vector<1x512xi1> to vector<1x512xi1>
    %broadcast_in_dim3A_74 = vector.broadcast %broadcast_in_dim3A_73 : vector<1x512xi1> to vector<128x512xi1>
    %select_n3A_75 = arith.select %broadcast_in_dim3A_74, %select_n3A_63, %select_n3A_41 : vector<128x512xi1>, vector<128x512xf32>
    %broadcast_in_dim3A_76 = vector.shape_cast %ne3A_48 : vector<1x512xi1> to vector<1x512xi1>
    %broadcast_in_dim3A_77 = vector.broadcast %broadcast_in_dim3A_76 : vector<1x512xi1> to vector<128x512xi1>
    %select_n3A_78 = arith.select %broadcast_in_dim3A_77, %select_n3A_41, %select_n3A_63 : vector<128x512xi1>, vector<128x512xf32>
    %broadcast_in_dim3A_79 = vector.shape_cast %ne3A_48 : vector<1x512xi1> to vector<1x512xi1>
    %broadcast_in_dim3A_80 = vector.broadcast %broadcast_in_dim3A_79 : vector<1x512xi1> to vector<128x512xi1>
    %select_n3A_81 = arith.select %broadcast_in_dim3A_80, %select_n3A_72, %select_n3A_42 : vector<128x512xi1>, vector<128x512xi32>
    %broadcast_in_dim3A_82 = vector.shape_cast %ne3A_48 : vector<1x512xi1> to vector<1x512xi1>
    %broadcast_in_dim3A_83 = vector.broadcast %broadcast_in_dim3A_82 : vector<1x512xi1> to vector<128x512xi1>
    %select_n3A_84 = arith.select %broadcast_in_dim3A_83, %select_n3A_42, %select_n3A_72 : vector<128x512xi1>, vector<128x512xi32>
    %gt3A_85 = arith.cmpf ogt, %select_n3A_75, %select_n3A_78 : vector<128x512xf32>
    %eq3A_86 = arith.cmpf oeq, %select_n3A_75, %select_n3A_78 : vector<128x512xf32>
    %lt3A_87 = arith.cmpi slt, %select_n3A_81, %select_n3A_84 : vector<128x512xi32>
    %and3A_88 = arith.andi %eq3A_86, %lt3A_87 : vector<128x512xi1>
    %or3A_89 = arith.ori %gt3A_85, %and3A_88 : vector<128x512xi1>
    %xor3A_90 = vector.broadcast %eq3A_54 : vector<1x512xi1> to vector<128x512xi1>
    %xor3A_91 = arith.xori %or3A_89, %xor3A_90 : vector<128x512xi1>
    %select_n3A_92 = arith.select %xor3A_91, %select_n3A_63, %select_n3A_41 : vector<128x512xi1>, vector<128x512xf32>
    %select_n3A_93 = arith.select %xor3A_91, %select_n3A_72, %select_n3A_42 : vector<128x512xi1>, vector<128x512xi32>
    %and3A_94 = arith.constant 1 : i32
    %and3A_95 = vector.broadcast %and3A_94 : i32 to vector<1x512xi32>
    %and3A_96 = arith.andi %iota3A_2, %and3A_95 : vector<1x512xi32>
    %ne3A_97 = arith.constant 0 : i32
    %ne3A_98 = vector.broadcast %ne3A_97 : i32 to vector<1x512xi32>
    %ne3A_99 = arith.cmpi ne, %and3A_96, %ne3A_98 : vector<1x512xi32>
    %and3A_100 = arith.constant 4 : i32
    %and3A_101 = vector.broadcast %and3A_100 : i32 to vector<1x512xi32>
    %and3A_102 = arith.andi %iota3A_2, %and3A_101 : vector<1x512xi32>
    %eq3A_103 = arith.constant 0 : i32
    %eq3A_104 = vector.broadcast %eq3A_103 : i32 to vector<1x512xi32>
    %eq3A_105 = arith.cmpi eq, %and3A_102, %eq3A_104 : vector<1x512xi32>
    %slice3A_106 = vector.extract_strided_slice %select_n3A_92 {offsets = [0, 511], sizes = [128, 1], strides = [1, 1]} : vector<128x512xf32> to vector<128x1xf32>
    %slice3A_107 = vector.extract_strided_slice %select_n3A_92 {offsets = [0, 0], sizes = [128, 511], strides = [1, 1]} : vector<128x512xf32> to vector<128x511xf32>
    %concatenate3A_108 = tpu.concatenate %slice3A_106, %slice3A_107 in 1 : vector<128x1xf32>, vector<128x511xf32> -> vector<128x512xf32>
    %slice3A_109 = vector.extract_strided_slice %select_n3A_92 {offsets = [0, 1], sizes = [128, 511], strides = [1, 1]} : vector<128x512xf32> to vector<128x511xf32>
    %slice3A_110 = vector.extract_strided_slice %select_n3A_92 {offsets = [0, 0], sizes = [128, 1], strides = [1, 1]} : vector<128x512xf32> to vector<128x1xf32>
    %concatenate3A_111 = tpu.concatenate %slice3A_109, %slice3A_110 in 1 : vector<128x511xf32>, vector<128x1xf32> -> vector<128x512xf32>
    %broadcast_in_dim3A_112 = vector.shape_cast %ne3A_99 : vector<1x512xi1> to vector<1x512xi1>
    %broadcast_in_dim3A_113 = vector.broadcast %broadcast_in_dim3A_112 : vector<1x512xi1> to vector<128x512xi1>
    %select_n3A_114 = arith.select %broadcast_in_dim3A_113, %concatenate3A_108, %concatenate3A_111 : vector<128x512xi1>, vector<128x512xf32>
    %slice3A_115 = vector.extract_strided_slice %select_n3A_93 {offsets = [0, 511], sizes = [128, 1], strides = [1, 1]} : vector<128x512xi32> to vector<128x1xi32>
    %slice3A_116 = vector.extract_strided_slice %select_n3A_93 {offsets = [0, 0], sizes = [128, 511], strides = [1, 1]} : vector<128x512xi32> to vector<128x511xi32>
    %concatenate3A_117 = tpu.concatenate %slice3A_115, %slice3A_116 in 1 : vector<128x1xi32>, vector<128x511xi32> -> vector<128x512xi32>
    %slice3A_118 = vector.extract_strided_slice %select_n3A_93 {offsets = [0, 1], sizes = [128, 511], strides = [1, 1]} : vector<128x512xi32> to vector<128x511xi32>
    %slice3A_119 = vector.extract_strided_slice %select_n3A_93 {offsets = [0, 0], sizes = [128, 1], strides = [1, 1]} : vector<128x512xi32> to vector<128x1xi32>
    %concatenate3A_120 = tpu.concatenate %slice3A_118, %slice3A_119 in 1 : vector<128x511xi32>, vector<128x1xi32> -> vector<128x512xi32>
    %broadcast_in_dim3A_121 = vector.shape_cast %ne3A_99 : vector<1x512xi1> to vector<1x512xi1>
    %broadcast_in_dim3A_122 = vector.broadcast %broadcast_in_dim3A_121 : vector<1x512xi1> to vector<128x512xi1>
    %select_n3A_123 = arith.select %broadcast_in_dim3A_122, %concatenate3A_117, %concatenate3A_120 : vector<128x512xi1>, vector<128x512xi32>
    %broadcast_in_dim3A_124 = vector.shape_cast %ne3A_99 : vector<1x512xi1> to vector<1x512xi1>
    %broadcast_in_dim3A_125 = vector.broadcast %broadcast_in_dim3A_124 : vector<1x512xi1> to vector<128x512xi1>
    %select_n3A_126 = arith.select %broadcast_in_dim3A_125, %select_n3A_114, %select_n3A_92 : vector<128x512xi1>, vector<128x512xf32>
    %broadcast_in_dim3A_127 = vector.shape_cast %ne3A_99 : vector<1x512xi1> to vector<1x512xi1>
    %broadcast_in_dim3A_128 = vector.broadcast %broadcast_in_dim3A_127 : vector<1x512xi1> to vector<128x512xi1>
    %select_n3A_129 = arith.select %broadcast_in_dim3A_128, %select_n3A_92, %select_n3A_114 : vector<128x512xi1>, vector<128x512xf32>
    %broadcast_in_dim3A_130 = vector.shape_cast %ne3A_99 : vector<1x512xi1> to vector<1x512xi1>
    %broadcast_in_dim3A_131 = vector.broadcast %broadcast_in_dim3A_130 : vector<1x512xi1> to vector<128x512xi1>
    %select_n3A_132 = arith.select %broadcast_in_dim3A_131, %select_n3A_123, %select_n3A_93 : vector<128x512xi1>, vector<128x512xi32>
    %broadcast_in_dim3A_133 = vector.shape_cast %ne3A_99 : vector<1x512xi1> to vector<1x512xi1>
    %broadcast_in_dim3A_134 = vector.broadcast %broadcast_in_dim3A_133 : vector<1x512xi1> to vector<128x512xi1>
    %select_n3A_135 = arith.select %broadcast_in_dim3A_134, %select_n3A_93, %select_n3A_123 : vector<128x512xi1>, vector<128x512xi32>
    %gt3A_136 = arith.cmpf ogt, %select_n3A_126, %select_n3A_129 : vector<128x512xf32>
    %eq3A_137 = arith.cmpf oeq, %select_n3A_126, %select_n3A_129 : vector<128x512xf32>
    %lt3A_138 = arith.cmpi slt, %select_n3A_132, %select_n3A_135 : vector<128x512xi32>
    %and3A_139 = arith.andi %eq3A_137, %lt3A_138 : vector<128x512xi1>
    %or3A_140 = arith.ori %gt3A_136, %and3A_139 : vector<128x512xi1>
    %xor3A_141 = vector.broadcast %eq3A_105 : vector<1x512xi1> to vector<128x512xi1>
    %xor3A_142 = arith.xori %or3A_140, %xor3A_141 : vector<128x512xi1>
    %select_n3A_143 = arith.select %xor3A_142, %select_n3A_114, %select_n3A_92 : vector<128x512xi1>, vector<128x512xf32>
    %select_n3A_144 = arith.select %xor3A_142, %select_n3A_123, %select_n3A_93 : vector<128x512xi1>, vector<128x512xi32>
    %and3A_145 = arith.constant 4 : i32
    %and3A_146 = vector.broadcast %and3A_145 : i32 to vector<1x512xi32>
    %and3A_147 = arith.andi %iota3A_2, %and3A_146 : vector<1x512xi32>
    %ne3A_148 = arith.constant 0 : i32
    %ne3A_149 = vector.broadcast %ne3A_148 : i32 to vector<1x512xi32>
    %ne3A_150 = arith.cmpi ne, %and3A_147, %ne3A_149 : vector<1x512xi32>
    %and3A_151 = arith.constant 8 : i32
    %and3A_152 = vector.broadcast %and3A_151 : i32 to vector<1x512xi32>
    %and3A_153 = arith.andi %iota3A_2, %and3A_152 : vector<1x512xi32>
    %eq3A_154 = arith.constant 0 : i32
    %eq3A_155 = vector.broadcast %eq3A_154 : i32 to vector<1x512xi32>
    %eq3A_156 = arith.cmpi eq, %and3A_153, %eq3A_155 : vector<1x512xi32>
    %slice3A_157 = vector.extract_strided_slice %select_n3A_143 {offsets = [0, 508], sizes = [128, 4], strides = [1, 1]} : vector<128x512xf32> to vector<128x4xf32>
    %slice3A_158 = vector.extract_strided_slice %select_n3A_143 {offsets = [0, 0], sizes = [128, 508], strides = [1, 1]} : vector<128x512xf32> to vector<128x508xf32>
    %concatenate3A_159 = tpu.concatenate %slice3A_157, %slice3A_158 in 1 : vector<128x4xf32>, vector<128x508xf32> -> vector<128x512xf32>
    %slice3A_160 = vector.extract_strided_slice %select_n3A_143 {offsets = [0, 4], sizes = [128, 508], strides = [1, 1]} : vector<128x512xf32> to vector<128x508xf32>
    %slice3A_161 = vector.extract_strided_slice %select_n3A_143 {offsets = [0, 0], sizes = [128, 4], strides = [1, 1]} : vector<128x512xf32> to vector<128x4xf32>
    %concatenate3A_162 = tpu.concatenate %slice3A_160, %slice3A_161 in 1 : vector<128x508xf32>, vector<128x4xf32> -> vector<128x512xf32>
    %broadcast_in_dim3A_163 = vector.shape_cast %ne3A_150 : vector<1x512xi1> to vector<1x512xi1>
    %broadcast_in_dim3A_164 = vector.broadcast %broadcast_in_dim3A_163 : vector<1x512xi1> to vector<128x512xi1>
    %select_n3A_165 = arith.select %broadcast_in_dim3A_164, %concatenate3A_159, %concatenate3A_162 : vector<128x512xi1>, vector<128x512xf32>
    %slice3A_166 = vector.extract_strided_slice %select_n3A_144 {offsets = [0, 508], sizes = [128, 4], strides = [1, 1]} : vector<128x512xi32> to vector<128x4xi32>
    %slice3A_167 = vector.extract_strided_slice %select_n3A_144 {offsets = [0, 0], sizes = [128, 508], strides = [1, 1]} : vector<128x512xi32> to vector<128x508xi32>
    %concatenate3A_168 = tpu.concatenate %slice3A_166, %slice3A_167 in 1 : vector<128x4xi32>, vector<128x508xi32> -> vector<128x512xi32>
    %slice3A_169 = vector.extract_strided_slice %select_n3A_144 {offsets = [0, 4], sizes = [128, 508], strides = [1, 1]} : vector<128x512xi32> to vector<128x508xi32>
    %slice3A_170 = vector.extract_strided_slice %select_n3A_144 {offsets = [0, 0], sizes = [128, 4], strides = [1, 1]} : vector<128x512xi32> to vector<128x4xi32>
    %concatenate3A_171 = tpu.concatenate %slice3A_169, %slice3A_170 in 1 : vector<128x508xi32>, vector<128x4xi32> -> vector<128x512xi32>
    %broadcast_in_dim3A_172 = vector.shape_cast %ne3A_150 : vector<1x512xi1> to vector<1x512xi1>
    %broadcast_in_dim3A_173 = vector.broadcast %broadcast_in_dim3A_172 : vector<1x512xi1> to vector<128x512xi1>
    %select_n3A_174 = arith.select %broadcast_in_dim3A_173, %concatenate3A_168, %concatenate3A_171 : vector<128x512xi1>, vector<128x512xi32>
    %broadcast_in_dim3A_175 = vector.shape_cast %ne3A_150 : vector<1x512xi1> to vector<1x512xi1>
    %broadcast_in_dim3A_176 = vector.broadcast %broadcast_in_dim3A_175 : vector<1x512xi1> to vector<128x512xi1>
    %select_n3A_177 = arith.select %broadcast_in_dim3A_176, %select_n3A_165, %select_n3A_143 : vector<128x512xi1>, vector<128x512xf32>
    %broadcast_in_dim3A_178 = vector.shape_cast %ne3A_150 : vector<1x512xi1> to vector<1x512xi1>
    %broadcast_in_dim3A_179 = vector.broadcast %broadcast_in_dim3A_178 : vector<1x512xi1> to vector<128x512xi1>
    %select_n3A_180 = arith.select %broadcast_in_dim3A_179, %select_n3A_143, %select_n3A_165 : vector<128x512xi1>, vector<128x512xf32>
    %broadcast_in_dim3A_181 = vector.shape_cast %ne3A_150 : vector<1x512xi1> to vector<1x512xi1>
    %broadcast_in_dim3A_182 = vector.broadcast %broadcast_in_dim3A_181 : vector<1x512xi1> to vector<128x512xi1>
    %select_n3A_183 = arith.select %broadcast_in_dim3A_182, %select_n3A_174, %select_n3A_144 : vector<128x512xi1>, vector<128x512xi32>
    %broadcast_in_dim3A_184 = vector.shape_cast %ne3A_150 : vector<1x512xi1> to vector<1x512xi1>
    %broadcast_in_dim3A_185 = vector.broadcast %broadcast_in_dim3A_184 : vector<1x512xi1> to vector<128x512xi1>
    %select_n3A_186 = arith.select %broadcast_in_dim3A_185, %select_n3A_144, %select_n3A_174 : vector<128x512xi1>, vector<128x512xi32>
    %gt3A_187 = arith.cmpf ogt, %select_n3A_177, %select_n3A_180 : vector<128x512xf32>
    %eq3A_188 = arith.cmpf oeq, %select_n3A_177, %select_n3A_180 : vector<128x512xf32>
    %lt3A_189 = arith.cmpi slt, %select_n3A_183, %select_n3A_186 : vector<128x512xi32>
    %and3A_190 = arith.andi %eq3A_188, %lt3A_189 : vector<128x512xi1>
    %or3A_191 = arith.ori %gt3A_187, %and3A_190 : vector<128x512xi1>
    %xor3A_192 = vector.broadcast %eq3A_156 : vector<1x512xi1> to vector<128x512xi1>
    %xor3A_193 = arith.xori %or3A_191, %xor3A_192 : vector<128x512xi1>
    %select_n3A_194 = arith.select %xor3A_193, %select_n3A_165, %select_n3A_143 : vector<128x512xi1>, vector<128x512xf32>
    %select_n3A_195 = arith.select %xor3A_193, %select_n3A_174, %select_n3A_144 : vector<128x512xi1>, vector<128x512xi32>
    %and3A_196 = arith.constant 2 : i32
    %and3A_197 = vector.broadcast %and3A_196 : i32 to vector<1x512xi32>
    %and3A_198 = arith.andi %iota3A_2, %and3A_197 : vector<1x512xi32>
    %ne3A_199 = arith.constant 0 : i32
    %ne3A_200 = vector.broadcast %ne3A_199 : i32 to vector<1x512xi32>
    %ne3A_201 = arith.cmpi ne, %and3A_198, %ne3A_200 : vector<1x512xi32>
    %and3A_202 = arith.constant 8 : i32
    %and3A_203 = vector.broadcast %and3A_202 : i32 to vector<1x512xi32>
    %and3A_204 = arith.andi %iota3A_2, %and3A_203 : vector<1x512xi32>
    %eq3A_205 = arith.constant 0 : i32
    %eq3A_206 = vector.broadcast %eq3A_205 : i32 to vector<1x512xi32>
    %eq3A_207 = arith.cmpi eq, %and3A_204, %eq3A_206 : vector<1x512xi32>
    %slice3A_208 = vector.extract_strided_slice %select_n3A_194 {offsets = [0, 510], sizes = [128, 2], strides = [1, 1]} : vector<128x512xf32> to vector<128x2xf32>
    %slice3A_209 = vector.extract_strided_slice %select_n3A_194 {offsets = [0, 0], sizes = [128, 510], strides = [1, 1]} : vector<128x512xf32> to vector<128x510xf32>
    %concatenate3A_210 = tpu.concatenate %slice3A_208, %slice3A_209 in 1 : vector<128x2xf32>, vector<128x510xf32> -> vector<128x512xf32>
    %slice3A_211 = vector.extract_strided_slice %select_n3A_194 {offsets = [0, 2], sizes = [128, 510], strides = [1, 1]} : vector<128x512xf32> to vector<128x510xf32>
    %slice3A_212 = vector.extract_strided_slice %select_n3A_194 {offsets = [0, 0], sizes = [128, 2], strides = [1, 1]} : vector<128x512xf32> to vector<128x2xf32>
    %concatenate3A_213 = tpu.concatenate %slice3A_211, %slice3A_212 in 1 : vector<128x510xf32>, vector<128x2xf32> -> vector<128x512xf32>
    %broadcast_in_dim3A_214 = vector.shape_cast %ne3A_201 : vector<1x512xi1> to vector<1x512xi1>
    %broadcast_in_dim3A_215 = vector.broadcast %broadcast_in_dim3A_214 : vector<1x512xi1> to vector<128x512xi1>
    %select_n3A_216 = arith.select %broadcast_in_dim3A_215, %concatenate3A_210, %concatenate3A_213 : vector<128x512xi1>, vector<128x512xf32>
    %slice3A_217 = vector.extract_strided_slice %select_n3A_195 {offsets = [0, 510], sizes = [128, 2], strides = [1, 1]} : vector<128x512xi32> to vector<128x2xi32>
    %slice3A_218 = vector.extract_strided_slice %select_n3A_195 {offsets = [0, 0], sizes = [128, 510], strides = [1, 1]} : vector<128x512xi32> to vector<128x510xi32>
    %concatenate3A_219 = tpu.concatenate %slice3A_217, %slice3A_218 in 1 : vector<128x2xi32>, vector<128x510xi32> -> vector<128x512xi32>
    %slice3A_220 = vector.extract_strided_slice %select_n3A_195 {offsets = [0, 2], sizes = [128, 510], strides = [1, 1]} : vector<128x512xi32> to vector<128x510xi32>
    %slice3A_221 = vector.extract_strided_slice %select_n3A_195 {offsets = [0, 0], sizes = [128, 2], strides = [1, 1]} : vector<128x512xi32> to vector<128x2xi32>
    %concatenate3A_222 = tpu.concatenate %slice3A_220, %slice3A_221 in 1 : vector<128x510xi32>, vector<128x2xi32> -> vector<128x512xi32>
    %broadcast_in_dim3A_223 = vector.shape_cast %ne3A_201 : vector<1x512xi1> to vector<1x512xi1>
    %broadcast_in_dim3A_224 = vector.broadcast %broadcast_in_dim3A_223 : vector<1x512xi1> to vector<128x512xi1>
    %select_n3A_225 = arith.select %broadcast_in_dim3A_224, %concatenate3A_219, %concatenate3A_222 : vector<128x512xi1>, vector<128x512xi32>
    %broadcast_in_dim3A_226 = vector.shape_cast %ne3A_201 : vector<1x512xi1> to vector<1x512xi1>
    %broadcast_in_dim3A_227 = vector.broadcast %broadcast_in_dim3A_226 : vector<1x512xi1> to vector<128x512xi1>
    %select_n3A_228 = arith.select %broadcast_in_dim3A_227, %select_n3A_216, %select_n3A_194 : vector<128x512xi1>, vector<128x512xf32>
    %broadcast_in_dim3A_229 = vector.shape_cast %ne3A_201 : vector<1x512xi1> to vector<1x512xi1>
    %broadcast_in_dim3A_230 = vector.broadcast %broadcast_in_dim3A_229 : vector<1x512xi1> to vector<128x512xi1>
    %select_n3A_231 = arith.select %broadcast_in_dim3A_230, %select_n3A_194, %select_n3A_216 : vector<128x512xi1>, vector<128x512xf32>
    %broadcast_in_dim3A_232 = vector.shape_cast %ne3A_201 : vector<1x512xi1> to vector<1x512xi1>
    %broadcast_in_dim3A_233 = vector.broadcast %broadcast_in_dim3A_232 : vector<1x512xi1> to vector<128x512xi1>
    %select_n3A_234 = arith.select %broadcast_in_dim3A_233, %select_n3A_225, %select_n3A_195 : vector<128x512xi1>, vector<128x512xi32>
    %broadcast_in_dim3A_235 = vector.shape_cast %ne3A_201 : vector<1x512xi1> to vector<1x512xi1>
    %broadcast_in_dim3A_236 = vector.broadcast %broadcast_in_dim3A_235 : vector<1x512xi1> to vector<128x512xi1>
    %select_n3A_237 = arith.select %broadcast_in_dim3A_236, %select_n3A_195, %select_n3A_225 : vector<128x512xi1>, vector<128x512xi32>
    %gt3A_238 = arith.cmpf ogt, %select_n3A_228, %select_n3A_231 : vector<128x512xf32>
    %eq3A_239 = arith.cmpf oeq, %select_n3A_228, %select_n3A_231 : vector<128x512xf32>
    %lt3A_240 = arith.cmpi slt, %select_n3A_234, %select_n3A_237 : vector<128x512xi32>
    %and3A_241 = arith.andi %eq3A_239, %lt3A_240 : vector<128x512xi1>
    %or3A_242 = arith.ori %gt3A_238, %and3A_241 : vector<128x512xi1>
    %xor3A_243 = vector.broadcast %eq3A_207 : vector<1x512xi1> to vector<128x512xi1>
    %xor3A_244 = arith.xori %or3A_242, %xor3A_243 : vector<128x512xi1>
    %select_n3A_245 = arith.select %xor3A_244, %select_n3A_216, %select_n3A_194 : vector<128x512xi1>, vector<128x512xf32>
    %select_n3A_246 = arith.select %xor3A_244, %select_n3A_225, %select_n3A_195 : vector<128x512xi1>, vector<128x512xi32>
    %and3A_247 = arith.constant 1 : i32
    %and3A_248 = vector.broadcast %and3A_247 : i32 to vector<1x512xi32>
    %and3A_249 = arith.andi %iota3A_2, %and3A_248 : vector<1x512xi32>
    %ne3A_250 = arith.constant 0 : i32
    %ne3A_251 = vector.broadcast %ne3A_250 : i32 to vector<1x512xi32>
    %ne3A_252 = arith.cmpi ne, %and3A_249, %ne3A_251 : vector<1x512xi32>
    %and3A_253 = arith.constant 8 : i32
    %and3A_254 = vector.broadcast %and3A_253 : i32 to vector<1x512xi32>
    %and3A_255 = arith.andi %iota3A_2, %and3A_254 : vector<1x512xi32>
    %eq3A_256 = arith.constant 0 : i32
    %eq3A_257 = vector.broadcast %eq3A_256 : i32 to vector<1x512xi32>
    %eq3A_258 = arith.cmpi eq, %and3A_255, %eq3A_257 : vector<1x512xi32>
    %slice3A_259 = vector.extract_strided_slice %select_n3A_245 {offsets = [0, 511], sizes = [128, 1], strides = [1, 1]} : vector<128x512xf32> to vector<128x1xf32>
    %slice3A_260 = vector.extract_strided_slice %select_n3A_245 {offsets = [0, 0], sizes = [128, 511], strides = [1, 1]} : vector<128x512xf32> to vector<128x511xf32>
    %concatenate3A_261 = tpu.concatenate %slice3A_259, %slice3A_260 in 1 : vector<128x1xf32>, vector<128x511xf32> -> vector<128x512xf32>
    %slice3A_262 = vector.extract_strided_slice %select_n3A_245 {offsets = [0, 1], sizes = [128, 511], strides = [1, 1]} : vector<128x512xf32> to vector<128x511xf32>
    %slice3A_263 = vector.extract_strided_slice %select_n3A_245 {offsets = [0, 0], sizes = [128, 1], strides = [1, 1]} : vector<128x512xf32> to vector<128x1xf32>
    %concatenate3A_264 = tpu.concatenate %slice3A_262, %slice3A_263 in 1 : vector<128x511xf32>, vector<128x1xf32> -> vector<128x512xf32>
    %broadcast_in_dim3A_265 = vector.shape_cast %ne3A_252 : vector<1x512xi1> to vector<1x512xi1>
    %broadcast_in_dim3A_266 = vector.broadcast %broadcast_in_dim3A_265 : vector<1x512xi1> to vector<128x512xi1>
    %select_n3A_267 = arith.select %broadcast_in_dim3A_266, %concatenate3A_261, %concatenate3A_264 : vector<128x512xi1>, vector<128x512xf32>
    %slice3A_268 = vector.extract_strided_slice %select_n3A_246 {offsets = [0, 511], sizes = [128, 1], strides = [1, 1]} : vector<128x512xi32> to vector<128x1xi32>
    %slice3A_269 = vector.extract_strided_slice %select_n3A_246 {offsets = [0, 0], sizes = [128, 511], strides = [1, 1]} : vector<128x512xi32> to vector<128x511xi32>
    %concatenate3A_270 = tpu.concatenate %slice3A_268, %slice3A_269 in 1 : vector<128x1xi32>, vector<128x511xi32> -> vector<128x512xi32>
    %slice3A_271 = vector.extract_strided_slice %select_n3A_246 {offsets = [0, 1], sizes = [128, 511], strides = [1, 1]} : vector<128x512xi32> to vector<128x511xi32>
    %slice3A_272 = vector.extract_strided_slice %select_n3A_246 {offsets = [0, 0], sizes = [128, 1], strides = [1, 1]} : vector<128x512xi32> to vector<128x1xi32>
    %concatenate3A_273 = tpu.concatenate %slice3A_271, %slice3A_272 in 1 : vector<128x511xi32>, vector<128x1xi32> -> vector<128x512xi32>
    %broadcast_in_dim3A_274 = vector.shape_cast %ne3A_252 : vector<1x512xi1> to vector<1x512xi1>
    %broadcast_in_dim3A_275 = vector.broadcast %broadcast_in_dim3A_274 : vector<1x512xi1> to vector<128x512xi1>
    %select_n3A_276 = arith.select %broadcast_in_dim3A_275, %concatenate3A_270, %concatenate3A_273 : vector<128x512xi1>, vector<128x512xi32>
    %broadcast_in_dim3A_277 = vector.shape_cast %ne3A_252 : vector<1x512xi1> to vector<1x512xi1>
    %broadcast_in_dim3A_278 = vector.broadcast %broadcast_in_dim3A_277 : vector<1x512xi1> to vector<128x512xi1>
    %select_n3A_279 = arith.select %broadcast_in_dim3A_278, %select_n3A_267, %select_n3A_245 : vector<128x512xi1>, vector<128x512xf32>
    %broadcast_in_dim3A_280 = vector.shape_cast %ne3A_252 : vector<1x512xi1> to vector<1x512xi1>
    %broadcast_in_dim3A_281 = vector.broadcast %broadcast_in_dim3A_280 : vector<1x512xi1> to vector<128x512xi1>
    %select_n3A_282 = arith.select %broadcast_in_dim3A_281, %select_n3A_245, %select_n3A_267 : vector<128x512xi1>, vector<128x512xf32>
    %broadcast_in_dim3A_283 = vector.shape_cast %ne3A_252 : vector<1x512xi1> to vector<1x512xi1>
    %broadcast_in_dim3A_284 = vector.broadcast %broadcast_in_dim3A_283 : vector<1x512xi1> to vector<128x512xi1>
    %select_n3A_285 = arith.select %broadcast_in_dim3A_284, %select_n3A_276, %select_n3A_246 : vector<128x512xi1>, vector<128x512xi32>
    %broadcast_in_dim3A_286 = vector.shape_cast %ne3A_252 : vector<1x512xi1> to vector<1x512xi1>
    %broadcast_in_dim3A_287 = vector.broadcast %broadcast_in_dim3A_286 : vector<1x512xi1> to vector<128x512xi1>
    %select_n3A_288 = arith.select %broadcast_in_dim3A_287, %select_n3A_246, %select_n3A_276 : vector<128x512xi1>, vector<128x512xi32>
    %gt3A_289 = arith.cmpf ogt, %select_n3A_279, %select_n3A_282 : vector<128x512xf32>
    %eq3A_290 = arith.cmpf oeq, %select_n3A_279, %select_n3A_282 : vector<128x512xf32>
    %lt3A_291 = arith.cmpi slt, %select_n3A_285, %select_n3A_288 : vector<128x512xi32>
    %and3A_292 = arith.andi %eq3A_290, %lt3A_291 : vector<128x512xi1>
    %or3A_293 = arith.ori %gt3A_289, %and3A_292 : vector<128x512xi1>
    %xor3A_294 = vector.broadcast %eq3A_258 : vector<1x512xi1> to vector<128x512xi1>
    %xor3A_295 = arith.xori %or3A_293, %xor3A_294 : vector<128x512xi1>
    %select_n3A_296 = arith.select %xor3A_295, %select_n3A_267, %select_n3A_245 : vector<128x512xi1>, vector<128x512xf32>
    %select_n3A_297 = arith.select %xor3A_295, %select_n3A_276, %select_n3A_246 : vector<128x512xi1>, vector<128x512xi32>
    %and3A_298 = arith.constant 8 : i32
    %and3A_299 = vector.broadcast %and3A_298 : i32 to vector<1x512xi32>
    %and3A_300 = arith.andi %iota3A_2, %and3A_299 : vector<1x512xi32>
    %ne3A_301 = arith.constant 0 : i32
    %ne3A_302 = vector.broadcast %ne3A_301 : i32 to vector<1x512xi32>
    %ne3A_303 = arith.cmpi ne, %and3A_300, %ne3A_302 : vector<1x512xi32>
    %and3A_304 = arith.constant 16 : i32
    %and3A_305 = vector.broadcast %and3A_304 : i32 to vector<1x512xi32>
    %and3A_306 = arith.andi %iota3A_2, %and3A_305 : vector<1x512xi32>
    %eq3A_307 = arith.constant 0 : i32
    %eq3A_308 = vector.broadcast %eq3A_307 : i32 to vector<1x512xi32>
    %eq3A_309 = arith.cmpi eq, %and3A_306, %eq3A_308 : vector<1x512xi32>
    %slice3A_310 = vector.extract_strided_slice %select_n3A_296 {offsets = [0, 504], sizes = [128, 8], strides = [1, 1]} : vector<128x512xf32> to vector<128x8xf32>
    %slice3A_311 = vector.extract_strided_slice %select_n3A_296 {offsets = [0, 0], sizes = [128, 504], strides = [1, 1]} : vector<128x512xf32> to vector<128x504xf32>
    %concatenate3A_312 = tpu.concatenate %slice3A_310, %slice3A_311 in 1 : vector<128x8xf32>, vector<128x504xf32> -> vector<128x512xf32>
    %slice3A_313 = vector.extract_strided_slice %select_n3A_296 {offsets = [0, 8], sizes = [128, 504], strides = [1, 1]} : vector<128x512xf32> to vector<128x504xf32>
    %slice3A_314 = vector.extract_strided_slice %select_n3A_296 {offsets = [0, 0], sizes = [128, 8], strides = [1, 1]} : vector<128x512xf32> to vector<128x8xf32>
    %concatenate3A_315 = tpu.concatenate %slice3A_313, %slice3A_314 in 1 : vector<128x504xf32>, vector<128x8xf32> -> vector<128x512xf32>
    %broadcast_in_dim3A_316 = vector.shape_cast %ne3A_303 : vector<1x512xi1> to vector<1x512xi1>
    %broadcast_in_dim3A_317 = vector.broadcast %broadcast_in_dim3A_316 : vector<1x512xi1> to vector<128x512xi1>
    %select_n3A_318 = arith.select %broadcast_in_dim3A_317, %concatenate3A_312, %concatenate3A_315 : vector<128x512xi1>, vector<128x512xf32>
    %slice3A_319 = vector.extract_strided_slice %select_n3A_297 {offsets = [0, 504], sizes = [128, 8], strides = [1, 1]} : vector<128x512xi32> to vector<128x8xi32>
    %slice3A_320 = vector.extract_strided_slice %select_n3A_297 {offsets = [0, 0], sizes = [128, 504], strides = [1, 1]} : vector<128x512xi32> to vector<128x504xi32>
    %concatenate3A_321 = tpu.concatenate %slice3A_319, %slice3A_320 in 1 : vector<128x8xi32>, vector<128x504xi32> -> vector<128x512xi32>
    %slice3A_322 = vector.extract_strided_slice %select_n3A_297 {offsets = [0, 8], sizes = [128, 504], strides = [1, 1]} : vector<128x512xi32> to vector<128x504xi32>
    %slice3A_323 = vector.extract_strided_slice %select_n3A_297 {offsets = [0, 0], sizes = [128, 8], strides = [1, 1]} : vector<128x512xi32> to vector<128x8xi32>
    %concatenate3A_324 = tpu.concatenate %slice3A_322, %slice3A_323 in 1 : vector<128x504xi32>, vector<128x8xi32> -> vector<128x512xi32>
    %broadcast_in_dim3A_325 = vector.shape_cast %ne3A_303 : vector<1x512xi1> to vector<1x512xi1>
    %broadcast_in_dim3A_326 = vector.broadcast %broadcast_in_dim3A_325 : vector<1x512xi1> to vector<128x512xi1>
    %select_n3A_327 = arith.select %broadcast_in_dim3A_326, %concatenate3A_321, %concatenate3A_324 : vector<128x512xi1>, vector<128x512xi32>
    %broadcast_in_dim3A_328 = vector.shape_cast %ne3A_303 : vector<1x512xi1> to vector<1x512xi1>
    %broadcast_in_dim3A_329 = vector.broadcast %broadcast_in_dim3A_328 : vector<1x512xi1> to vector<128x512xi1>
    %select_n3A_330 = arith.select %broadcast_in_dim3A_329, %select_n3A_318, %select_n3A_296 : vector<128x512xi1>, vector<128x512xf32>
    %broadcast_in_dim3A_331 = vector.shape_cast %ne3A_303 : vector<1x512xi1> to vector<1x512xi1>
    %broadcast_in_dim3A_332 = vector.broadcast %broadcast_in_dim3A_331 : vector<1x512xi1> to vector<128x512xi1>
    %select_n3A_333 = arith.select %broadcast_in_dim3A_332, %select_n3A_296, %select_n3A_318 : vector<128x512xi1>, vector<128x512xf32>
    %broadcast_in_dim3A_334 = vector.shape_cast %ne3A_303 : vector<1x512xi1> to vector<1x512xi1>
    %broadcast_in_dim3A_335 = vector.broadcast %broadcast_in_dim3A_334 : vector<1x512xi1> to vector<128x512xi1>
    %select_n3A_336 = arith.select %broadcast_in_dim3A_335, %select_n3A_327, %select_n3A_297 : vector<128x512xi1>, vector<128x512xi32>
    %broadcast_in_dim3A_337 = vector.shape_cast %ne3A_303 : vector<1x512xi1> to vector<1x512xi1>
    %broadcast_in_dim3A_338 = vector.broadcast %broadcast_in_dim3A_337 : vector<1x512xi1> to vector<128x512xi1>
    %select_n3A_339 = arith.select %broadcast_in_dim3A_338, %select_n3A_297, %select_n3A_327 : vector<128x512xi1>, vector<128x512xi32>
    %gt3A_340 = arith.cmpf ogt, %select_n3A_330, %select_n3A_333 : vector<128x512xf32>
    %eq3A_341 = arith.cmpf oeq, %select_n3A_330, %select_n3A_333 : vector<128x512xf32>
    %lt3A_342 = arith.cmpi slt, %select_n3A_336, %select_n3A_339 : vector<128x512xi32>
    %and3A_343 = arith.andi %eq3A_341, %lt3A_342 : vector<128x512xi1>
    %or3A_344 = arith.ori %gt3A_340, %and3A_343 : vector<128x512xi1>
    %xor3A_345 = vector.broadcast %eq3A_309 : vector<1x512xi1> to vector<128x512xi1>
    %xor3A_346 = arith.xori %or3A_344, %xor3A_345 : vector<128x512xi1>
    %select_n3A_347 = arith.select %xor3A_346, %select_n3A_318, %select_n3A_296 : vector<128x512xi1>, vector<128x512xf32>
    %select_n3A_348 = arith.select %xor3A_346, %select_n3A_327, %select_n3A_297 : vector<128x512xi1>, vector<128x512xi32>
    %and3A_349 = arith.constant 4 : i32
    %and3A_350 = vector.broadcast %and3A_349 : i32 to vector<1x512xi32>
    %and3A_351 = arith.andi %iota3A_2, %and3A_350 : vector<1x512xi32>
    %ne3A_352 = arith.constant 0 : i32
    %ne3A_353 = vector.broadcast %ne3A_352 : i32 to vector<1x512xi32>
    %ne3A_354 = arith.cmpi ne, %and3A_351, %ne3A_353 : vector<1x512xi32>
    %and3A_355 = arith.constant 16 : i32
    %and3A_356 = vector.broadcast %and3A_355 : i32 to vector<1x512xi32>
    %and3A_357 = arith.andi %iota3A_2, %and3A_356 : vector<1x512xi32>
    %eq3A_358 = arith.constant 0 : i32
    %eq3A_359 = vector.broadcast %eq3A_358 : i32 to vector<1x512xi32>
    %eq3A_360 = arith.cmpi eq, %and3A_357, %eq3A_359 : vector<1x512xi32>
    %slice3A_361 = vector.extract_strided_slice %select_n3A_347 {offsets = [0, 508], sizes = [128, 4], strides = [1, 1]} : vector<128x512xf32> to vector<128x4xf32>
    %slice3A_362 = vector.extract_strided_slice %select_n3A_347 {offsets = [0, 0], sizes = [128, 508], strides = [1, 1]} : vector<128x512xf32> to vector<128x508xf32>
    %concatenate3A_363 = tpu.concatenate %slice3A_361, %slice3A_362 in 1 : vector<128x4xf32>, vector<128x508xf32> -> vector<128x512xf32>
    %slice3A_364 = vector.extract_strided_slice %select_n3A_347 {offsets = [0, 4], sizes = [128, 508], strides = [1, 1]} : vector<128x512xf32> to vector<128x508xf32>
    %slice3A_365 = vector.extract_strided_slice %select_n3A_347 {offsets = [0, 0], sizes = [128, 4], strides = [1, 1]} : vector<128x512xf32> to vector<128x4xf32>
    %concatenate3A_366 = tpu.concatenate %slice3A_364, %slice3A_365 in 1 : vector<128x508xf32>, vector<128x4xf32> -> vector<128x512xf32>
    %broadcast_in_dim3A_367 = vector.shape_cast %ne3A_354 : vector<1x512xi1> to vector<1x512xi1>
    %broadcast_in_dim3A_368 = vector.broadcast %broadcast_in_dim3A_367 : vector<1x512xi1> to vector<128x512xi1>
    %select_n3A_369 = arith.select %broadcast_in_dim3A_368, %concatenate3A_363, %concatenate3A_366 : vector<128x512xi1>, vector<128x512xf32>
    %slice3A_370 = vector.extract_strided_slice %select_n3A_348 {offsets = [0, 508], sizes = [128, 4], strides = [1, 1]} : vector<128x512xi32> to vector<128x4xi32>
    %slice3A_371 = vector.extract_strided_slice %select_n3A_348 {offsets = [0, 0], sizes = [128, 508], strides = [1, 1]} : vector<128x512xi32> to vector<128x508xi32>
    %concatenate3A_372 = tpu.concatenate %slice3A_370, %slice3A_371 in 1 : vector<128x4xi32>, vector<128x508xi32> -> vector<128x512xi32>
    %slice3A_373 = vector.extract_strided_slice %select_n3A_348 {offsets = [0, 4], sizes = [128, 508], strides = [1, 1]} : vector<128x512xi32> to vector<128x508xi32>
    %slice3A_374 = vector.extract_strided_slice %select_n3A_348 {offsets = [0, 0], sizes = [128, 4], strides = [1, 1]} : vector<128x512xi32> to vector<128x4xi32>
    %concatenate3A_375 = tpu.concatenate %slice3A_373, %slice3A_374 in 1 : vector<128x508xi32>, vector<128x4xi32> -> vector<128x512xi32>
    %broadcast_in_dim3A_376 = vector.shape_cast %ne3A_354 : vector<1x512xi1> to vector<1x512xi1>
    %broadcast_in_dim3A_377 = vector.broadcast %broadcast_in_dim3A_376 : vector<1x512xi1> to vector<128x512xi1>
    %select_n3A_378 = arith.select %broadcast_in_dim3A_377, %concatenate3A_372, %concatenate3A_375 : vector<128x512xi1>, vector<128x512xi32>
    %broadcast_in_dim3A_379 = vector.shape_cast %ne3A_354 : vector<1x512xi1> to vector<1x512xi1>
    %broadcast_in_dim3A_380 = vector.broadcast %broadcast_in_dim3A_379 : vector<1x512xi1> to vector<128x512xi1>
    %select_n3A_381 = arith.select %broadcast_in_dim3A_380, %select_n3A_369, %select_n3A_347 : vector<128x512xi1>, vector<128x512xf32>
    %broadcast_in_dim3A_382 = vector.shape_cast %ne3A_354 : vector<1x512xi1> to vector<1x512xi1>
    %broadcast_in_dim3A_383 = vector.broadcast %broadcast_in_dim3A_382 : vector<1x512xi1> to vector<128x512xi1>
    %select_n3A_384 = arith.select %broadcast_in_dim3A_383, %select_n3A_347, %select_n3A_369 : vector<128x512xi1>, vector<128x512xf32>
    %broadcast_in_dim3A_385 = vector.shape_cast %ne3A_354 : vector<1x512xi1> to vector<1x512xi1>
    %broadcast_in_dim3A_386 = vector.broadcast %broadcast_in_dim3A_385 : vector<1x512xi1> to vector<128x512xi1>
    %select_n3A_387 = arith.select %broadcast_in_dim3A_386, %select_n3A_378, %select_n3A_348 : vector<128x512xi1>, vector<128x512xi32>
    %broadcast_in_dim3A_388 = vector.shape_cast %ne3A_354 : vector<1x512xi1> to vector<1x512xi1>
    %broadcast_in_dim3A_389 = vector.broadcast %broadcast_in_dim3A_388 : vector<1x512xi1> to vector<128x512xi1>
    %select_n3A_390 = arith.select %broadcast_in_dim3A_389, %select_n3A_348, %select_n3A_378 : vector<128x512xi1>, vector<128x512xi32>
    %gt3A_391 = arith.cmpf ogt, %select_n3A_381, %select_n3A_384 : vector<128x512xf32>
    %eq3A_392 = arith.cmpf oeq, %select_n3A_381, %select_n3A_384 : vector<128x512xf32>
    %lt3A_393 = arith.cmpi slt, %select_n3A_387, %select_n3A_390 : vector<128x512xi32>
    %and3A_394 = arith.andi %eq3A_392, %lt3A_393 : vector<128x512xi1>
    %or3A_395 = arith.ori %gt3A_391, %and3A_394 : vector<128x512xi1>
    %xor3A_396 = vector.broadcast %eq3A_360 : vector<1x512xi1> to vector<128x512xi1>
    %xor3A_397 = arith.xori %or3A_395, %xor3A_396 : vector<128x512xi1>
    %select_n3A_398 = arith.select %xor3A_397, %select_n3A_369, %select_n3A_347 : vector<128x512xi1>, vector<128x512xf32>
    %select_n3A_399 = arith.select %xor3A_397, %select_n3A_378, %select_n3A_348 : vector<128x512xi1>, vector<128x512xi32>
    %and3A_400 = arith.constant 2 : i32
    %and3A_401 = vector.broadcast %and3A_400 : i32 to vector<1x512xi32>
    %and3A_402 = arith.andi %iota3A_2, %and3A_401 : vector<1x512xi32>
    %ne3A_403 = arith.constant 0 : i32
    %ne3A_404 = vector.broadcast %ne3A_403 : i32 to vector<1x512xi32>
    %ne3A_405 = arith.cmpi ne, %and3A_402, %ne3A_404 : vector<1x512xi32>
    %and3A_406 = arith.constant 16 : i32
    %and3A_407 = vector.broadcast %and3A_406 : i32 to vector<1x512xi32>
    %and3A_408 = arith.andi %iota3A_2, %and3A_407 : vector<1x512xi32>
    %eq3A_409 = arith.constant 0 : i32
    %eq3A_410 = vector.broadcast %eq3A_409 : i32 to vector<1x512xi32>
    %eq3A_411 = arith.cmpi eq, %and3A_408, %eq3A_410 : vector<1x512xi32>
    %slice3A_412 = vector.extract_strided_slice %select_n3A_398 {offsets = [0, 510], sizes = [128, 2], strides = [1, 1]} : vector<128x512xf32> to vector<128x2xf32>
    %slice3A_413 = vector.extract_strided_slice %select_n3A_398 {offsets = [0, 0], sizes = [128, 510], strides = [1, 1]} : vector<128x512xf32> to vector<128x510xf32>
    %concatenate3A_414 = tpu.concatenate %slice3A_412, %slice3A_413 in 1 : vector<128x2xf32>, vector<128x510xf32> -> vector<128x512xf32>
    %slice3A_415 = vector.extract_strided_slice %select_n3A_398 {offsets = [0, 2], sizes = [128, 510], strides = [1, 1]} : vector<128x512xf32> to vector<128x510xf32>
    %slice3A_416 = vector.extract_strided_slice %select_n3A_398 {offsets = [0, 0], sizes = [128, 2], strides = [1, 1]} : vector<128x512xf32> to vector<128x2xf32>
    %concatenate3A_417 = tpu.concatenate %slice3A_415, %slice3A_416 in 1 : vector<128x510xf32>, vector<128x2xf32> -> vector<128x512xf32>
    %broadcast_in_dim3A_418 = vector.shape_cast %ne3A_405 : vector<1x512xi1> to vector<1x512xi1>
    %broadcast_in_dim3A_419 = vector.broadcast %broadcast_in_dim3A_418 : vector<1x512xi1> to vector<128x512xi1>
    %select_n3A_420 = arith.select %broadcast_in_dim3A_419, %concatenate3A_414, %concatenate3A_417 : vector<128x512xi1>, vector<128x512xf32>
    %slice3A_421 = vector.extract_strided_slice %select_n3A_399 {offsets = [0, 510], sizes = [128, 2], strides = [1, 1]} : vector<128x512xi32> to vector<128x2xi32>
    %slice3A_422 = vector.extract_strided_slice %select_n3A_399 {offsets = [0, 0], sizes = [128, 510], strides = [1, 1]} : vector<128x512xi32> to vector<128x510xi32>
    %concatenate3A_423 = tpu.concatenate %slice3A_421, %slice3A_422 in 1 : vector<128x2xi32>, vector<128x510xi32> -> vector<128x512xi32>
    %slice3A_424 = vector.extract_strided_slice %select_n3A_399 {offsets = [0, 2], sizes = [128, 510], strides = [1, 1]} : vector<128x512xi32> to vector<128x510xi32>
    %slice3A_425 = vector.extract_strided_slice %select_n3A_399 {offsets = [0, 0], sizes = [128, 2], strides = [1, 1]} : vector<128x512xi32> to vector<128x2xi32>
    %concatenate3A_426 = tpu.concatenate %slice3A_424, %slice3A_425 in 1 : vector<128x510xi32>, vector<128x2xi32> -> vector<128x512xi32>
    %broadcast_in_dim3A_427 = vector.shape_cast %ne3A_405 : vector<1x512xi1> to vector<1x512xi1>
    %broadcast_in_dim3A_428 = vector.broadcast %broadcast_in_dim3A_427 : vector<1x512xi1> to vector<128x512xi1>
    %select_n3A_429 = arith.select %broadcast_in_dim3A_428, %concatenate3A_423, %concatenate3A_426 : vector<128x512xi1>, vector<128x512xi32>
    %broadcast_in_dim3A_430 = vector.shape_cast %ne3A_405 : vector<1x512xi1> to vector<1x512xi1>
    %broadcast_in_dim3A_431 = vector.broadcast %broadcast_in_dim3A_430 : vector<1x512xi1> to vector<128x512xi1>
    %select_n3A_432 = arith.select %broadcast_in_dim3A_431, %select_n3A_420, %select_n3A_398 : vector<128x512xi1>, vector<128x512xf32>
    %broadcast_in_dim3A_433 = vector.shape_cast %ne3A_405 : vector<1x512xi1> to vector<1x512xi1>
    %broadcast_in_dim3A_434 = vector.broadcast %broadcast_in_dim3A_433 : vector<1x512xi1> to vector<128x512xi1>
    %select_n3A_435 = arith.select %broadcast_in_dim3A_434, %select_n3A_398, %select_n3A_420 : vector<128x512xi1>, vector<128x512xf32>
    %broadcast_in_dim3A_436 = vector.shape_cast %ne3A_405 : vector<1x512xi1> to vector<1x512xi1>
    %broadcast_in_dim3A_437 = vector.broadcast %broadcast_in_dim3A_436 : vector<1x512xi1> to vector<128x512xi1>
    %select_n3A_438 = arith.select %broadcast_in_dim3A_437, %select_n3A_429, %select_n3A_399 : vector<128x512xi1>, vector<128x512xi32>
    %broadcast_in_dim3A_439 = vector.shape_cast %ne3A_405 : vector<1x512xi1> to vector<1x512xi1>
    %broadcast_in_dim3A_440 = vector.broadcast %broadcast_in_dim3A_439 : vector<1x512xi1> to vector<128x512xi1>
    %select_n3A_441 = arith.select %broadcast_in_dim3A_440, %select_n3A_399, %select_n3A_429 : vector<128x512xi1>, vector<128x512xi32>
    %gt3A_442 = arith.cmpf ogt, %select_n3A_432, %select_n3A_435 : vector<128x512xf32>
    %eq3A_443 = arith.cmpf oeq, %select_n3A_432, %select_n3A_435 : vector<128x512xf32>
    %lt3A_444 = arith.cmpi slt, %select_n3A_438, %select_n3A_441 : vector<128x512xi32>
    %and3A_445 = arith.andi %eq3A_443, %lt3A_444 : vector<128x512xi1>
    %or3A_446 = arith.ori %gt3A_442, %and3A_445 : vector<128x512xi1>
    %xor3A_447 = vector.broadcast %eq3A_411 : vector<1x512xi1> to vector<128x512xi1>
    %xor3A_448 = arith.xori %or3A_446, %xor3A_447 : vector<128x512xi1>
    %select_n3A_449 = arith.select %xor3A_448, %select_n3A_420, %select_n3A_398 : vector<128x512xi1>, vector<128x512xf32>
    %select_n3A_450 = arith.select %xor3A_448, %select_n3A_429, %select_n3A_399 : vector<128x512xi1>, vector<128x512xi32>
    %and3A_451 = arith.constant 1 : i32
    %and3A_452 = vector.broadcast %and3A_451 : i32 to vector<1x512xi32>
    %and3A_453 = arith.andi %iota3A_2, %and3A_452 : vector<1x512xi32>
    %ne3A_454 = arith.constant 0 : i32
    %ne3A_455 = vector.broadcast %ne3A_454 : i32 to vector<1x512xi32>
    %ne3A_456 = arith.cmpi ne, %and3A_453, %ne3A_455 : vector<1x512xi32>
    %and3A_457 = arith.constant 16 : i32
    %and3A_458 = vector.broadcast %and3A_457 : i32 to vector<1x512xi32>
    %and3A_459 = arith.andi %iota3A_2, %and3A_458 : vector<1x512xi32>
    %eq3A_460 = arith.constant 0 : i32
    %eq3A_461 = vector.broadcast %eq3A_460 : i32 to vector<1x512xi32>
    %eq3A_462 = arith.cmpi eq, %and3A_459, %eq3A_461 : vector<1x512xi32>
    %slice3A_463 = vector.extract_strided_slice %select_n3A_449 {offsets = [0, 511], sizes = [128, 1], strides = [1, 1]} : vector<128x512xf32> to vector<128x1xf32>
    %slice3A_464 = vector.extract_strided_slice %select_n3A_449 {offsets = [0, 0], sizes = [128, 511], strides = [1, 1]} : vector<128x512xf32> to vector<128x511xf32>
    %concatenate3A_465 = tpu.concatenate %slice3A_463, %slice3A_464 in 1 : vector<128x1xf32>, vector<128x511xf32> -> vector<128x512xf32>
    %slice3A_466 = vector.extract_strided_slice %select_n3A_449 {offsets = [0, 1], sizes = [128, 511], strides = [1, 1]} : vector<128x512xf32> to vector<128x511xf32>
    %slice3A_467 = vector.extract_strided_slice %select_n3A_449 {offsets = [0, 0], sizes = [128, 1], strides = [1, 1]} : vector<128x512xf32> to vector<128x1xf32>
    %concatenate3A_468 = tpu.concatenate %slice3A_466, %slice3A_467 in 1 : vector<128x511xf32>, vector<128x1xf32> -> vector<128x512xf32>
    %broadcast_in_dim3A_469 = vector.shape_cast %ne3A_456 : vector<1x512xi1> to vector<1x512xi1>
    %broadcast_in_dim3A_470 = vector.broadcast %broadcast_in_dim3A_469 : vector<1x512xi1> to vector<128x512xi1>
    %select_n3A_471 = arith.select %broadcast_in_dim3A_470, %concatenate3A_465, %concatenate3A_468 : vector<128x512xi1>, vector<128x512xf32>
    %slice3A_472 = vector.extract_strided_slice %select_n3A_450 {offsets = [0, 511], sizes = [128, 1], strides = [1, 1]} : vector<128x512xi32> to vector<128x1xi32>
    %slice3A_473 = vector.extract_strided_slice %select_n3A_450 {offsets = [0, 0], sizes = [128, 511], strides = [1, 1]} : vector<128x512xi32> to vector<128x511xi32>
    %concatenate3A_474 = tpu.concatenate %slice3A_472, %slice3A_473 in 1 : vector<128x1xi32>, vector<128x511xi32> -> vector<128x512xi32>
    %slice3A_475 = vector.extract_strided_slice %select_n3A_450 {offsets = [0, 1], sizes = [128, 511], strides = [1, 1]} : vector<128x512xi32> to vector<128x511xi32>
    %slice3A_476 = vector.extract_strided_slice %select_n3A_450 {offsets = [0, 0], sizes = [128, 1], strides = [1, 1]} : vector<128x512xi32> to vector<128x1xi32>
    %concatenate3A_477 = tpu.concatenate %slice3A_475, %slice3A_476 in 1 : vector<128x511xi32>, vector<128x1xi32> -> vector<128x512xi32>
    %broadcast_in_dim3A_478 = vector.shape_cast %ne3A_456 : vector<1x512xi1> to vector<1x512xi1>
    %broadcast_in_dim3A_479 = vector.broadcast %broadcast_in_dim3A_478 : vector<1x512xi1> to vector<128x512xi1>
    %select_n3A_480 = arith.select %broadcast_in_dim3A_479, %concatenate3A_474, %concatenate3A_477 : vector<128x512xi1>, vector<128x512xi32>
    %broadcast_in_dim3A_481 = vector.shape_cast %ne3A_456 : vector<1x512xi1> to vector<1x512xi1>
    %broadcast_in_dim3A_482 = vector.broadcast %broadcast_in_dim3A_481 : vector<1x512xi1> to vector<128x512xi1>
    %select_n3A_483 = arith.select %broadcast_in_dim3A_482, %select_n3A_471, %select_n3A_449 : vector<128x512xi1>, vector<128x512xf32>
    %broadcast_in_dim3A_484 = vector.shape_cast %ne3A_456 : vector<1x512xi1> to vector<1x512xi1>
    %broadcast_in_dim3A_485 = vector.broadcast %broadcast_in_dim3A_484 : vector<1x512xi1> to vector<128x512xi1>
    %select_n3A_486 = arith.select %broadcast_in_dim3A_485, %select_n3A_449, %select_n3A_471 : vector<128x512xi1>, vector<128x512xf32>
    %broadcast_in_dim3A_487 = vector.shape_cast %ne3A_456 : vector<1x512xi1> to vector<1x512xi1>
    %broadcast_in_dim3A_488 = vector.broadcast %broadcast_in_dim3A_487 : vector<1x512xi1> to vector<128x512xi1>
    %select_n3A_489 = arith.select %broadcast_in_dim3A_488, %select_n3A_480, %select_n3A_450 : vector<128x512xi1>, vector<128x512xi32>
    %broadcast_in_dim3A_490 = vector.shape_cast %ne3A_456 : vector<1x512xi1> to vector<1x512xi1>
    %broadcast_in_dim3A_491 = vector.broadcast %broadcast_in_dim3A_490 : vector<1x512xi1> to vector<128x512xi1>
    %select_n3A_492 = arith.select %broadcast_in_dim3A_491, %select_n3A_450, %select_n3A_480 : vector<128x512xi1>, vector<128x512xi32>
    %gt3A_493 = arith.cmpf ogt, %select_n3A_483, %select_n3A_486 : vector<128x512xf32>
    %eq3A_494 = arith.cmpf oeq, %select_n3A_483, %select_n3A_486 : vector<128x512xf32>
    %lt3A_495 = arith.cmpi slt, %select_n3A_489, %select_n3A_492 : vector<128x512xi32>
    %and3A_496 = arith.andi %eq3A_494, %lt3A_495 : vector<128x512xi1>
    %or3A_497 = arith.ori %gt3A_493, %and3A_496 : vector<128x512xi1>
    %xor3A_498 = vector.broadcast %eq3A_462 : vector<1x512xi1> to vector<128x512xi1>
    %xor3A_499 = arith.xori %or3A_497, %xor3A_498 : vector<128x512xi1>
    %select_n3A_500 = arith.select %xor3A_499, %select_n3A_471, %select_n3A_449 : vector<128x512xi1>, vector<128x512xf32>
    %select_n3A_501 = arith.select %xor3A_499, %select_n3A_480, %select_n3A_450 : vector<128x512xi1>, vector<128x512xi32>
    %and3A_502 = arith.constant 16 : i32
    %and3A_503 = vector.broadcast %and3A_502 : i32 to vector<1x512xi32>
    %and3A_504 = arith.andi %iota3A_2, %and3A_503 : vector<1x512xi32>
    %ne3A_505 = arith.constant 0 : i32
    %ne3A_506 = vector.broadcast %ne3A_505 : i32 to vector<1x512xi32>
    %ne3A_507 = arith.cmpi ne, %and3A_504, %ne3A_506 : vector<1x512xi32>
    %and3A_508 = arith.constant 32 : i32
    %and3A_509 = vector.broadcast %and3A_508 : i32 to vector<1x512xi32>
    %and3A_510 = arith.andi %iota3A_2, %and3A_509 : vector<1x512xi32>
    %eq3A_511 = arith.constant 0 : i32
    %eq3A_512 = vector.broadcast %eq3A_511 : i32 to vector<1x512xi32>
    %eq3A_513 = arith.cmpi eq, %and3A_510, %eq3A_512 : vector<1x512xi32>
    %slice3A_514 = vector.extract_strided_slice %select_n3A_500 {offsets = [0, 496], sizes = [128, 16], strides = [1, 1]} : vector<128x512xf32> to vector<128x16xf32>
    %slice3A_515 = vector.extract_strided_slice %select_n3A_500 {offsets = [0, 0], sizes = [128, 496], strides = [1, 1]} : vector<128x512xf32> to vector<128x496xf32>
    %concatenate3A_516 = tpu.concatenate %slice3A_514, %slice3A_515 in 1 : vector<128x16xf32>, vector<128x496xf32> -> vector<128x512xf32>
    %slice3A_517 = vector.extract_strided_slice %select_n3A_500 {offsets = [0, 16], sizes = [128, 496], strides = [1, 1]} : vector<128x512xf32> to vector<128x496xf32>
    %slice3A_518 = vector.extract_strided_slice %select_n3A_500 {offsets = [0, 0], sizes = [128, 16], strides = [1, 1]} : vector<128x512xf32> to vector<128x16xf32>
    %concatenate3A_519 = tpu.concatenate %slice3A_517, %slice3A_518 in 1 : vector<128x496xf32>, vector<128x16xf32> -> vector<128x512xf32>
    %broadcast_in_dim3A_520 = vector.shape_cast %ne3A_507 : vector<1x512xi1> to vector<1x512xi1>
    %broadcast_in_dim3A_521 = vector.broadcast %broadcast_in_dim3A_520 : vector<1x512xi1> to vector<128x512xi1>
    %select_n3A_522 = arith.select %broadcast_in_dim3A_521, %concatenate3A_516, %concatenate3A_519 : vector<128x512xi1>, vector<128x512xf32>
    %slice3A_523 = vector.extract_strided_slice %select_n3A_501 {offsets = [0, 496], sizes = [128, 16], strides = [1, 1]} : vector<128x512xi32> to vector<128x16xi32>
    %slice3A_524 = vector.extract_strided_slice %select_n3A_501 {offsets = [0, 0], sizes = [128, 496], strides = [1, 1]} : vector<128x512xi32> to vector<128x496xi32>
    %concatenate3A_525 = tpu.concatenate %slice3A_523, %slice3A_524 in 1 : vector<128x16xi32>, vector<128x496xi32> -> vector<128x512xi32>
    %slice3A_526 = vector.extract_strided_slice %select_n3A_501 {offsets = [0, 16], sizes = [128, 496], strides = [1, 1]} : vector<128x512xi32> to vector<128x496xi32>
    %slice3A_527 = vector.extract_strided_slice %select_n3A_501 {offsets = [0, 0], sizes = [128, 16], strides = [1, 1]} : vector<128x512xi32> to vector<128x16xi32>
    %concatenate3A_528 = tpu.concatenate %slice3A_526, %slice3A_527 in 1 : vector<128x496xi32>, vector<128x16xi32> -> vector<128x512xi32>
    %broadcast_in_dim3A_529 = vector.shape_cast %ne3A_507 : vector<1x512xi1> to vector<1x512xi1>
    %broadcast_in_dim3A_530 = vector.broadcast %broadcast_in_dim3A_529 : vector<1x512xi1> to vector<128x512xi1>
    %select_n3A_531 = arith.select %broadcast_in_dim3A_530, %concatenate3A_525, %concatenate3A_528 : vector<128x512xi1>, vector<128x512xi32>
    %broadcast_in_dim3A_532 = vector.shape_cast %ne3A_507 : vector<1x512xi1> to vector<1x512xi1>
    %broadcast_in_dim3A_533 = vector.broadcast %broadcast_in_dim3A_532 : vector<1x512xi1> to vector<128x512xi1>
    %select_n3A_534 = arith.select %broadcast_in_dim3A_533, %select_n3A_522, %select_n3A_500 : vector<128x512xi1>, vector<128x512xf32>
    %broadcast_in_dim3A_535 = vector.shape_cast %ne3A_507 : vector<1x512xi1> to vector<1x512xi1>
    %broadcast_in_dim3A_536 = vector.broadcast %broadcast_in_dim3A_535 : vector<1x512xi1> to vector<128x512xi1>
    %select_n3A_537 = arith.select %broadcast_in_dim3A_536, %select_n3A_500, %select_n3A_522 : vector<128x512xi1>, vector<128x512xf32>
    %broadcast_in_dim3A_538 = vector.shape_cast %ne3A_507 : vector<1x512xi1> to vector<1x512xi1>
    %broadcast_in_dim3A_539 = vector.broadcast %broadcast_in_dim3A_538 : vector<1x512xi1> to vector<128x512xi1>
    %select_n3A_540 = arith.select %broadcast_in_dim3A_539, %select_n3A_531, %select_n3A_501 : vector<128x512xi1>, vector<128x512xi32>
    %broadcast_in_dim3A_541 = vector.shape_cast %ne3A_507 : vector<1x512xi1> to vector<1x512xi1>
    %broadcast_in_dim3A_542 = vector.broadcast %broadcast_in_dim3A_541 : vector<1x512xi1> to vector<128x512xi1>
    %select_n3A_543 = arith.select %broadcast_in_dim3A_542, %select_n3A_501, %select_n3A_531 : vector<128x512xi1>, vector<128x512xi32>
    %gt3A_544 = arith.cmpf ogt, %select_n3A_534, %select_n3A_537 : vector<128x512xf32>
    %eq3A_545 = arith.cmpf oeq, %select_n3A_534, %select_n3A_537 : vector<128x512xf32>
    %lt3A_546 = arith.cmpi slt, %select_n3A_540, %select_n3A_543 : vector<128x512xi32>
    %and3A_547 = arith.andi %eq3A_545, %lt3A_546 : vector<128x512xi1>
    %or3A_548 = arith.ori %gt3A_544, %and3A_547 : vector<128x512xi1>
    %xor3A_549 = vector.broadcast %eq3A_513 : vector<1x512xi1> to vector<128x512xi1>
    %xor3A_550 = arith.xori %or3A_548, %xor3A_549 : vector<128x512xi1>
    %select_n3A_551 = arith.select %xor3A_550, %select_n3A_522, %select_n3A_500 : vector<128x512xi1>, vector<128x512xf32>
    %select_n3A_552 = arith.select %xor3A_550, %select_n3A_531, %select_n3A_501 : vector<128x512xi1>, vector<128x512xi32>
    %and3A_553 = arith.constant 8 : i32
    %and3A_554 = vector.broadcast %and3A_553 : i32 to vector<1x512xi32>
    %and3A_555 = arith.andi %iota3A_2, %and3A_554 : vector<1x512xi32>
    %ne3A_556 = arith.constant 0 : i32
    %ne3A_557 = vector.broadcast %ne3A_556 : i32 to vector<1x512xi32>
    %ne3A_558 = arith.cmpi ne, %and3A_555, %ne3A_557 : vector<1x512xi32>
    %and3A_559 = arith.constant 32 : i32
    %and3A_560 = vector.broadcast %and3A_559 : i32 to vector<1x512xi32>
    %and3A_561 = arith.andi %iota3A_2, %and3A_560 : vector<1x512xi32>
    %eq3A_562 = arith.constant 0 : i32
    %eq3A_563 = vector.broadcast %eq3A_562 : i32 to vector<1x512xi32>
    %eq3A_564 = arith.cmpi eq, %and3A_561, %eq3A_563 : vector<1x512xi32>
    %slice3A_565 = vector.extract_strided_slice %select_n3A_551 {offsets = [0, 504], sizes = [128, 8], strides = [1, 1]} : vector<128x512xf32> to vector<128x8xf32>
    %slice3A_566 = vector.extract_strided_slice %select_n3A_551 {offsets = [0, 0], sizes = [128, 504], strides = [1, 1]} : vector<128x512xf32> to vector<128x504xf32>
    %concatenate3A_567 = tpu.concatenate %slice3A_565, %slice3A_566 in 1 : vector<128x8xf32>, vector<128x504xf32> -> vector<128x512xf32>
    %slice3A_568 = vector.extract_strided_slice %select_n3A_551 {offsets = [0, 8], sizes = [128, 504], strides = [1, 1]} : vector<128x512xf32> to vector<128x504xf32>
    %slice3A_569 = vector.extract_strided_slice %select_n3A_551 {offsets = [0, 0], sizes = [128, 8], strides = [1, 1]} : vector<128x512xf32> to vector<128x8xf32>
    %concatenate3A_570 = tpu.concatenate %slice3A_568, %slice3A_569 in 1 : vector<128x504xf32>, vector<128x8xf32> -> vector<128x512xf32>
    %broadcast_in_dim3A_571 = vector.shape_cast %ne3A_558 : vector<1x512xi1> to vector<1x512xi1>
    %broadcast_in_dim3A_572 = vector.broadcast %broadcast_in_dim3A_571 : vector<1x512xi1> to vector<128x512xi1>
    %select_n3A_573 = arith.select %broadcast_in_dim3A_572, %concatenate3A_567, %concatenate3A_570 : vector<128x512xi1>, vector<128x512xf32>
    %slice3A_574 = vector.extract_strided_slice %select_n3A_552 {offsets = [0, 504], sizes = [128, 8], strides = [1, 1]} : vector<128x512xi32> to vector<128x8xi32>
    %slice3A_575 = vector.extract_strided_slice %select_n3A_552 {offsets = [0, 0], sizes = [128, 504], strides = [1, 1]} : vector<128x512xi32> to vector<128x504xi32>
    %concatenate3A_576 = tpu.concatenate %slice3A_574, %slice3A_575 in 1 : vector<128x8xi32>, vector<128x504xi32> -> vector<128x512xi32>
    %slice3A_577 = vector.extract_strided_slice %select_n3A_552 {offsets = [0, 8], sizes = [128, 504], strides = [1, 1]} : vector<128x512xi32> to vector<128x504xi32>
    %slice3A_578 = vector.extract_strided_slice %select_n3A_552 {offsets = [0, 0], sizes = [128, 8], strides = [1, 1]} : vector<128x512xi32> to vector<128x8xi32>
    %concatenate3A_579 = tpu.concatenate %slice3A_577, %slice3A_578 in 1 : vector<128x504xi32>, vector<128x8xi32> -> vector<128x512xi32>
    %broadcast_in_dim3A_580 = vector.shape_cast %ne3A_558 : vector<1x512xi1> to vector<1x512xi1>
    %broadcast_in_dim3A_581 = vector.broadcast %broadcast_in_dim3A_580 : vector<1x512xi1> to vector<128x512xi1>
    %select_n3A_582 = arith.select %broadcast_in_dim3A_581, %concatenate3A_576, %concatenate3A_579 : vector<128x512xi1>, vector<128x512xi32>
    %broadcast_in_dim3A_583 = vector.shape_cast %ne3A_558 : vector<1x512xi1> to vector<1x512xi1>
    %broadcast_in_dim3A_584 = vector.broadcast %broadcast_in_dim3A_583 : vector<1x512xi1> to vector<128x512xi1>
    %select_n3A_585 = arith.select %broadcast_in_dim3A_584, %select_n3A_573, %select_n3A_551 : vector<128x512xi1>, vector<128x512xf32>
    %broadcast_in_dim3A_586 = vector.shape_cast %ne3A_558 : vector<1x512xi1> to vector<1x512xi1>
    %broadcast_in_dim3A_587 = vector.broadcast %broadcast_in_dim3A_586 : vector<1x512xi1> to vector<128x512xi1>
    %select_n3A_588 = arith.select %broadcast_in_dim3A_587, %select_n3A_551, %select_n3A_573 : vector<128x512xi1>, vector<128x512xf32>
    %broadcast_in_dim3A_589 = vector.shape_cast %ne3A_558 : vector<1x512xi1> to vector<1x512xi1>
    %broadcast_in_dim3A_590 = vector.broadcast %broadcast_in_dim3A_589 : vector<1x512xi1> to vector<128x512xi1>
    %select_n3A_591 = arith.select %broadcast_in_dim3A_590, %select_n3A_582, %select_n3A_552 : vector<128x512xi1>, vector<128x512xi32>
    %broadcast_in_dim3A_592 = vector.shape_cast %ne3A_558 : vector<1x512xi1> to vector<1x512xi1>
    %broadcast_in_dim3A_593 = vector.broadcast %broadcast_in_dim3A_592 : vector<1x512xi1> to vector<128x512xi1>
    %select_n3A_594 = arith.select %broadcast_in_dim3A_593, %select_n3A_552, %select_n3A_582 : vector<128x512xi1>, vector<128x512xi32>
    %gt3A_595 = arith.cmpf ogt, %select_n3A_585, %select_n3A_588 : vector<128x512xf32>
    %eq3A_596 = arith.cmpf oeq, %select_n3A_585, %select_n3A_588 : vector<128x512xf32>
    %lt3A_597 = arith.cmpi slt, %select_n3A_591, %select_n3A_594 : vector<128x512xi32>
    %and3A_598 = arith.andi %eq3A_596, %lt3A_597 : vector<128x512xi1>
    %or3A_599 = arith.ori %gt3A_595, %and3A_598 : vector<128x512xi1>
    %xor3A_600 = vector.broadcast %eq3A_564 : vector<1x512xi1> to vector<128x512xi1>
    %xor3A_601 = arith.xori %or3A_599, %xor3A_600 : vector<128x512xi1>
    %select_n3A_602 = arith.select %xor3A_601, %select_n3A_573, %select_n3A_551 : vector<128x512xi1>, vector<128x512xf32>
    %select_n3A_603 = arith.select %xor3A_601, %select_n3A_582, %select_n3A_552 : vector<128x512xi1>, vector<128x512xi32>
    %and3A_604 = arith.constant 4 : i32
    %and3A_605 = vector.broadcast %and3A_604 : i32 to vector<1x512xi32>
    %and3A_606 = arith.andi %iota3A_2, %and3A_605 : vector<1x512xi32>
    %ne3A_607 = arith.constant 0 : i32
    %ne3A_608 = vector.broadcast %ne3A_607 : i32 to vector<1x512xi32>
    %ne3A_609 = arith.cmpi ne, %and3A_606, %ne3A_608 : vector<1x512xi32>
    %and3A_610 = arith.constant 32 : i32
    %and3A_611 = vector.broadcast %and3A_610 : i32 to vector<1x512xi32>
    %and3A_612 = arith.andi %iota3A_2, %and3A_611 : vector<1x512xi32>
    %eq3A_613 = arith.constant 0 : i32
    %eq3A_614 = vector.broadcast %eq3A_613 : i32 to vector<1x512xi32>
    %eq3A_615 = arith.cmpi eq, %and3A_612, %eq3A_614 : vector<1x512xi32>
    %slice3A_616 = vector.extract_strided_slice %select_n3A_602 {offsets = [0, 508], sizes = [128, 4], strides = [1, 1]} : vector<128x512xf32> to vector<128x4xf32>
    %slice3A_617 = vector.extract_strided_slice %select_n3A_602 {offsets = [0, 0], sizes = [128, 508], strides = [1, 1]} : vector<128x512xf32> to vector<128x508xf32>
    %concatenate3A_618 = tpu.concatenate %slice3A_616, %slice3A_617 in 1 : vector<128x4xf32>, vector<128x508xf32> -> vector<128x512xf32>
    %slice3A_619 = vector.extract_strided_slice %select_n3A_602 {offsets = [0, 4], sizes = [128, 508], strides = [1, 1]} : vector<128x512xf32> to vector<128x508xf32>
    %slice3A_620 = vector.extract_strided_slice %select_n3A_602 {offsets = [0, 0], sizes = [128, 4], strides = [1, 1]} : vector<128x512xf32> to vector<128x4xf32>
    %concatenate3A_621 = tpu.concatenate %slice3A_619, %slice3A_620 in 1 : vector<128x508xf32>, vector<128x4xf32> -> vector<128x512xf32>
    %broadcast_in_dim3A_622 = vector.shape_cast %ne3A_609 : vector<1x512xi1> to vector<1x512xi1>
    %broadcast_in_dim3A_623 = vector.broadcast %broadcast_in_dim3A_622 : vector<1x512xi1> to vector<128x512xi1>
    %select_n3A_624 = arith.select %broadcast_in_dim3A_623, %concatenate3A_618, %concatenate3A_621 : vector<128x512xi1>, vector<128x512xf32>
    %slice3A_625 = vector.extract_strided_slice %select_n3A_603 {offsets = [0, 508], sizes = [128, 4], strides = [1, 1]} : vector<128x512xi32> to vector<128x4xi32>
    %slice3A_626 = vector.extract_strided_slice %select_n3A_603 {offsets = [0, 0], sizes = [128, 508], strides = [1, 1]} : vector<128x512xi32> to vector<128x508xi32>
    %concatenate3A_627 = tpu.concatenate %slice3A_625, %slice3A_626 in 1 : vector<128x4xi32>, vector<128x508xi32> -> vector<128x512xi32>
    %slice3A_628 = vector.extract_strided_slice %select_n3A_603 {offsets = [0, 4], sizes = [128, 508], strides = [1, 1]} : vector<128x512xi32> to vector<128x508xi32>
    %slice3A_629 = vector.extract_strided_slice %select_n3A_603 {offsets = [0, 0], sizes = [128, 4], strides = [1, 1]} : vector<128x512xi32> to vector<128x4xi32>
    %concatenate3A_630 = tpu.concatenate %slice3A_628, %slice3A_629 in 1 : vector<128x508xi32>, vector<128x4xi32> -> vector<128x512xi32>
    %broadcast_in_dim3A_631 = vector.shape_cast %ne3A_609 : vector<1x512xi1> to vector<1x512xi1>
    %broadcast_in_dim3A_632 = vector.broadcast %broadcast_in_dim3A_631 : vector<1x512xi1> to vector<128x512xi1>
    %select_n3A_633 = arith.select %broadcast_in_dim3A_632, %concatenate3A_627, %concatenate3A_630 : vector<128x512xi1>, vector<128x512xi32>
    %broadcast_in_dim3A_634 = vector.shape_cast %ne3A_609 : vector<1x512xi1> to vector<1x512xi1>
    %broadcast_in_dim3A_635 = vector.broadcast %broadcast_in_dim3A_634 : vector<1x512xi1> to vector<128x512xi1>
    %select_n3A_636 = arith.select %broadcast_in_dim3A_635, %select_n3A_624, %select_n3A_602 : vector<128x512xi1>, vector<128x512xf32>
    %broadcast_in_dim3A_637 = vector.shape_cast %ne3A_609 : vector<1x512xi1> to vector<1x512xi1>
    %broadcast_in_dim3A_638 = vector.broadcast %broadcast_in_dim3A_637 : vector<1x512xi1> to vector<128x512xi1>
    %select_n3A_639 = arith.select %broadcast_in_dim3A_638, %select_n3A_602, %select_n3A_624 : vector<128x512xi1>, vector<128x512xf32>
    %broadcast_in_dim3A_640 = vector.shape_cast %ne3A_609 : vector<1x512xi1> to vector<1x512xi1>
    %broadcast_in_dim3A_641 = vector.broadcast %broadcast_in_dim3A_640 : vector<1x512xi1> to vector<128x512xi1>
    %select_n3A_642 = arith.select %broadcast_in_dim3A_641, %select_n3A_633, %select_n3A_603 : vector<128x512xi1>, vector<128x512xi32>
    %broadcast_in_dim3A_643 = vector.shape_cast %ne3A_609 : vector<1x512xi1> to vector<1x512xi1>
    %broadcast_in_dim3A_644 = vector.broadcast %broadcast_in_dim3A_643 : vector<1x512xi1> to vector<128x512xi1>
    %select_n3A_645 = arith.select %broadcast_in_dim3A_644, %select_n3A_603, %select_n3A_633 : vector<128x512xi1>, vector<128x512xi32>
    %gt3A_646 = arith.cmpf ogt, %select_n3A_636, %select_n3A_639 : vector<128x512xf32>
    %eq3A_647 = arith.cmpf oeq, %select_n3A_636, %select_n3A_639 : vector<128x512xf32>
    %lt3A_648 = arith.cmpi slt, %select_n3A_642, %select_n3A_645 : vector<128x512xi32>
    %and3A_649 = arith.andi %eq3A_647, %lt3A_648 : vector<128x512xi1>
    %or3A_650 = arith.ori %gt3A_646, %and3A_649 : vector<128x512xi1>
    %xor3A_651 = vector.broadcast %eq3A_615 : vector<1x512xi1> to vector<128x512xi1>
    %xor3A_652 = arith.xori %or3A_650, %xor3A_651 : vector<128x512xi1>
    %select_n3A_653 = arith.select %xor3A_652, %select_n3A_624, %select_n3A_602 : vector<128x512xi1>, vector<128x512xf32>
    %select_n3A_654 = arith.select %xor3A_652, %select_n3A_633, %select_n3A_603 : vector<128x512xi1>, vector<128x512xi32>
    %and3A_655 = arith.constant 2 : i32
    %and3A_656 = vector.broadcast %and3A_655 : i32 to vector<1x512xi32>
    %and3A_657 = arith.andi %iota3A_2, %and3A_656 : vector<1x512xi32>
    %ne3A_658 = arith.constant 0 : i32
    %ne3A_659 = vector.broadcast %ne3A_658 : i32 to vector<1x512xi32>
    %ne3A_660 = arith.cmpi ne, %and3A_657, %ne3A_659 : vector<1x512xi32>
    %and3A_661 = arith.constant 32 : i32
    %and3A_662 = vector.broadcast %and3A_661 : i32 to vector<1x512xi32>
    %and3A_663 = arith.andi %iota3A_2, %and3A_662 : vector<1x512xi32>
    %eq3A_664 = arith.constant 0 : i32
    %eq3A_665 = vector.broadcast %eq3A_664 : i32 to vector<1x512xi32>
    %eq3A_666 = arith.cmpi eq, %and3A_663, %eq3A_665 : vector<1x512xi32>
    %slice3A_667 = vector.extract_strided_slice %select_n3A_653 {offsets = [0, 510], sizes = [128, 2], strides = [1, 1]} : vector<128x512xf32> to vector<128x2xf32>
    %slice3A_668 = vector.extract_strided_slice %select_n3A_653 {offsets = [0, 0], sizes = [128, 510], strides = [1, 1]} : vector<128x512xf32> to vector<128x510xf32>
    %concatenate3A_669 = tpu.concatenate %slice3A_667, %slice3A_668 in 1 : vector<128x2xf32>, vector<128x510xf32> -> vector<128x512xf32>
    %slice3A_670 = vector.extract_strided_slice %select_n3A_653 {offsets = [0, 2], sizes = [128, 510], strides = [1, 1]} : vector<128x512xf32> to vector<128x510xf32>
    %slice3A_671 = vector.extract_strided_slice %select_n3A_653 {offsets = [0, 0], sizes = [128, 2], strides = [1, 1]} : vector<128x512xf32> to vector<128x2xf32>
    %concatenate3A_672 = tpu.concatenate %slice3A_670, %slice3A_671 in 1 : vector<128x510xf32>, vector<128x2xf32> -> vector<128x512xf32>
    %broadcast_in_dim3A_673 = vector.shape_cast %ne3A_660 : vector<1x512xi1> to vector<1x512xi1>
    %broadcast_in_dim3A_674 = vector.broadcast %broadcast_in_dim3A_673 : vector<1x512xi1> to vector<128x512xi1>
    %select_n3A_675 = arith.select %broadcast_in_dim3A_674, %concatenate3A_669, %concatenate3A_672 : vector<128x512xi1>, vector<128x512xf32>
    %slice3A_676 = vector.extract_strided_slice %select_n3A_654 {offsets = [0, 510], sizes = [128, 2], strides = [1, 1]} : vector<128x512xi32> to vector<128x2xi32>
    %slice3A_677 = vector.extract_strided_slice %select_n3A_654 {offsets = [0, 0], sizes = [128, 510], strides = [1, 1]} : vector<128x512xi32> to vector<128x510xi32>
    %concatenate3A_678 = tpu.concatenate %slice3A_676, %slice3A_677 in 1 : vector<128x2xi32>, vector<128x510xi32> -> vector<128x512xi32>
    %slice3A_679 = vector.extract_strided_slice %select_n3A_654 {offsets = [0, 2], sizes = [128, 510], strides = [1, 1]} : vector<128x512xi32> to vector<128x510xi32>
    %slice3A_680 = vector.extract_strided_slice %select_n3A_654 {offsets = [0, 0], sizes = [128, 2], strides = [1, 1]} : vector<128x512xi32> to vector<128x2xi32>
    %concatenate3A_681 = tpu.concatenate %slice3A_679, %slice3A_680 in 1 : vector<128x510xi32>, vector<128x2xi32> -> vector<128x512xi32>
    %broadcast_in_dim3A_682 = vector.shape_cast %ne3A_660 : vector<1x512xi1> to vector<1x512xi1>
    %broadcast_in_dim3A_683 = vector.broadcast %broadcast_in_dim3A_682 : vector<1x512xi1> to vector<128x512xi1>
    %select_n3A_684 = arith.select %broadcast_in_dim3A_683, %concatenate3A_678, %concatenate3A_681 : vector<128x512xi1>, vector<128x512xi32>
    %broadcast_in_dim3A_685 = vector.shape_cast %ne3A_660 : vector<1x512xi1> to vector<1x512xi1>
    %broadcast_in_dim3A_686 = vector.broadcast %broadcast_in_dim3A_685 : vector<1x512xi1> to vector<128x512xi1>
    %select_n3A_687 = arith.select %broadcast_in_dim3A_686, %select_n3A_675, %select_n3A_653 : vector<128x512xi1>, vector<128x512xf32>
    %broadcast_in_dim3A_688 = vector.shape_cast %ne3A_660 : vector<1x512xi1> to vector<1x512xi1>
    %broadcast_in_dim3A_689 = vector.broadcast %broadcast_in_dim3A_688 : vector<1x512xi1> to vector<128x512xi1>
    %select_n3A_690 = arith.select %broadcast_in_dim3A_689, %select_n3A_653, %select_n3A_675 : vector<128x512xi1>, vector<128x512xf32>
    %broadcast_in_dim3A_691 = vector.shape_cast %ne3A_660 : vector<1x512xi1> to vector<1x512xi1>
    %broadcast_in_dim3A_692 = vector.broadcast %broadcast_in_dim3A_691 : vector<1x512xi1> to vector<128x512xi1>
    %select_n3A_693 = arith.select %broadcast_in_dim3A_692, %select_n3A_684, %select_n3A_654 : vector<128x512xi1>, vector<128x512xi32>
    %broadcast_in_dim3A_694 = vector.shape_cast %ne3A_660 : vector<1x512xi1> to vector<1x512xi1>
    %broadcast_in_dim3A_695 = vector.broadcast %broadcast_in_dim3A_694 : vector<1x512xi1> to vector<128x512xi1>
    %select_n3A_696 = arith.select %broadcast_in_dim3A_695, %select_n3A_654, %select_n3A_684 : vector<128x512xi1>, vector<128x512xi32>
    %gt3A_697 = arith.cmpf ogt, %select_n3A_687, %select_n3A_690 : vector<128x512xf32>
    %eq3A_698 = arith.cmpf oeq, %select_n3A_687, %select_n3A_690 : vector<128x512xf32>
    %lt3A_699 = arith.cmpi slt, %select_n3A_693, %select_n3A_696 : vector<128x512xi32>
    %and3A_700 = arith.andi %eq3A_698, %lt3A_699 : vector<128x512xi1>
    %or3A_701 = arith.ori %gt3A_697, %and3A_700 : vector<128x512xi1>
    %xor3A_702 = vector.broadcast %eq3A_666 : vector<1x512xi1> to vector<128x512xi1>
    %xor3A_703 = arith.xori %or3A_701, %xor3A_702 : vector<128x512xi1>
    %select_n3A_704 = arith.select %xor3A_703, %select_n3A_675, %select_n3A_653 : vector<128x512xi1>, vector<128x512xf32>
    %select_n3A_705 = arith.select %xor3A_703, %select_n3A_684, %select_n3A_654 : vector<128x512xi1>, vector<128x512xi32>
    %and3A_706 = arith.constant 1 : i32
    %and3A_707 = vector.broadcast %and3A_706 : i32 to vector<1x512xi32>
    %and3A_708 = arith.andi %iota3A_2, %and3A_707 : vector<1x512xi32>
    %ne3A_709 = arith.constant 0 : i32
    %ne3A_710 = vector.broadcast %ne3A_709 : i32 to vector<1x512xi32>
    %ne3A_711 = arith.cmpi ne, %and3A_708, %ne3A_710 : vector<1x512xi32>
    %and3A_712 = arith.constant 32 : i32
    %and3A_713 = vector.broadcast %and3A_712 : i32 to vector<1x512xi32>
    %and3A_714 = arith.andi %iota3A_2, %and3A_713 : vector<1x512xi32>
    %eq3A_715 = arith.constant 0 : i32
    %eq3A_716 = vector.broadcast %eq3A_715 : i32 to vector<1x512xi32>
    %eq3A_717 = arith.cmpi eq, %and3A_714, %eq3A_716 : vector<1x512xi32>
    %slice3A_718 = vector.extract_strided_slice %select_n3A_704 {offsets = [0, 511], sizes = [128, 1], strides = [1, 1]} : vector<128x512xf32> to vector<128x1xf32>
    %slice3A_719 = vector.extract_strided_slice %select_n3A_704 {offsets = [0, 0], sizes = [128, 511], strides = [1, 1]} : vector<128x512xf32> to vector<128x511xf32>
    %concatenate3A_720 = tpu.concatenate %slice3A_718, %slice3A_719 in 1 : vector<128x1xf32>, vector<128x511xf32> -> vector<128x512xf32>
    %slice3A_721 = vector.extract_strided_slice %select_n3A_704 {offsets = [0, 1], sizes = [128, 511], strides = [1, 1]} : vector<128x512xf32> to vector<128x511xf32>
    %slice3A_722 = vector.extract_strided_slice %select_n3A_704 {offsets = [0, 0], sizes = [128, 1], strides = [1, 1]} : vector<128x512xf32> to vector<128x1xf32>
    %concatenate3A_723 = tpu.concatenate %slice3A_721, %slice3A_722 in 1 : vector<128x511xf32>, vector<128x1xf32> -> vector<128x512xf32>
    %broadcast_in_dim3A_724 = vector.shape_cast %ne3A_711 : vector<1x512xi1> to vector<1x512xi1>
    %broadcast_in_dim3A_725 = vector.broadcast %broadcast_in_dim3A_724 : vector<1x512xi1> to vector<128x512xi1>
    %select_n3A_726 = arith.select %broadcast_in_dim3A_725, %concatenate3A_720, %concatenate3A_723 : vector<128x512xi1>, vector<128x512xf32>
    %slice3A_727 = vector.extract_strided_slice %select_n3A_705 {offsets = [0, 511], sizes = [128, 1], strides = [1, 1]} : vector<128x512xi32> to vector<128x1xi32>
    %slice3A_728 = vector.extract_strided_slice %select_n3A_705 {offsets = [0, 0], sizes = [128, 511], strides = [1, 1]} : vector<128x512xi32> to vector<128x511xi32>
    %concatenate3A_729 = tpu.concatenate %slice3A_727, %slice3A_728 in 1 : vector<128x1xi32>, vector<128x511xi32> -> vector<128x512xi32>
    %slice3A_730 = vector.extract_strided_slice %select_n3A_705 {offsets = [0, 1], sizes = [128, 511], strides = [1, 1]} : vector<128x512xi32> to vector<128x511xi32>
    %slice3A_731 = vector.extract_strided_slice %select_n3A_705 {offsets = [0, 0], sizes = [128, 1], strides = [1, 1]} : vector<128x512xi32> to vector<128x1xi32>
    %concatenate3A_732 = tpu.concatenate %slice3A_730, %slice3A_731 in 1 : vector<128x511xi32>, vector<128x1xi32> -> vector<128x512xi32>
    %broadcast_in_dim3A_733 = vector.shape_cast %ne3A_711 : vector<1x512xi1> to vector<1x512xi1>
    %broadcast_in_dim3A_734 = vector.broadcast %broadcast_in_dim3A_733 : vector<1x512xi1> to vector<128x512xi1>
    %select_n3A_735 = arith.select %broadcast_in_dim3A_734, %concatenate3A_729, %concatenate3A_732 : vector<128x512xi1>, vector<128x512xi32>
    %broadcast_in_dim3A_736 = vector.shape_cast %ne3A_711 : vector<1x512xi1> to vector<1x512xi1>
    %broadcast_in_dim3A_737 = vector.broadcast %broadcast_in_dim3A_736 : vector<1x512xi1> to vector<128x512xi1>
    %select_n3A_738 = arith.select %broadcast_in_dim3A_737, %select_n3A_726, %select_n3A_704 : vector<128x512xi1>, vector<128x512xf32>
    %broadcast_in_dim3A_739 = vector.shape_cast %ne3A_711 : vector<1x512xi1> to vector<1x512xi1>
    %broadcast_in_dim3A_740 = vector.broadcast %broadcast_in_dim3A_739 : vector<1x512xi1> to vector<128x512xi1>
    %select_n3A_741 = arith.select %broadcast_in_dim3A_740, %select_n3A_704, %select_n3A_726 : vector<128x512xi1>, vector<128x512xf32>
    %broadcast_in_dim3A_742 = vector.shape_cast %ne3A_711 : vector<1x512xi1> to vector<1x512xi1>
    %broadcast_in_dim3A_743 = vector.broadcast %broadcast_in_dim3A_742 : vector<1x512xi1> to vector<128x512xi1>
    %select_n3A_744 = arith.select %broadcast_in_dim3A_743, %select_n3A_735, %select_n3A_705 : vector<128x512xi1>, vector<128x512xi32>
    %broadcast_in_dim3A_745 = vector.shape_cast %ne3A_711 : vector<1x512xi1> to vector<1x512xi1>
    %broadcast_in_dim3A_746 = vector.broadcast %broadcast_in_dim3A_745 : vector<1x512xi1> to vector<128x512xi1>
    %select_n3A_747 = arith.select %broadcast_in_dim3A_746, %select_n3A_705, %select_n3A_735 : vector<128x512xi1>, vector<128x512xi32>
    %gt3A_748 = arith.cmpf ogt, %select_n3A_738, %select_n3A_741 : vector<128x512xf32>
    %eq3A_749 = arith.cmpf oeq, %select_n3A_738, %select_n3A_741 : vector<128x512xf32>
    %lt3A_750 = arith.cmpi slt, %select_n3A_744, %select_n3A_747 : vector<128x512xi32>
    %and3A_751 = arith.andi %eq3A_749, %lt3A_750 : vector<128x512xi1>
    %or3A_752 = arith.ori %gt3A_748, %and3A_751 : vector<128x512xi1>
    %xor3A_753 = vector.broadcast %eq3A_717 : vector<1x512xi1> to vector<128x512xi1>
    %xor3A_754 = arith.xori %or3A_752, %xor3A_753 : vector<128x512xi1>
    %select_n3A_755 = arith.select %xor3A_754, %select_n3A_726, %select_n3A_704 : vector<128x512xi1>, vector<128x512xf32>
    %select_n3A_756 = arith.select %xor3A_754, %select_n3A_735, %select_n3A_705 : vector<128x512xi1>, vector<128x512xi32>
    %and3A_757 = arith.constant 32 : i32
    %and3A_758 = vector.broadcast %and3A_757 : i32 to vector<1x512xi32>
    %and3A_759 = arith.andi %iota3A_2, %and3A_758 : vector<1x512xi32>
    %ne3A_760 = arith.constant 0 : i32
    %ne3A_761 = vector.broadcast %ne3A_760 : i32 to vector<1x512xi32>
    %ne3A_762 = arith.cmpi ne, %and3A_759, %ne3A_761 : vector<1x512xi32>
    %and3A_763 = arith.constant 64 : i32
    %and3A_764 = vector.broadcast %and3A_763 : i32 to vector<1x512xi32>
    %and3A_765 = arith.andi %iota3A_2, %and3A_764 : vector<1x512xi32>
    %eq3A_766 = arith.constant 0 : i32
    %eq3A_767 = vector.broadcast %eq3A_766 : i32 to vector<1x512xi32>
    %eq3A_768 = arith.cmpi eq, %and3A_765, %eq3A_767 : vector<1x512xi32>
    %slice3A_769 = vector.extract_strided_slice %select_n3A_755 {offsets = [0, 480], sizes = [128, 32], strides = [1, 1]} : vector<128x512xf32> to vector<128x32xf32>
    %slice3A_770 = vector.extract_strided_slice %select_n3A_755 {offsets = [0, 0], sizes = [128, 480], strides = [1, 1]} : vector<128x512xf32> to vector<128x480xf32>
    %concatenate3A_771 = tpu.concatenate %slice3A_769, %slice3A_770 in 1 : vector<128x32xf32>, vector<128x480xf32> -> vector<128x512xf32>
    %slice3A_772 = vector.extract_strided_slice %select_n3A_755 {offsets = [0, 32], sizes = [128, 480], strides = [1, 1]} : vector<128x512xf32> to vector<128x480xf32>
    %slice3A_773 = vector.extract_strided_slice %select_n3A_755 {offsets = [0, 0], sizes = [128, 32], strides = [1, 1]} : vector<128x512xf32> to vector<128x32xf32>
    %concatenate3A_774 = tpu.concatenate %slice3A_772, %slice3A_773 in 1 : vector<128x480xf32>, vector<128x32xf32> -> vector<128x512xf32>
    %broadcast_in_dim3A_775 = vector.shape_cast %ne3A_762 : vector<1x512xi1> to vector<1x512xi1>
    %broadcast_in_dim3A_776 = vector.broadcast %broadcast_in_dim3A_775 : vector<1x512xi1> to vector<128x512xi1>
    %select_n3A_777 = arith.select %broadcast_in_dim3A_776, %concatenate3A_771, %concatenate3A_774 : vector<128x512xi1>, vector<128x512xf32>
    %slice3A_778 = vector.extract_strided_slice %select_n3A_756 {offsets = [0, 480], sizes = [128, 32], strides = [1, 1]} : vector<128x512xi32> to vector<128x32xi32>
    %slice3A_779 = vector.extract_strided_slice %select_n3A_756 {offsets = [0, 0], sizes = [128, 480], strides = [1, 1]} : vector<128x512xi32> to vector<128x480xi32>
    %concatenate3A_780 = tpu.concatenate %slice3A_778, %slice3A_779 in 1 : vector<128x32xi32>, vector<128x480xi32> -> vector<128x512xi32>
    %slice3A_781 = vector.extract_strided_slice %select_n3A_756 {offsets = [0, 32], sizes = [128, 480], strides = [1, 1]} : vector<128x512xi32> to vector<128x480xi32>
    %slice3A_782 = vector.extract_strided_slice %select_n3A_756 {offsets = [0, 0], sizes = [128, 32], strides = [1, 1]} : vector<128x512xi32> to vector<128x32xi32>
    %concatenate3A_783 = tpu.concatenate %slice3A_781, %slice3A_782 in 1 : vector<128x480xi32>, vector<128x32xi32> -> vector<128x512xi32>
    %broadcast_in_dim3A_784 = vector.shape_cast %ne3A_762 : vector<1x512xi1> to vector<1x512xi1>
    %broadcast_in_dim3A_785 = vector.broadcast %broadcast_in_dim3A_784 : vector<1x512xi1> to vector<128x512xi1>
    %select_n3A_786 = arith.select %broadcast_in_dim3A_785, %concatenate3A_780, %concatenate3A_783 : vector<128x512xi1>, vector<128x512xi32>
    %broadcast_in_dim3A_787 = vector.shape_cast %ne3A_762 : vector<1x512xi1> to vector<1x512xi1>
    %broadcast_in_dim3A_788 = vector.broadcast %broadcast_in_dim3A_787 : vector<1x512xi1> to vector<128x512xi1>
    %select_n3A_789 = arith.select %broadcast_in_dim3A_788, %select_n3A_777, %select_n3A_755 : vector<128x512xi1>, vector<128x512xf32>
    %broadcast_in_dim3A_790 = vector.shape_cast %ne3A_762 : vector<1x512xi1> to vector<1x512xi1>
    %broadcast_in_dim3A_791 = vector.broadcast %broadcast_in_dim3A_790 : vector<1x512xi1> to vector<128x512xi1>
    %select_n3A_792 = arith.select %broadcast_in_dim3A_791, %select_n3A_755, %select_n3A_777 : vector<128x512xi1>, vector<128x512xf32>
    %broadcast_in_dim3A_793 = vector.shape_cast %ne3A_762 : vector<1x512xi1> to vector<1x512xi1>
    %broadcast_in_dim3A_794 = vector.broadcast %broadcast_in_dim3A_793 : vector<1x512xi1> to vector<128x512xi1>
    %select_n3A_795 = arith.select %broadcast_in_dim3A_794, %select_n3A_786, %select_n3A_756 : vector<128x512xi1>, vector<128x512xi32>
    %broadcast_in_dim3A_796 = vector.shape_cast %ne3A_762 : vector<1x512xi1> to vector<1x512xi1>
    %broadcast_in_dim3A_797 = vector.broadcast %broadcast_in_dim3A_796 : vector<1x512xi1> to vector<128x512xi1>
    %select_n3A_798 = arith.select %broadcast_in_dim3A_797, %select_n3A_756, %select_n3A_786 : vector<128x512xi1>, vector<128x512xi32>
    %gt3A_799 = arith.cmpf ogt, %select_n3A_789, %select_n3A_792 : vector<128x512xf32>
    %eq3A_800 = arith.cmpf oeq, %select_n3A_789, %select_n3A_792 : vector<128x512xf32>
    %lt3A_801 = arith.cmpi slt, %select_n3A_795, %select_n3A_798 : vector<128x512xi32>
    %and3A_802 = arith.andi %eq3A_800, %lt3A_801 : vector<128x512xi1>
    %or3A_803 = arith.ori %gt3A_799, %and3A_802 : vector<128x512xi1>
    %xor3A_804 = vector.broadcast %eq3A_768 : vector<1x512xi1> to vector<128x512xi1>
    %xor3A_805 = arith.xori %or3A_803, %xor3A_804 : vector<128x512xi1>
    %select_n3A_806 = arith.select %xor3A_805, %select_n3A_777, %select_n3A_755 : vector<128x512xi1>, vector<128x512xf32>
    %select_n3A_807 = arith.select %xor3A_805, %select_n3A_786, %select_n3A_756 : vector<128x512xi1>, vector<128x512xi32>
    %and3A_808 = arith.constant 16 : i32
    %and3A_809 = vector.broadcast %and3A_808 : i32 to vector<1x512xi32>
    %and3A_810 = arith.andi %iota3A_2, %and3A_809 : vector<1x512xi32>
    %ne3A_811 = arith.constant 0 : i32
    %ne3A_812 = vector.broadcast %ne3A_811 : i32 to vector<1x512xi32>
    %ne3A_813 = arith.cmpi ne, %and3A_810, %ne3A_812 : vector<1x512xi32>
    %and3A_814 = arith.constant 64 : i32
    %and3A_815 = vector.broadcast %and3A_814 : i32 to vector<1x512xi32>
    %and3A_816 = arith.andi %iota3A_2, %and3A_815 : vector<1x512xi32>
    %eq3A_817 = arith.constant 0 : i32
    %eq3A_818 = vector.broadcast %eq3A_817 : i32 to vector<1x512xi32>
    %eq3A_819 = arith.cmpi eq, %and3A_816, %eq3A_818 : vector<1x512xi32>
    %slice3A_820 = vector.extract_strided_slice %select_n3A_806 {offsets = [0, 496], sizes = [128, 16], strides = [1, 1]} : vector<128x512xf32> to vector<128x16xf32>
    %slice3A_821 = vector.extract_strided_slice %select_n3A_806 {offsets = [0, 0], sizes = [128, 496], strides = [1, 1]} : vector<128x512xf32> to vector<128x496xf32>
    %concatenate3A_822 = tpu.concatenate %slice3A_820, %slice3A_821 in 1 : vector<128x16xf32>, vector<128x496xf32> -> vector<128x512xf32>
    %slice3A_823 = vector.extract_strided_slice %select_n3A_806 {offsets = [0, 16], sizes = [128, 496], strides = [1, 1]} : vector<128x512xf32> to vector<128x496xf32>
    %slice3A_824 = vector.extract_strided_slice %select_n3A_806 {offsets = [0, 0], sizes = [128, 16], strides = [1, 1]} : vector<128x512xf32> to vector<128x16xf32>
    %concatenate3A_825 = tpu.concatenate %slice3A_823, %slice3A_824 in 1 : vector<128x496xf32>, vector<128x16xf32> -> vector<128x512xf32>
    %broadcast_in_dim3A_826 = vector.shape_cast %ne3A_813 : vector<1x512xi1> to vector<1x512xi1>
    %broadcast_in_dim3A_827 = vector.broadcast %broadcast_in_dim3A_826 : vector<1x512xi1> to vector<128x512xi1>
    %select_n3A_828 = arith.select %broadcast_in_dim3A_827, %concatenate3A_822, %concatenate3A_825 : vector<128x512xi1>, vector<128x512xf32>
    %slice3A_829 = vector.extract_strided_slice %select_n3A_807 {offsets = [0, 496], sizes = [128, 16], strides = [1, 1]} : vector<128x512xi32> to vector<128x16xi32>
    %slice3A_830 = vector.extract_strided_slice %select_n3A_807 {offsets = [0, 0], sizes = [128, 496], strides = [1, 1]} : vector<128x512xi32> to vector<128x496xi32>
    %concatenate3A_831 = tpu.concatenate %slice3A_829, %slice3A_830 in 1 : vector<128x16xi32>, vector<128x496xi32> -> vector<128x512xi32>
    %slice3A_832 = vector.extract_strided_slice %select_n3A_807 {offsets = [0, 16], sizes = [128, 496], strides = [1, 1]} : vector<128x512xi32> to vector<128x496xi32>
    %slice3A_833 = vector.extract_strided_slice %select_n3A_807 {offsets = [0, 0], sizes = [128, 16], strides = [1, 1]} : vector<128x512xi32> to vector<128x16xi32>
    %concatenate3A_834 = tpu.concatenate %slice3A_832, %slice3A_833 in 1 : vector<128x496xi32>, vector<128x16xi32> -> vector<128x512xi32>
    %broadcast_in_dim3A_835 = vector.shape_cast %ne3A_813 : vector<1x512xi1> to vector<1x512xi1>
    %broadcast_in_dim3A_836 = vector.broadcast %broadcast_in_dim3A_835 : vector<1x512xi1> to vector<128x512xi1>
    %select_n3A_837 = arith.select %broadcast_in_dim3A_836, %concatenate3A_831, %concatenate3A_834 : vector<128x512xi1>, vector<128x512xi32>
    %broadcast_in_dim3A_838 = vector.shape_cast %ne3A_813 : vector<1x512xi1> to vector<1x512xi1>
    %broadcast_in_dim3A_839 = vector.broadcast %broadcast_in_dim3A_838 : vector<1x512xi1> to vector<128x512xi1>
    %select_n3A_840 = arith.select %broadcast_in_dim3A_839, %select_n3A_828, %select_n3A_806 : vector<128x512xi1>, vector<128x512xf32>
    %broadcast_in_dim3A_841 = vector.shape_cast %ne3A_813 : vector<1x512xi1> to vector<1x512xi1>
    %broadcast_in_dim3A_842 = vector.broadcast %broadcast_in_dim3A_841 : vector<1x512xi1> to vector<128x512xi1>
    %select_n3A_843 = arith.select %broadcast_in_dim3A_842, %select_n3A_806, %select_n3A_828 : vector<128x512xi1>, vector<128x512xf32>
    %broadcast_in_dim3A_844 = vector.shape_cast %ne3A_813 : vector<1x512xi1> to vector<1x512xi1>
    %broadcast_in_dim3A_845 = vector.broadcast %broadcast_in_dim3A_844 : vector<1x512xi1> to vector<128x512xi1>
    %select_n3A_846 = arith.select %broadcast_in_dim3A_845, %select_n3A_837, %select_n3A_807 : vector<128x512xi1>, vector<128x512xi32>
    %broadcast_in_dim3A_847 = vector.shape_cast %ne3A_813 : vector<1x512xi1> to vector<1x512xi1>
    %broadcast_in_dim3A_848 = vector.broadcast %broadcast_in_dim3A_847 : vector<1x512xi1> to vector<128x512xi1>
    %select_n3A_849 = arith.select %broadcast_in_dim3A_848, %select_n3A_807, %select_n3A_837 : vector<128x512xi1>, vector<128x512xi32>
    %gt3A_850 = arith.cmpf ogt, %select_n3A_840, %select_n3A_843 : vector<128x512xf32>
    %eq3A_851 = arith.cmpf oeq, %select_n3A_840, %select_n3A_843 : vector<128x512xf32>
    %lt3A_852 = arith.cmpi slt, %select_n3A_846, %select_n3A_849 : vector<128x512xi32>
    %and3A_853 = arith.andi %eq3A_851, %lt3A_852 : vector<128x512xi1>
    %or3A_854 = arith.ori %gt3A_850, %and3A_853 : vector<128x512xi1>
    %xor3A_855 = vector.broadcast %eq3A_819 : vector<1x512xi1> to vector<128x512xi1>
    %xor3A_856 = arith.xori %or3A_854, %xor3A_855 : vector<128x512xi1>
    %select_n3A_857 = arith.select %xor3A_856, %select_n3A_828, %select_n3A_806 : vector<128x512xi1>, vector<128x512xf32>
    %select_n3A_858 = arith.select %xor3A_856, %select_n3A_837, %select_n3A_807 : vector<128x512xi1>, vector<128x512xi32>
    %and3A_859 = arith.constant 8 : i32
    %and3A_860 = vector.broadcast %and3A_859 : i32 to vector<1x512xi32>
    %and3A_861 = arith.andi %iota3A_2, %and3A_860 : vector<1x512xi32>
    %ne3A_862 = arith.constant 0 : i32
    %ne3A_863 = vector.broadcast %ne3A_862 : i32 to vector<1x512xi32>
    %ne3A_864 = arith.cmpi ne, %and3A_861, %ne3A_863 : vector<1x512xi32>
    %and3A_865 = arith.constant 64 : i32
    %and3A_866 = vector.broadcast %and3A_865 : i32 to vector<1x512xi32>
    %and3A_867 = arith.andi %iota3A_2, %and3A_866 : vector<1x512xi32>
    %eq3A_868 = arith.constant 0 : i32
    %eq3A_869 = vector.broadcast %eq3A_868 : i32 to vector<1x512xi32>
    %eq3A_870 = arith.cmpi eq, %and3A_867, %eq3A_869 : vector<1x512xi32>
    %slice3A_871 = vector.extract_strided_slice %select_n3A_857 {offsets = [0, 504], sizes = [128, 8], strides = [1, 1]} : vector<128x512xf32> to vector<128x8xf32>
    %slice3A_872 = vector.extract_strided_slice %select_n3A_857 {offsets = [0, 0], sizes = [128, 504], strides = [1, 1]} : vector<128x512xf32> to vector<128x504xf32>
    %concatenate3A_873 = tpu.concatenate %slice3A_871, %slice3A_872 in 1 : vector<128x8xf32>, vector<128x504xf32> -> vector<128x512xf32>
    %slice3A_874 = vector.extract_strided_slice %select_n3A_857 {offsets = [0, 8], sizes = [128, 504], strides = [1, 1]} : vector<128x512xf32> to vector<128x504xf32>
    %slice3A_875 = vector.extract_strided_slice %select_n3A_857 {offsets = [0, 0], sizes = [128, 8], strides = [1, 1]} : vector<128x512xf32> to vector<128x8xf32>
    %concatenate3A_876 = tpu.concatenate %slice3A_874, %slice3A_875 in 1 : vector<128x504xf32>, vector<128x8xf32> -> vector<128x512xf32>
    %broadcast_in_dim3A_877 = vector.shape_cast %ne3A_864 : vector<1x512xi1> to vector<1x512xi1>
    %broadcast_in_dim3A_878 = vector.broadcast %broadcast_in_dim3A_877 : vector<1x512xi1> to vector<128x512xi1>
    %select_n3A_879 = arith.select %broadcast_in_dim3A_878, %concatenate3A_873, %concatenate3A_876 : vector<128x512xi1>, vector<128x512xf32>
    %slice3A_880 = vector.extract_strided_slice %select_n3A_858 {offsets = [0, 504], sizes = [128, 8], strides = [1, 1]} : vector<128x512xi32> to vector<128x8xi32>
    %slice3A_881 = vector.extract_strided_slice %select_n3A_858 {offsets = [0, 0], sizes = [128, 504], strides = [1, 1]} : vector<128x512xi32> to vector<128x504xi32>
    %concatenate3A_882 = tpu.concatenate %slice3A_880, %slice3A_881 in 1 : vector<128x8xi32>, vector<128x504xi32> -> vector<128x512xi32>
    %slice3A_883 = vector.extract_strided_slice %select_n3A_858 {offsets = [0, 8], sizes = [128, 504], strides = [1, 1]} : vector<128x512xi32> to vector<128x504xi32>
    %slice3A_884 = vector.extract_strided_slice %select_n3A_858 {offsets = [0, 0], sizes = [128, 8], strides = [1, 1]} : vector<128x512xi32> to vector<128x8xi32>
    %concatenate3A_885 = tpu.concatenate %slice3A_883, %slice3A_884 in 1 : vector<128x504xi32>, vector<128x8xi32> -> vector<128x512xi32>
    %broadcast_in_dim3A_886 = vector.shape_cast %ne3A_864 : vector<1x512xi1> to vector<1x512xi1>
    %broadcast_in_dim3A_887 = vector.broadcast %broadcast_in_dim3A_886 : vector<1x512xi1> to vector<128x512xi1>
    %select_n3A_888 = arith.select %broadcast_in_dim3A_887, %concatenate3A_882, %concatenate3A_885 : vector<128x512xi1>, vector<128x512xi32>
    %broadcast_in_dim3A_889 = vector.shape_cast %ne3A_864 : vector<1x512xi1> to vector<1x512xi1>
    %broadcast_in_dim3A_890 = vector.broadcast %broadcast_in_dim3A_889 : vector<1x512xi1> to vector<128x512xi1>
    %select_n3A_891 = arith.select %broadcast_in_dim3A_890, %select_n3A_879, %select_n3A_857 : vector<128x512xi1>, vector<128x512xf32>
    %broadcast_in_dim3A_892 = vector.shape_cast %ne3A_864 : vector<1x512xi1> to vector<1x512xi1>
    %broadcast_in_dim3A_893 = vector.broadcast %broadcast_in_dim3A_892 : vector<1x512xi1> to vector<128x512xi1>
    %select_n3A_894 = arith.select %broadcast_in_dim3A_893, %select_n3A_857, %select_n3A_879 : vector<128x512xi1>, vector<128x512xf32>
    %broadcast_in_dim3A_895 = vector.shape_cast %ne3A_864 : vector<1x512xi1> to vector<1x512xi1>
    %broadcast_in_dim3A_896 = vector.broadcast %broadcast_in_dim3A_895 : vector<1x512xi1> to vector<128x512xi1>
    %select_n3A_897 = arith.select %broadcast_in_dim3A_896, %select_n3A_888, %select_n3A_858 : vector<128x512xi1>, vector<128x512xi32>
    %broadcast_in_dim3A_898 = vector.shape_cast %ne3A_864 : vector<1x512xi1> to vector<1x512xi1>
    %broadcast_in_dim3A_899 = vector.broadcast %broadcast_in_dim3A_898 : vector<1x512xi1> to vector<128x512xi1>
    %select_n3A_900 = arith.select %broadcast_in_dim3A_899, %select_n3A_858, %select_n3A_888 : vector<128x512xi1>, vector<128x512xi32>
    %gt3A_901 = arith.cmpf ogt, %select_n3A_891, %select_n3A_894 : vector<128x512xf32>
    %eq3A_902 = arith.cmpf oeq, %select_n3A_891, %select_n3A_894 : vector<128x512xf32>
    %lt3A_903 = arith.cmpi slt, %select_n3A_897, %select_n3A_900 : vector<128x512xi32>
    %and3A_904 = arith.andi %eq3A_902, %lt3A_903 : vector<128x512xi1>
    %or3A_905 = arith.ori %gt3A_901, %and3A_904 : vector<128x512xi1>
    %xor3A_906 = vector.broadcast %eq3A_870 : vector<1x512xi1> to vector<128x512xi1>
    %xor3A_907 = arith.xori %or3A_905, %xor3A_906 : vector<128x512xi1>
    %select_n3A_908 = arith.select %xor3A_907, %select_n3A_879, %select_n3A_857 : vector<128x512xi1>, vector<128x512xf32>
    %select_n3A_909 = arith.select %xor3A_907, %select_n3A_888, %select_n3A_858 : vector<128x512xi1>, vector<128x512xi32>
    %and3A_910 = arith.constant 4 : i32
    %and3A_911 = vector.broadcast %and3A_910 : i32 to vector<1x512xi32>
    %and3A_912 = arith.andi %iota3A_2, %and3A_911 : vector<1x512xi32>
    %ne3A_913 = arith.constant 0 : i32
    %ne3A_914 = vector.broadcast %ne3A_913 : i32 to vector<1x512xi32>
    %ne3A_915 = arith.cmpi ne, %and3A_912, %ne3A_914 : vector<1x512xi32>
    %and3A_916 = arith.constant 64 : i32
    %and3A_917 = vector.broadcast %and3A_916 : i32 to vector<1x512xi32>
    %and3A_918 = arith.andi %iota3A_2, %and3A_917 : vector<1x512xi32>
    %eq3A_919 = arith.constant 0 : i32
    %eq3A_920 = vector.broadcast %eq3A_919 : i32 to vector<1x512xi32>
    %eq3A_921 = arith.cmpi eq, %and3A_918, %eq3A_920 : vector<1x512xi32>
    %slice3A_922 = vector.extract_strided_slice %select_n3A_908 {offsets = [0, 508], sizes = [128, 4], strides = [1, 1]} : vector<128x512xf32> to vector<128x4xf32>
    %slice3A_923 = vector.extract_strided_slice %select_n3A_908 {offsets = [0, 0], sizes = [128, 508], strides = [1, 1]} : vector<128x512xf32> to vector<128x508xf32>
    %concatenate3A_924 = tpu.concatenate %slice3A_922, %slice3A_923 in 1 : vector<128x4xf32>, vector<128x508xf32> -> vector<128x512xf32>
    %slice3A_925 = vector.extract_strided_slice %select_n3A_908 {offsets = [0, 4], sizes = [128, 508], strides = [1, 1]} : vector<128x512xf32> to vector<128x508xf32>
    %slice3A_926 = vector.extract_strided_slice %select_n3A_908 {offsets = [0, 0], sizes = [128, 4], strides = [1, 1]} : vector<128x512xf32> to vector<128x4xf32>
    %concatenate3A_927 = tpu.concatenate %slice3A_925, %slice3A_926 in 1 : vector<128x508xf32>, vector<128x4xf32> -> vector<128x512xf32>
    %broadcast_in_dim3A_928 = vector.shape_cast %ne3A_915 : vector<1x512xi1> to vector<1x512xi1>
    %broadcast_in_dim3A_929 = vector.broadcast %broadcast_in_dim3A_928 : vector<1x512xi1> to vector<128x512xi1>
    %select_n3A_930 = arith.select %broadcast_in_dim3A_929, %concatenate3A_924, %concatenate3A_927 : vector<128x512xi1>, vector<128x512xf32>
    %slice3A_931 = vector.extract_strided_slice %select_n3A_909 {offsets = [0, 508], sizes = [128, 4], strides = [1, 1]} : vector<128x512xi32> to vector<128x4xi32>
    %slice3A_932 = vector.extract_strided_slice %select_n3A_909 {offsets = [0, 0], sizes = [128, 508], strides = [1, 1]} : vector<128x512xi32> to vector<128x508xi32>
    %concatenate3A_933 = tpu.concatenate %slice3A_931, %slice3A_932 in 1 : vector<128x4xi32>, vector<128x508xi32> -> vector<128x512xi32>
    %slice3A_934 = vector.extract_strided_slice %select_n3A_909 {offsets = [0, 4], sizes = [128, 508], strides = [1, 1]} : vector<128x512xi32> to vector<128x508xi32>
    %slice3A_935 = vector.extract_strided_slice %select_n3A_909 {offsets = [0, 0], sizes = [128, 4], strides = [1, 1]} : vector<128x512xi32> to vector<128x4xi32>
    %concatenate3A_936 = tpu.concatenate %slice3A_934, %slice3A_935 in 1 : vector<128x508xi32>, vector<128x4xi32> -> vector<128x512xi32>
    %broadcast_in_dim3A_937 = vector.shape_cast %ne3A_915 : vector<1x512xi1> to vector<1x512xi1>
    %broadcast_in_dim3A_938 = vector.broadcast %broadcast_in_dim3A_937 : vector<1x512xi1> to vector<128x512xi1>
    %select_n3A_939 = arith.select %broadcast_in_dim3A_938, %concatenate3A_933, %concatenate3A_936 : vector<128x512xi1>, vector<128x512xi32>
    %broadcast_in_dim3A_940 = vector.shape_cast %ne3A_915 : vector<1x512xi1> to vector<1x512xi1>
    %broadcast_in_dim3A_941 = vector.broadcast %broadcast_in_dim3A_940 : vector<1x512xi1> to vector<128x512xi1>
    %select_n3A_942 = arith.select %broadcast_in_dim3A_941, %select_n3A_930, %select_n3A_908 : vector<128x512xi1>, vector<128x512xf32>
    %broadcast_in_dim3A_943 = vector.shape_cast %ne3A_915 : vector<1x512xi1> to vector<1x512xi1>
    %broadcast_in_dim3A_944 = vector.broadcast %broadcast_in_dim3A_943 : vector<1x512xi1> to vector<128x512xi1>
    %select_n3A_945 = arith.select %broadcast_in_dim3A_944, %select_n3A_908, %select_n3A_930 : vector<128x512xi1>, vector<128x512xf32>
    %broadcast_in_dim3A_946 = vector.shape_cast %ne3A_915 : vector<1x512xi1> to vector<1x512xi1>
    %broadcast_in_dim3A_947 = vector.broadcast %broadcast_in_dim3A_946 : vector<1x512xi1> to vector<128x512xi1>
    %select_n3A_948 = arith.select %broadcast_in_dim3A_947, %select_n3A_939, %select_n3A_909 : vector<128x512xi1>, vector<128x512xi32>
    %broadcast_in_dim3A_949 = vector.shape_cast %ne3A_915 : vector<1x512xi1> to vector<1x512xi1>
    %broadcast_in_dim3A_950 = vector.broadcast %broadcast_in_dim3A_949 : vector<1x512xi1> to vector<128x512xi1>
    %select_n3A_951 = arith.select %broadcast_in_dim3A_950, %select_n3A_909, %select_n3A_939 : vector<128x512xi1>, vector<128x512xi32>
    %gt3A_952 = arith.cmpf ogt, %select_n3A_942, %select_n3A_945 : vector<128x512xf32>
    %eq3A_953 = arith.cmpf oeq, %select_n3A_942, %select_n3A_945 : vector<128x512xf32>
    %lt3A_954 = arith.cmpi slt, %select_n3A_948, %select_n3A_951 : vector<128x512xi32>
    %and3A_955 = arith.andi %eq3A_953, %lt3A_954 : vector<128x512xi1>
    %or3A_956 = arith.ori %gt3A_952, %and3A_955 : vector<128x512xi1>
    %xor3A_957 = vector.broadcast %eq3A_921 : vector<1x512xi1> to vector<128x512xi1>
    %xor3A_958 = arith.xori %or3A_956, %xor3A_957 : vector<128x512xi1>
    %select_n3A_959 = arith.select %xor3A_958, %select_n3A_930, %select_n3A_908 : vector<128x512xi1>, vector<128x512xf32>
    %select_n3A_960 = arith.select %xor3A_958, %select_n3A_939, %select_n3A_909 : vector<128x512xi1>, vector<128x512xi32>
    %and3A_961 = arith.constant 2 : i32
    %and3A_962 = vector.broadcast %and3A_961 : i32 to vector<1x512xi32>
    %and3A_963 = arith.andi %iota3A_2, %and3A_962 : vector<1x512xi32>
    %ne3A_964 = arith.constant 0 : i32
    %ne3A_965 = vector.broadcast %ne3A_964 : i32 to vector<1x512xi32>
    %ne3A_966 = arith.cmpi ne, %and3A_963, %ne3A_965 : vector<1x512xi32>
    %and3A_967 = arith.constant 64 : i32
    %and3A_968 = vector.broadcast %and3A_967 : i32 to vector<1x512xi32>
    %and3A_969 = arith.andi %iota3A_2, %and3A_968 : vector<1x512xi32>
    %eq3A_970 = arith.constant 0 : i32
    %eq3A_971 = vector.broadcast %eq3A_970 : i32 to vector<1x512xi32>
    %eq3A_972 = arith.cmpi eq, %and3A_969, %eq3A_971 : vector<1x512xi32>
    %slice3A_973 = vector.extract_strided_slice %select_n3A_959 {offsets = [0, 510], sizes = [128, 2], strides = [1, 1]} : vector<128x512xf32> to vector<128x2xf32>
    %slice3A_974 = vector.extract_strided_slice %select_n3A_959 {offsets = [0, 0], sizes = [128, 510], strides = [1, 1]} : vector<128x512xf32> to vector<128x510xf32>
    %concatenate3A_975 = tpu.concatenate %slice3A_973, %slice3A_974 in 1 : vector<128x2xf32>, vector<128x510xf32> -> vector<128x512xf32>
    %slice3A_976 = vector.extract_strided_slice %select_n3A_959 {offsets = [0, 2], sizes = [128, 510], strides = [1, 1]} : vector<128x512xf32> to vector<128x510xf32>
    %slice3A_977 = vector.extract_strided_slice %select_n3A_959 {offsets = [0, 0], sizes = [128, 2], strides = [1, 1]} : vector<128x512xf32> to vector<128x2xf32>
    %concatenate3A_978 = tpu.concatenate %slice3A_976, %slice3A_977 in 1 : vector<128x510xf32>, vector<128x2xf32> -> vector<128x512xf32>
    %broadcast_in_dim3A_979 = vector.shape_cast %ne3A_966 : vector<1x512xi1> to vector<1x512xi1>
    %broadcast_in_dim3A_980 = vector.broadcast %broadcast_in_dim3A_979 : vector<1x512xi1> to vector<128x512xi1>
    %select_n3A_981 = arith.select %broadcast_in_dim3A_980, %concatenate3A_975, %concatenate3A_978 : vector<128x512xi1>, vector<128x512xf32>
    %slice3A_982 = vector.extract_strided_slice %select_n3A_960 {offsets = [0, 510], sizes = [128, 2], strides = [1, 1]} : vector<128x512xi32> to vector<128x2xi32>
    %slice3A_983 = vector.extract_strided_slice %select_n3A_960 {offsets = [0, 0], sizes = [128, 510], strides = [1, 1]} : vector<128x512xi32> to vector<128x510xi32>
    %concatenate3A_984 = tpu.concatenate %slice3A_982, %slice3A_983 in 1 : vector<128x2xi32>, vector<128x510xi32> -> vector<128x512xi32>
    %slice3A_985 = vector.extract_strided_slice %select_n3A_960 {offsets = [0, 2], sizes = [128, 510], strides = [1, 1]} : vector<128x512xi32> to vector<128x510xi32>
    %slice3A_986 = vector.extract_strided_slice %select_n3A_960 {offsets = [0, 0], sizes = [128, 2], strides = [1, 1]} : vector<128x512xi32> to vector<128x2xi32>
    %concatenate3A_987 = tpu.concatenate %slice3A_985, %slice3A_986 in 1 : vector<128x510xi32>, vector<128x2xi32> -> vector<128x512xi32>
    %broadcast_in_dim3A_988 = vector.shape_cast %ne3A_966 : vector<1x512xi1> to vector<1x512xi1>
    %broadcast_in_dim3A_989 = vector.broadcast %broadcast_in_dim3A_988 : vector<1x512xi1> to vector<128x512xi1>
    %select_n3A_990 = arith.select %broadcast_in_dim3A_989, %concatenate3A_984, %concatenate3A_987 : vector<128x512xi1>, vector<128x512xi32>
    %broadcast_in_dim3A_991 = vector.shape_cast %ne3A_966 : vector<1x512xi1> to vector<1x512xi1>
    %broadcast_in_dim3A_992 = vector.broadcast %broadcast_in_dim3A_991 : vector<1x512xi1> to vector<128x512xi1>
    %select_n3A_993 = arith.select %broadcast_in_dim3A_992, %select_n3A_981, %select_n3A_959 : vector<128x512xi1>, vector<128x512xf32>
    %broadcast_in_dim3A_994 = vector.shape_cast %ne3A_966 : vector<1x512xi1> to vector<1x512xi1>
    %broadcast_in_dim3A_995 = vector.broadcast %broadcast_in_dim3A_994 : vector<1x512xi1> to vector<128x512xi1>
    %select_n3A_996 = arith.select %broadcast_in_dim3A_995, %select_n3A_959, %select_n3A_981 : vector<128x512xi1>, vector<128x512xf32>
    %broadcast_in_dim3A_997 = vector.shape_cast %ne3A_966 : vector<1x512xi1> to vector<1x512xi1>
    %broadcast_in_dim3A_998 = vector.broadcast %broadcast_in_dim3A_997 : vector<1x512xi1> to vector<128x512xi1>
    %select_n3A_999 = arith.select %broadcast_in_dim3A_998, %select_n3A_990, %select_n3A_960 : vector<128x512xi1>, vector<128x512xi32>
    %broadcast_in_dim3A_1000 = vector.shape_cast %ne3A_966 : vector<1x512xi1> to vector<1x512xi1>
    %broadcast_in_dim3A_1001 = vector.broadcast %broadcast_in_dim3A_1000 : vector<1x512xi1> to vector<128x512xi1>
    %select_n3A_1002 = arith.select %broadcast_in_dim3A_1001, %select_n3A_960, %select_n3A_990 : vector<128x512xi1>, vector<128x512xi32>
    %gt3A_1003 = arith.cmpf ogt, %select_n3A_993, %select_n3A_996 : vector<128x512xf32>
    %eq3A_1004 = arith.cmpf oeq, %select_n3A_993, %select_n3A_996 : vector<128x512xf32>
    %lt3A_1005 = arith.cmpi slt, %select_n3A_999, %select_n3A_1002 : vector<128x512xi32>
    %and3A_1006 = arith.andi %eq3A_1004, %lt3A_1005 : vector<128x512xi1>
    %or3A_1007 = arith.ori %gt3A_1003, %and3A_1006 : vector<128x512xi1>
    %xor3A_1008 = vector.broadcast %eq3A_972 : vector<1x512xi1> to vector<128x512xi1>
    %xor3A_1009 = arith.xori %or3A_1007, %xor3A_1008 : vector<128x512xi1>
    %select_n3A_1010 = arith.select %xor3A_1009, %select_n3A_981, %select_n3A_959 : vector<128x512xi1>, vector<128x512xf32>
    %select_n3A_1011 = arith.select %xor3A_1009, %select_n3A_990, %select_n3A_960 : vector<128x512xi1>, vector<128x512xi32>
    %and3A_1012 = arith.constant 1 : i32
    %and3A_1013 = vector.broadcast %and3A_1012 : i32 to vector<1x512xi32>
    %and3A_1014 = arith.andi %iota3A_2, %and3A_1013 : vector<1x512xi32>
    %ne3A_1015 = arith.constant 0 : i32
    %ne3A_1016 = vector.broadcast %ne3A_1015 : i32 to vector<1x512xi32>
    %ne3A_1017 = arith.cmpi ne, %and3A_1014, %ne3A_1016 : vector<1x512xi32>
    %and3A_1018 = arith.constant 64 : i32
    %and3A_1019 = vector.broadcast %and3A_1018 : i32 to vector<1x512xi32>
    %and3A_1020 = arith.andi %iota3A_2, %and3A_1019 : vector<1x512xi32>
    %eq3A_1021 = arith.constant 0 : i32
    %eq3A_1022 = vector.broadcast %eq3A_1021 : i32 to vector<1x512xi32>
    %eq3A_1023 = arith.cmpi eq, %and3A_1020, %eq3A_1022 : vector<1x512xi32>
    %slice3A_1024 = vector.extract_strided_slice %select_n3A_1010 {offsets = [0, 511], sizes = [128, 1], strides = [1, 1]} : vector<128x512xf32> to vector<128x1xf32>
    %slice3A_1025 = vector.extract_strided_slice %select_n3A_1010 {offsets = [0, 0], sizes = [128, 511], strides = [1, 1]} : vector<128x512xf32> to vector<128x511xf32>
    %concatenate3A_1026 = tpu.concatenate %slice3A_1024, %slice3A_1025 in 1 : vector<128x1xf32>, vector<128x511xf32> -> vector<128x512xf32>
    %slice3A_1027 = vector.extract_strided_slice %select_n3A_1010 {offsets = [0, 1], sizes = [128, 511], strides = [1, 1]} : vector<128x512xf32> to vector<128x511xf32>
    %slice3A_1028 = vector.extract_strided_slice %select_n3A_1010 {offsets = [0, 0], sizes = [128, 1], strides = [1, 1]} : vector<128x512xf32> to vector<128x1xf32>
    %concatenate3A_1029 = tpu.concatenate %slice3A_1027, %slice3A_1028 in 1 : vector<128x511xf32>, vector<128x1xf32> -> vector<128x512xf32>
    %broadcast_in_dim3A_1030 = vector.shape_cast %ne3A_1017 : vector<1x512xi1> to vector<1x512xi1>
    %broadcast_in_dim3A_1031 = vector.broadcast %broadcast_in_dim3A_1030 : vector<1x512xi1> to vector<128x512xi1>
    %select_n3A_1032 = arith.select %broadcast_in_dim3A_1031, %concatenate3A_1026, %concatenate3A_1029 : vector<128x512xi1>, vector<128x512xf32>
    %slice3A_1033 = vector.extract_strided_slice %select_n3A_1011 {offsets = [0, 511], sizes = [128, 1], strides = [1, 1]} : vector<128x512xi32> to vector<128x1xi32>
    %slice3A_1034 = vector.extract_strided_slice %select_n3A_1011 {offsets = [0, 0], sizes = [128, 511], strides = [1, 1]} : vector<128x512xi32> to vector<128x511xi32>
    %concatenate3A_1035 = tpu.concatenate %slice3A_1033, %slice3A_1034 in 1 : vector<128x1xi32>, vector<128x511xi32> -> vector<128x512xi32>
    %slice3A_1036 = vector.extract_strided_slice %select_n3A_1011 {offsets = [0, 1], sizes = [128, 511], strides = [1, 1]} : vector<128x512xi32> to vector<128x511xi32>
    %slice3A_1037 = vector.extract_strided_slice %select_n3A_1011 {offsets = [0, 0], sizes = [128, 1], strides = [1, 1]} : vector<128x512xi32> to vector<128x1xi32>
    %concatenate3A_1038 = tpu.concatenate %slice3A_1036, %slice3A_1037 in 1 : vector<128x511xi32>, vector<128x1xi32> -> vector<128x512xi32>
    %broadcast_in_dim3A_1039 = vector.shape_cast %ne3A_1017 : vector<1x512xi1> to vector<1x512xi1>
    %broadcast_in_dim3A_1040 = vector.broadcast %broadcast_in_dim3A_1039 : vector<1x512xi1> to vector<128x512xi1>
    %select_n3A_1041 = arith.select %broadcast_in_dim3A_1040, %concatenate3A_1035, %concatenate3A_1038 : vector<128x512xi1>, vector<128x512xi32>
    %broadcast_in_dim3A_1042 = vector.shape_cast %ne3A_1017 : vector<1x512xi1> to vector<1x512xi1>
    %broadcast_in_dim3A_1043 = vector.broadcast %broadcast_in_dim3A_1042 : vector<1x512xi1> to vector<128x512xi1>
    %select_n3A_1044 = arith.select %broadcast_in_dim3A_1043, %select_n3A_1032, %select_n3A_1010 : vector<128x512xi1>, vector<128x512xf32>
    %broadcast_in_dim3A_1045 = vector.shape_cast %ne3A_1017 : vector<1x512xi1> to vector<1x512xi1>
    %broadcast_in_dim3A_1046 = vector.broadcast %broadcast_in_dim3A_1045 : vector<1x512xi1> to vector<128x512xi1>
    %select_n3A_1047 = arith.select %broadcast_in_dim3A_1046, %select_n3A_1010, %select_n3A_1032 : vector<128x512xi1>, vector<128x512xf32>
    %broadcast_in_dim3A_1048 = vector.shape_cast %ne3A_1017 : vector<1x512xi1> to vector<1x512xi1>
    %broadcast_in_dim3A_1049 = vector.broadcast %broadcast_in_dim3A_1048 : vector<1x512xi1> to vector<128x512xi1>
    %select_n3A_1050 = arith.select %broadcast_in_dim3A_1049, %select_n3A_1041, %select_n3A_1011 : vector<128x512xi1>, vector<128x512xi32>
    %broadcast_in_dim3A_1051 = vector.shape_cast %ne3A_1017 : vector<1x512xi1> to vector<1x512xi1>
    %broadcast_in_dim3A_1052 = vector.broadcast %broadcast_in_dim3A_1051 : vector<1x512xi1> to vector<128x512xi1>
    %select_n3A_1053 = arith.select %broadcast_in_dim3A_1052, %select_n3A_1011, %select_n3A_1041 : vector<128x512xi1>, vector<128x512xi32>
    %gt3A_1054 = arith.cmpf ogt, %select_n3A_1044, %select_n3A_1047 : vector<128x512xf32>
    %eq3A_1055 = arith.cmpf oeq, %select_n3A_1044, %select_n3A_1047 : vector<128x512xf32>
    %lt3A_1056 = arith.cmpi slt, %select_n3A_1050, %select_n3A_1053 : vector<128x512xi32>
    %and3A_1057 = arith.andi %eq3A_1055, %lt3A_1056 : vector<128x512xi1>
    %or3A_1058 = arith.ori %gt3A_1054, %and3A_1057 : vector<128x512xi1>
    %xor3A_1059 = vector.broadcast %eq3A_1023 : vector<1x512xi1> to vector<128x512xi1>
    %xor3A_1060 = arith.xori %or3A_1058, %xor3A_1059 : vector<128x512xi1>
    %select_n3A_1061 = arith.select %xor3A_1060, %select_n3A_1032, %select_n3A_1010 : vector<128x512xi1>, vector<128x512xf32>
    %select_n3A_1062 = arith.select %xor3A_1060, %select_n3A_1041, %select_n3A_1011 : vector<128x512xi1>, vector<128x512xi32>
    %and3A_1063 = arith.constant 64 : i32
    %and3A_1064 = vector.broadcast %and3A_1063 : i32 to vector<1x512xi32>
    %and3A_1065 = arith.andi %iota3A_2, %and3A_1064 : vector<1x512xi32>
    %ne3A_1066 = arith.constant 0 : i32
    %ne3A_1067 = vector.broadcast %ne3A_1066 : i32 to vector<1x512xi32>
    %ne3A_1068 = arith.cmpi ne, %and3A_1065, %ne3A_1067 : vector<1x512xi32>
    %and3A_1069 = arith.constant 128 : i32
    %and3A_1070 = vector.broadcast %and3A_1069 : i32 to vector<1x512xi32>
    %and3A_1071 = arith.andi %iota3A_2, %and3A_1070 : vector<1x512xi32>
    %eq3A_1072 = arith.constant 0 : i32
    %eq3A_1073 = vector.broadcast %eq3A_1072 : i32 to vector<1x512xi32>
    %eq3A_1074 = arith.cmpi eq, %and3A_1071, %eq3A_1073 : vector<1x512xi32>
    %slice3A_1075 = vector.extract_strided_slice %select_n3A_1061 {offsets = [0, 448], sizes = [128, 64], strides = [1, 1]} : vector<128x512xf32> to vector<128x64xf32>
    %slice3A_1076 = vector.extract_strided_slice %select_n3A_1061 {offsets = [0, 0], sizes = [128, 448], strides = [1, 1]} : vector<128x512xf32> to vector<128x448xf32>
    %concatenate3A_1077 = tpu.concatenate %slice3A_1075, %slice3A_1076 in 1 : vector<128x64xf32>, vector<128x448xf32> -> vector<128x512xf32>
    %slice3A_1078 = vector.extract_strided_slice %select_n3A_1061 {offsets = [0, 64], sizes = [128, 448], strides = [1, 1]} : vector<128x512xf32> to vector<128x448xf32>
    %slice3A_1079 = vector.extract_strided_slice %select_n3A_1061 {offsets = [0, 0], sizes = [128, 64], strides = [1, 1]} : vector<128x512xf32> to vector<128x64xf32>
    %concatenate3A_1080 = tpu.concatenate %slice3A_1078, %slice3A_1079 in 1 : vector<128x448xf32>, vector<128x64xf32> -> vector<128x512xf32>
    %broadcast_in_dim3A_1081 = vector.shape_cast %ne3A_1068 : vector<1x512xi1> to vector<1x512xi1>
    %broadcast_in_dim3A_1082 = vector.broadcast %broadcast_in_dim3A_1081 : vector<1x512xi1> to vector<128x512xi1>
    %select_n3A_1083 = arith.select %broadcast_in_dim3A_1082, %concatenate3A_1077, %concatenate3A_1080 : vector<128x512xi1>, vector<128x512xf32>
    %slice3A_1084 = vector.extract_strided_slice %select_n3A_1062 {offsets = [0, 448], sizes = [128, 64], strides = [1, 1]} : vector<128x512xi32> to vector<128x64xi32>
    %slice3A_1085 = vector.extract_strided_slice %select_n3A_1062 {offsets = [0, 0], sizes = [128, 448], strides = [1, 1]} : vector<128x512xi32> to vector<128x448xi32>
    %concatenate3A_1086 = tpu.concatenate %slice3A_1084, %slice3A_1085 in 1 : vector<128x64xi32>, vector<128x448xi32> -> vector<128x512xi32>
    %slice3A_1087 = vector.extract_strided_slice %select_n3A_1062 {offsets = [0, 64], sizes = [128, 448], strides = [1, 1]} : vector<128x512xi32> to vector<128x448xi32>
    %slice3A_1088 = vector.extract_strided_slice %select_n3A_1062 {offsets = [0, 0], sizes = [128, 64], strides = [1, 1]} : vector<128x512xi32> to vector<128x64xi32>
    %concatenate3A_1089 = tpu.concatenate %slice3A_1087, %slice3A_1088 in 1 : vector<128x448xi32>, vector<128x64xi32> -> vector<128x512xi32>
    %broadcast_in_dim3A_1090 = vector.shape_cast %ne3A_1068 : vector<1x512xi1> to vector<1x512xi1>
    %broadcast_in_dim3A_1091 = vector.broadcast %broadcast_in_dim3A_1090 : vector<1x512xi1> to vector<128x512xi1>
    %select_n3A_1092 = arith.select %broadcast_in_dim3A_1091, %concatenate3A_1086, %concatenate3A_1089 : vector<128x512xi1>, vector<128x512xi32>
    %broadcast_in_dim3A_1093 = vector.shape_cast %ne3A_1068 : vector<1x512xi1> to vector<1x512xi1>
    %broadcast_in_dim3A_1094 = vector.broadcast %broadcast_in_dim3A_1093 : vector<1x512xi1> to vector<128x512xi1>
    %select_n3A_1095 = arith.select %broadcast_in_dim3A_1094, %select_n3A_1083, %select_n3A_1061 : vector<128x512xi1>, vector<128x512xf32>
    %broadcast_in_dim3A_1096 = vector.shape_cast %ne3A_1068 : vector<1x512xi1> to vector<1x512xi1>
    %broadcast_in_dim3A_1097 = vector.broadcast %broadcast_in_dim3A_1096 : vector<1x512xi1> to vector<128x512xi1>
    %select_n3A_1098 = arith.select %broadcast_in_dim3A_1097, %select_n3A_1061, %select_n3A_1083 : vector<128x512xi1>, vector<128x512xf32>
    %broadcast_in_dim3A_1099 = vector.shape_cast %ne3A_1068 : vector<1x512xi1> to vector<1x512xi1>
    %broadcast_in_dim3A_1100 = vector.broadcast %broadcast_in_dim3A_1099 : vector<1x512xi1> to vector<128x512xi1>
    %select_n3A_1101 = arith.select %broadcast_in_dim3A_1100, %select_n3A_1092, %select_n3A_1062 : vector<128x512xi1>, vector<128x512xi32>
    %broadcast_in_dim3A_1102 = vector.shape_cast %ne3A_1068 : vector<1x512xi1> to vector<1x512xi1>
    %broadcast_in_dim3A_1103 = vector.broadcast %broadcast_in_dim3A_1102 : vector<1x512xi1> to vector<128x512xi1>
    %select_n3A_1104 = arith.select %broadcast_in_dim3A_1103, %select_n3A_1062, %select_n3A_1092 : vector<128x512xi1>, vector<128x512xi32>
    %gt3A_1105 = arith.cmpf ogt, %select_n3A_1095, %select_n3A_1098 : vector<128x512xf32>
    %eq3A_1106 = arith.cmpf oeq, %select_n3A_1095, %select_n3A_1098 : vector<128x512xf32>
    %lt3A_1107 = arith.cmpi slt, %select_n3A_1101, %select_n3A_1104 : vector<128x512xi32>
    %and3A_1108 = arith.andi %eq3A_1106, %lt3A_1107 : vector<128x512xi1>
    %or3A_1109 = arith.ori %gt3A_1105, %and3A_1108 : vector<128x512xi1>
    %xor3A_1110 = vector.broadcast %eq3A_1074 : vector<1x512xi1> to vector<128x512xi1>
    %xor3A_1111 = arith.xori %or3A_1109, %xor3A_1110 : vector<128x512xi1>
    %select_n3A_1112 = arith.select %xor3A_1111, %select_n3A_1083, %select_n3A_1061 : vector<128x512xi1>, vector<128x512xf32>
    %select_n3A_1113 = arith.select %xor3A_1111, %select_n3A_1092, %select_n3A_1062 : vector<128x512xi1>, vector<128x512xi32>
    %and3A_1114 = arith.constant 32 : i32
    %and3A_1115 = vector.broadcast %and3A_1114 : i32 to vector<1x512xi32>
    %and3A_1116 = arith.andi %iota3A_2, %and3A_1115 : vector<1x512xi32>
    %ne3A_1117 = arith.constant 0 : i32
    %ne3A_1118 = vector.broadcast %ne3A_1117 : i32 to vector<1x512xi32>
    %ne3A_1119 = arith.cmpi ne, %and3A_1116, %ne3A_1118 : vector<1x512xi32>
    %and3A_1120 = arith.constant 128 : i32
    %and3A_1121 = vector.broadcast %and3A_1120 : i32 to vector<1x512xi32>
    %and3A_1122 = arith.andi %iota3A_2, %and3A_1121 : vector<1x512xi32>
    %eq3A_1123 = arith.constant 0 : i32
    %eq3A_1124 = vector.broadcast %eq3A_1123 : i32 to vector<1x512xi32>
    %eq3A_1125 = arith.cmpi eq, %and3A_1122, %eq3A_1124 : vector<1x512xi32>
    %slice3A_1126 = vector.extract_strided_slice %select_n3A_1112 {offsets = [0, 480], sizes = [128, 32], strides = [1, 1]} : vector<128x512xf32> to vector<128x32xf32>
    %slice3A_1127 = vector.extract_strided_slice %select_n3A_1112 {offsets = [0, 0], sizes = [128, 480], strides = [1, 1]} : vector<128x512xf32> to vector<128x480xf32>
    %concatenate3A_1128 = tpu.concatenate %slice3A_1126, %slice3A_1127 in 1 : vector<128x32xf32>, vector<128x480xf32> -> vector<128x512xf32>
    %slice3A_1129 = vector.extract_strided_slice %select_n3A_1112 {offsets = [0, 32], sizes = [128, 480], strides = [1, 1]} : vector<128x512xf32> to vector<128x480xf32>
    %slice3A_1130 = vector.extract_strided_slice %select_n3A_1112 {offsets = [0, 0], sizes = [128, 32], strides = [1, 1]} : vector<128x512xf32> to vector<128x32xf32>
    %concatenate3A_1131 = tpu.concatenate %slice3A_1129, %slice3A_1130 in 1 : vector<128x480xf32>, vector<128x32xf32> -> vector<128x512xf32>
    %broadcast_in_dim3A_1132 = vector.shape_cast %ne3A_1119 : vector<1x512xi1> to vector<1x512xi1>
    %broadcast_in_dim3A_1133 = vector.broadcast %broadcast_in_dim3A_1132 : vector<1x512xi1> to vector<128x512xi1>
    %select_n3A_1134 = arith.select %broadcast_in_dim3A_1133, %concatenate3A_1128, %concatenate3A_1131 : vector<128x512xi1>, vector<128x512xf32>
    %slice3A_1135 = vector.extract_strided_slice %select_n3A_1113 {offsets = [0, 480], sizes = [128, 32], strides = [1, 1]} : vector<128x512xi32> to vector<128x32xi32>
    %slice3A_1136 = vector.extract_strided_slice %select_n3A_1113 {offsets = [0, 0], sizes = [128, 480], strides = [1, 1]} : vector<128x512xi32> to vector<128x480xi32>
    %concatenate3A_1137 = tpu.concatenate %slice3A_1135, %slice3A_1136 in 1 : vector<128x32xi32>, vector<128x480xi32> -> vector<128x512xi32>
    %slice3A_1138 = vector.extract_strided_slice %select_n3A_1113 {offsets = [0, 32], sizes = [128, 480], strides = [1, 1]} : vector<128x512xi32> to vector<128x480xi32>
    %slice3A_1139 = vector.extract_strided_slice %select_n3A_1113 {offsets = [0, 0], sizes = [128, 32], strides = [1, 1]} : vector<128x512xi32> to vector<128x32xi32>
    %concatenate3A_1140 = tpu.concatenate %slice3A_1138, %slice3A_1139 in 1 : vector<128x480xi32>, vector<128x32xi32> -> vector<128x512xi32>
    %broadcast_in_dim3A_1141 = vector.shape_cast %ne3A_1119 : vector<1x512xi1> to vector<1x512xi1>
    %broadcast_in_dim3A_1142 = vector.broadcast %broadcast_in_dim3A_1141 : vector<1x512xi1> to vector<128x512xi1>
    %select_n3A_1143 = arith.select %broadcast_in_dim3A_1142, %concatenate3A_1137, %concatenate3A_1140 : vector<128x512xi1>, vector<128x512xi32>
    %broadcast_in_dim3A_1144 = vector.shape_cast %ne3A_1119 : vector<1x512xi1> to vector<1x512xi1>
    %broadcast_in_dim3A_1145 = vector.broadcast %broadcast_in_dim3A_1144 : vector<1x512xi1> to vector<128x512xi1>
    %select_n3A_1146 = arith.select %broadcast_in_dim3A_1145, %select_n3A_1134, %select_n3A_1112 : vector<128x512xi1>, vector<128x512xf32>
    %broadcast_in_dim3A_1147 = vector.shape_cast %ne3A_1119 : vector<1x512xi1> to vector<1x512xi1>
    %broadcast_in_dim3A_1148 = vector.broadcast %broadcast_in_dim3A_1147 : vector<1x512xi1> to vector<128x512xi1>
    %select_n3A_1149 = arith.select %broadcast_in_dim3A_1148, %select_n3A_1112, %select_n3A_1134 : vector<128x512xi1>, vector<128x512xf32>
    %broadcast_in_dim3A_1150 = vector.shape_cast %ne3A_1119 : vector<1x512xi1> to vector<1x512xi1>
    %broadcast_in_dim3A_1151 = vector.broadcast %broadcast_in_dim3A_1150 : vector<1x512xi1> to vector<128x512xi1>
    %select_n3A_1152 = arith.select %broadcast_in_dim3A_1151, %select_n3A_1143, %select_n3A_1113 : vector<128x512xi1>, vector<128x512xi32>
    %broadcast_in_dim3A_1153 = vector.shape_cast %ne3A_1119 : vector<1x512xi1> to vector<1x512xi1>
    %broadcast_in_dim3A_1154 = vector.broadcast %broadcast_in_dim3A_1153 : vector<1x512xi1> to vector<128x512xi1>
    %select_n3A_1155 = arith.select %broadcast_in_dim3A_1154, %select_n3A_1113, %select_n3A_1143 : vector<128x512xi1>, vector<128x512xi32>
    %gt3A_1156 = arith.cmpf ogt, %select_n3A_1146, %select_n3A_1149 : vector<128x512xf32>
    %eq3A_1157 = arith.cmpf oeq, %select_n3A_1146, %select_n3A_1149 : vector<128x512xf32>
    %lt3A_1158 = arith.cmpi slt, %select_n3A_1152, %select_n3A_1155 : vector<128x512xi32>
    %and3A_1159 = arith.andi %eq3A_1157, %lt3A_1158 : vector<128x512xi1>
    %or3A_1160 = arith.ori %gt3A_1156, %and3A_1159 : vector<128x512xi1>
    %xor3A_1161 = vector.broadcast %eq3A_1125 : vector<1x512xi1> to vector<128x512xi1>
    %xor3A_1162 = arith.xori %or3A_1160, %xor3A_1161 : vector<128x512xi1>
    %select_n3A_1163 = arith.select %xor3A_1162, %select_n3A_1134, %select_n3A_1112 : vector<128x512xi1>, vector<128x512xf32>
    %select_n3A_1164 = arith.select %xor3A_1162, %select_n3A_1143, %select_n3A_1113 : vector<128x512xi1>, vector<128x512xi32>
    %and3A_1165 = arith.constant 16 : i32
    %and3A_1166 = vector.broadcast %and3A_1165 : i32 to vector<1x512xi32>
    %and3A_1167 = arith.andi %iota3A_2, %and3A_1166 : vector<1x512xi32>
    %ne3A_1168 = arith.constant 0 : i32
    %ne3A_1169 = vector.broadcast %ne3A_1168 : i32 to vector<1x512xi32>
    %ne3A_1170 = arith.cmpi ne, %and3A_1167, %ne3A_1169 : vector<1x512xi32>
    %and3A_1171 = arith.constant 128 : i32
    %and3A_1172 = vector.broadcast %and3A_1171 : i32 to vector<1x512xi32>
    %and3A_1173 = arith.andi %iota3A_2, %and3A_1172 : vector<1x512xi32>
    %eq3A_1174 = arith.constant 0 : i32
    %eq3A_1175 = vector.broadcast %eq3A_1174 : i32 to vector<1x512xi32>
    %eq3A_1176 = arith.cmpi eq, %and3A_1173, %eq3A_1175 : vector<1x512xi32>
    %slice3A_1177 = vector.extract_strided_slice %select_n3A_1163 {offsets = [0, 496], sizes = [128, 16], strides = [1, 1]} : vector<128x512xf32> to vector<128x16xf32>
    %slice3A_1178 = vector.extract_strided_slice %select_n3A_1163 {offsets = [0, 0], sizes = [128, 496], strides = [1, 1]} : vector<128x512xf32> to vector<128x496xf32>
    %concatenate3A_1179 = tpu.concatenate %slice3A_1177, %slice3A_1178 in 1 : vector<128x16xf32>, vector<128x496xf32> -> vector<128x512xf32>
    %slice3A_1180 = vector.extract_strided_slice %select_n3A_1163 {offsets = [0, 16], sizes = [128, 496], strides = [1, 1]} : vector<128x512xf32> to vector<128x496xf32>
    %slice3A_1181 = vector.extract_strided_slice %select_n3A_1163 {offsets = [0, 0], sizes = [128, 16], strides = [1, 1]} : vector<128x512xf32> to vector<128x16xf32>
    %concatenate3A_1182 = tpu.concatenate %slice3A_1180, %slice3A_1181 in 1 : vector<128x496xf32>, vector<128x16xf32> -> vector<128x512xf32>
    %broadcast_in_dim3A_1183 = vector.shape_cast %ne3A_1170 : vector<1x512xi1> to vector<1x512xi1>
    %broadcast_in_dim3A_1184 = vector.broadcast %broadcast_in_dim3A_1183 : vector<1x512xi1> to vector<128x512xi1>
    %select_n3A_1185 = arith.select %broadcast_in_dim3A_1184, %concatenate3A_1179, %concatenate3A_1182 : vector<128x512xi1>, vector<128x512xf32>
    %slice3A_1186 = vector.extract_strided_slice %select_n3A_1164 {offsets = [0, 496], sizes = [128, 16], strides = [1, 1]} : vector<128x512xi32> to vector<128x16xi32>
    %slice3A_1187 = vector.extract_strided_slice %select_n3A_1164 {offsets = [0, 0], sizes = [128, 496], strides = [1, 1]} : vector<128x512xi32> to vector<128x496xi32>
    %concatenate3A_1188 = tpu.concatenate %slice3A_1186, %slice3A_1187 in 1 : vector<128x16xi32>, vector<128x496xi32> -> vector<128x512xi32>
    %slice3A_1189 = vector.extract_strided_slice %select_n3A_1164 {offsets = [0, 16], sizes = [128, 496], strides = [1, 1]} : vector<128x512xi32> to vector<128x496xi32>
    %slice3A_1190 = vector.extract_strided_slice %select_n3A_1164 {offsets = [0, 0], sizes = [128, 16], strides = [1, 1]} : vector<128x512xi32> to vector<128x16xi32>
    %concatenate3A_1191 = tpu.concatenate %slice3A_1189, %slice3A_1190 in 1 : vector<128x496xi32>, vector<128x16xi32> -> vector<128x512xi32>
    %broadcast_in_dim3A_1192 = vector.shape_cast %ne3A_1170 : vector<1x512xi1> to vector<1x512xi1>
    %broadcast_in_dim3A_1193 = vector.broadcast %broadcast_in_dim3A_1192 : vector<1x512xi1> to vector<128x512xi1>
    %select_n3A_1194 = arith.select %broadcast_in_dim3A_1193, %concatenate3A_1188, %concatenate3A_1191 : vector<128x512xi1>, vector<128x512xi32>
    %broadcast_in_dim3A_1195 = vector.shape_cast %ne3A_1170 : vector<1x512xi1> to vector<1x512xi1>
    %broadcast_in_dim3A_1196 = vector.broadcast %broadcast_in_dim3A_1195 : vector<1x512xi1> to vector<128x512xi1>
    %select_n3A_1197 = arith.select %broadcast_in_dim3A_1196, %select_n3A_1185, %select_n3A_1163 : vector<128x512xi1>, vector<128x512xf32>
    %broadcast_in_dim3A_1198 = vector.shape_cast %ne3A_1170 : vector<1x512xi1> to vector<1x512xi1>
    %broadcast_in_dim3A_1199 = vector.broadcast %broadcast_in_dim3A_1198 : vector<1x512xi1> to vector<128x512xi1>
    %select_n3A_1200 = arith.select %broadcast_in_dim3A_1199, %select_n3A_1163, %select_n3A_1185 : vector<128x512xi1>, vector<128x512xf32>
    %broadcast_in_dim3A_1201 = vector.shape_cast %ne3A_1170 : vector<1x512xi1> to vector<1x512xi1>
    %broadcast_in_dim3A_1202 = vector.broadcast %broadcast_in_dim3A_1201 : vector<1x512xi1> to vector<128x512xi1>
    %select_n3A_1203 = arith.select %broadcast_in_dim3A_1202, %select_n3A_1194, %select_n3A_1164 : vector<128x512xi1>, vector<128x512xi32>
    %broadcast_in_dim3A_1204 = vector.shape_cast %ne3A_1170 : vector<1x512xi1> to vector<1x512xi1>
    %broadcast_in_dim3A_1205 = vector.broadcast %broadcast_in_dim3A_1204 : vector<1x512xi1> to vector<128x512xi1>
    %select_n3A_1206 = arith.select %broadcast_in_dim3A_1205, %select_n3A_1164, %select_n3A_1194 : vector<128x512xi1>, vector<128x512xi32>
    %gt3A_1207 = arith.cmpf ogt, %select_n3A_1197, %select_n3A_1200 : vector<128x512xf32>
    %eq3A_1208 = arith.cmpf oeq, %select_n3A_1197, %select_n3A_1200 : vector<128x512xf32>
    %lt3A_1209 = arith.cmpi slt, %select_n3A_1203, %select_n3A_1206 : vector<128x512xi32>
    %and3A_1210 = arith.andi %eq3A_1208, %lt3A_1209 : vector<128x512xi1>
    %or3A_1211 = arith.ori %gt3A_1207, %and3A_1210 : vector<128x512xi1>
    %xor3A_1212 = vector.broadcast %eq3A_1176 : vector<1x512xi1> to vector<128x512xi1>
    %xor3A_1213 = arith.xori %or3A_1211, %xor3A_1212 : vector<128x512xi1>
    %select_n3A_1214 = arith.select %xor3A_1213, %select_n3A_1185, %select_n3A_1163 : vector<128x512xi1>, vector<128x512xf32>
    %select_n3A_1215 = arith.select %xor3A_1213, %select_n3A_1194, %select_n3A_1164 : vector<128x512xi1>, vector<128x512xi32>
    %and3A_1216 = arith.constant 8 : i32
    %and3A_1217 = vector.broadcast %and3A_1216 : i32 to vector<1x512xi32>
    %and3A_1218 = arith.andi %iota3A_2, %and3A_1217 : vector<1x512xi32>
    %ne3A_1219 = arith.constant 0 : i32
    %ne3A_1220 = vector.broadcast %ne3A_1219 : i32 to vector<1x512xi32>
    %ne3A_1221 = arith.cmpi ne, %and3A_1218, %ne3A_1220 : vector<1x512xi32>
    %and3A_1222 = arith.constant 128 : i32
    %and3A_1223 = vector.broadcast %and3A_1222 : i32 to vector<1x512xi32>
    %and3A_1224 = arith.andi %iota3A_2, %and3A_1223 : vector<1x512xi32>
    %eq3A_1225 = arith.constant 0 : i32
    %eq3A_1226 = vector.broadcast %eq3A_1225 : i32 to vector<1x512xi32>
    %eq3A_1227 = arith.cmpi eq, %and3A_1224, %eq3A_1226 : vector<1x512xi32>
    %slice3A_1228 = vector.extract_strided_slice %select_n3A_1214 {offsets = [0, 504], sizes = [128, 8], strides = [1, 1]} : vector<128x512xf32> to vector<128x8xf32>
    %slice3A_1229 = vector.extract_strided_slice %select_n3A_1214 {offsets = [0, 0], sizes = [128, 504], strides = [1, 1]} : vector<128x512xf32> to vector<128x504xf32>
    %concatenate3A_1230 = tpu.concatenate %slice3A_1228, %slice3A_1229 in 1 : vector<128x8xf32>, vector<128x504xf32> -> vector<128x512xf32>
    %slice3A_1231 = vector.extract_strided_slice %select_n3A_1214 {offsets = [0, 8], sizes = [128, 504], strides = [1, 1]} : vector<128x512xf32> to vector<128x504xf32>
    %slice3A_1232 = vector.extract_strided_slice %select_n3A_1214 {offsets = [0, 0], sizes = [128, 8], strides = [1, 1]} : vector<128x512xf32> to vector<128x8xf32>
    %concatenate3A_1233 = tpu.concatenate %slice3A_1231, %slice3A_1232 in 1 : vector<128x504xf32>, vector<128x8xf32> -> vector<128x512xf32>
    %broadcast_in_dim3A_1234 = vector.shape_cast %ne3A_1221 : vector<1x512xi1> to vector<1x512xi1>
    %broadcast_in_dim3A_1235 = vector.broadcast %broadcast_in_dim3A_1234 : vector<1x512xi1> to vector<128x512xi1>
    %select_n3A_1236 = arith.select %broadcast_in_dim3A_1235, %concatenate3A_1230, %concatenate3A_1233 : vector<128x512xi1>, vector<128x512xf32>
    %slice3A_1237 = vector.extract_strided_slice %select_n3A_1215 {offsets = [0, 504], sizes = [128, 8], strides = [1, 1]} : vector<128x512xi32> to vector<128x8xi32>
    %slice3A_1238 = vector.extract_strided_slice %select_n3A_1215 {offsets = [0, 0], sizes = [128, 504], strides = [1, 1]} : vector<128x512xi32> to vector<128x504xi32>
    %concatenate3A_1239 = tpu.concatenate %slice3A_1237, %slice3A_1238 in 1 : vector<128x8xi32>, vector<128x504xi32> -> vector<128x512xi32>
    %slice3A_1240 = vector.extract_strided_slice %select_n3A_1215 {offsets = [0, 8], sizes = [128, 504], strides = [1, 1]} : vector<128x512xi32> to vector<128x504xi32>
    %slice3A_1241 = vector.extract_strided_slice %select_n3A_1215 {offsets = [0, 0], sizes = [128, 8], strides = [1, 1]} : vector<128x512xi32> to vector<128x8xi32>
    %concatenate3A_1242 = tpu.concatenate %slice3A_1240, %slice3A_1241 in 1 : vector<128x504xi32>, vector<128x8xi32> -> vector<128x512xi32>
    %broadcast_in_dim3A_1243 = vector.shape_cast %ne3A_1221 : vector<1x512xi1> to vector<1x512xi1>
    %broadcast_in_dim3A_1244 = vector.broadcast %broadcast_in_dim3A_1243 : vector<1x512xi1> to vector<128x512xi1>
    %select_n3A_1245 = arith.select %broadcast_in_dim3A_1244, %concatenate3A_1239, %concatenate3A_1242 : vector<128x512xi1>, vector<128x512xi32>
    %broadcast_in_dim3A_1246 = vector.shape_cast %ne3A_1221 : vector<1x512xi1> to vector<1x512xi1>
    %broadcast_in_dim3A_1247 = vector.broadcast %broadcast_in_dim3A_1246 : vector<1x512xi1> to vector<128x512xi1>
    %select_n3A_1248 = arith.select %broadcast_in_dim3A_1247, %select_n3A_1236, %select_n3A_1214 : vector<128x512xi1>, vector<128x512xf32>
    %broadcast_in_dim3A_1249 = vector.shape_cast %ne3A_1221 : vector<1x512xi1> to vector<1x512xi1>
    %broadcast_in_dim3A_1250 = vector.broadcast %broadcast_in_dim3A_1249 : vector<1x512xi1> to vector<128x512xi1>
    %select_n3A_1251 = arith.select %broadcast_in_dim3A_1250, %select_n3A_1214, %select_n3A_1236 : vector<128x512xi1>, vector<128x512xf32>
    %broadcast_in_dim3A_1252 = vector.shape_cast %ne3A_1221 : vector<1x512xi1> to vector<1x512xi1>
    %broadcast_in_dim3A_1253 = vector.broadcast %broadcast_in_dim3A_1252 : vector<1x512xi1> to vector<128x512xi1>
    %select_n3A_1254 = arith.select %broadcast_in_dim3A_1253, %select_n3A_1245, %select_n3A_1215 : vector<128x512xi1>, vector<128x512xi32>
    %broadcast_in_dim3A_1255 = vector.shape_cast %ne3A_1221 : vector<1x512xi1> to vector<1x512xi1>
    %broadcast_in_dim3A_1256 = vector.broadcast %broadcast_in_dim3A_1255 : vector<1x512xi1> to vector<128x512xi1>
    %select_n3A_1257 = arith.select %broadcast_in_dim3A_1256, %select_n3A_1215, %select_n3A_1245 : vector<128x512xi1>, vector<128x512xi32>
    %gt3A_1258 = arith.cmpf ogt, %select_n3A_1248, %select_n3A_1251 : vector<128x512xf32>
    %eq3A_1259 = arith.cmpf oeq, %select_n3A_1248, %select_n3A_1251 : vector<128x512xf32>
    %lt3A_1260 = arith.cmpi slt, %select_n3A_1254, %select_n3A_1257 : vector<128x512xi32>
    %and3A_1261 = arith.andi %eq3A_1259, %lt3A_1260 : vector<128x512xi1>
    %or3A_1262 = arith.ori %gt3A_1258, %and3A_1261 : vector<128x512xi1>
    %xor3A_1263 = vector.broadcast %eq3A_1227 : vector<1x512xi1> to vector<128x512xi1>
    %xor3A_1264 = arith.xori %or3A_1262, %xor3A_1263 : vector<128x512xi1>
    %select_n3A_1265 = arith.select %xor3A_1264, %select_n3A_1236, %select_n3A_1214 : vector<128x512xi1>, vector<128x512xf32>
    %select_n3A_1266 = arith.select %xor3A_1264, %select_n3A_1245, %select_n3A_1215 : vector<128x512xi1>, vector<128x512xi32>
    %and3A_1267 = arith.constant 4 : i32
    %and3A_1268 = vector.broadcast %and3A_1267 : i32 to vector<1x512xi32>
    %and3A_1269 = arith.andi %iota3A_2, %and3A_1268 : vector<1x512xi32>
    %ne3A_1270 = arith.constant 0 : i32
    %ne3A_1271 = vector.broadcast %ne3A_1270 : i32 to vector<1x512xi32>
    %ne3A_1272 = arith.cmpi ne, %and3A_1269, %ne3A_1271 : vector<1x512xi32>
    %and3A_1273 = arith.constant 128 : i32
    %and3A_1274 = vector.broadcast %and3A_1273 : i32 to vector<1x512xi32>
    %and3A_1275 = arith.andi %iota3A_2, %and3A_1274 : vector<1x512xi32>
    %eq3A_1276 = arith.constant 0 : i32
    %eq3A_1277 = vector.broadcast %eq3A_1276 : i32 to vector<1x512xi32>
    %eq3A_1278 = arith.cmpi eq, %and3A_1275, %eq3A_1277 : vector<1x512xi32>
    %slice3A_1279 = vector.extract_strided_slice %select_n3A_1265 {offsets = [0, 508], sizes = [128, 4], strides = [1, 1]} : vector<128x512xf32> to vector<128x4xf32>
    %slice3A_1280 = vector.extract_strided_slice %select_n3A_1265 {offsets = [0, 0], sizes = [128, 508], strides = [1, 1]} : vector<128x512xf32> to vector<128x508xf32>
    %concatenate3A_1281 = tpu.concatenate %slice3A_1279, %slice3A_1280 in 1 : vector<128x4xf32>, vector<128x508xf32> -> vector<128x512xf32>
    %slice3A_1282 = vector.extract_strided_slice %select_n3A_1265 {offsets = [0, 4], sizes = [128, 508], strides = [1, 1]} : vector<128x512xf32> to vector<128x508xf32>
    %slice3A_1283 = vector.extract_strided_slice %select_n3A_1265 {offsets = [0, 0], sizes = [128, 4], strides = [1, 1]} : vector<128x512xf32> to vector<128x4xf32>
    %concatenate3A_1284 = tpu.concatenate %slice3A_1282, %slice3A_1283 in 1 : vector<128x508xf32>, vector<128x4xf32> -> vector<128x512xf32>
    %broadcast_in_dim3A_1285 = vector.shape_cast %ne3A_1272 : vector<1x512xi1> to vector<1x512xi1>
    %broadcast_in_dim3A_1286 = vector.broadcast %broadcast_in_dim3A_1285 : vector<1x512xi1> to vector<128x512xi1>
    %select_n3A_1287 = arith.select %broadcast_in_dim3A_1286, %concatenate3A_1281, %concatenate3A_1284 : vector<128x512xi1>, vector<128x512xf32>
    %slice3A_1288 = vector.extract_strided_slice %select_n3A_1266 {offsets = [0, 508], sizes = [128, 4], strides = [1, 1]} : vector<128x512xi32> to vector<128x4xi32>
    %slice3A_1289 = vector.extract_strided_slice %select_n3A_1266 {offsets = [0, 0], sizes = [128, 508], strides = [1, 1]} : vector<128x512xi32> to vector<128x508xi32>
    %concatenate3A_1290 = tpu.concatenate %slice3A_1288, %slice3A_1289 in 1 : vector<128x4xi32>, vector<128x508xi32> -> vector<128x512xi32>
    %slice3A_1291 = vector.extract_strided_slice %select_n3A_1266 {offsets = [0, 4], sizes = [128, 508], strides = [1, 1]} : vector<128x512xi32> to vector<128x508xi32>
    %slice3A_1292 = vector.extract_strided_slice %select_n3A_1266 {offsets = [0, 0], sizes = [128, 4], strides = [1, 1]} : vector<128x512xi32> to vector<128x4xi32>
    %concatenate3A_1293 = tpu.concatenate %slice3A_1291, %slice3A_1292 in 1 : vector<128x508xi32>, vector<128x4xi32> -> vector<128x512xi32>
    %broadcast_in_dim3A_1294 = vector.shape_cast %ne3A_1272 : vector<1x512xi1> to vector<1x512xi1>
    %broadcast_in_dim3A_1295 = vector.broadcast %broadcast_in_dim3A_1294 : vector<1x512xi1> to vector<128x512xi1>
    %select_n3A_1296 = arith.select %broadcast_in_dim3A_1295, %concatenate3A_1290, %concatenate3A_1293 : vector<128x512xi1>, vector<128x512xi32>
    %broadcast_in_dim3A_1297 = vector.shape_cast %ne3A_1272 : vector<1x512xi1> to vector<1x512xi1>
    %broadcast_in_dim3A_1298 = vector.broadcast %broadcast_in_dim3A_1297 : vector<1x512xi1> to vector<128x512xi1>
    %select_n3A_1299 = arith.select %broadcast_in_dim3A_1298, %select_n3A_1287, %select_n3A_1265 : vector<128x512xi1>, vector<128x512xf32>
    %broadcast_in_dim3A_1300 = vector.shape_cast %ne3A_1272 : vector<1x512xi1> to vector<1x512xi1>
    %broadcast_in_dim3A_1301 = vector.broadcast %broadcast_in_dim3A_1300 : vector<1x512xi1> to vector<128x512xi1>
    %select_n3A_1302 = arith.select %broadcast_in_dim3A_1301, %select_n3A_1265, %select_n3A_1287 : vector<128x512xi1>, vector<128x512xf32>
    %broadcast_in_dim3A_1303 = vector.shape_cast %ne3A_1272 : vector<1x512xi1> to vector<1x512xi1>
    %broadcast_in_dim3A_1304 = vector.broadcast %broadcast_in_dim3A_1303 : vector<1x512xi1> to vector<128x512xi1>
    %select_n3A_1305 = arith.select %broadcast_in_dim3A_1304, %select_n3A_1296, %select_n3A_1266 : vector<128x512xi1>, vector<128x512xi32>
    %broadcast_in_dim3A_1306 = vector.shape_cast %ne3A_1272 : vector<1x512xi1> to vector<1x512xi1>
    %broadcast_in_dim3A_1307 = vector.broadcast %broadcast_in_dim3A_1306 : vector<1x512xi1> to vector<128x512xi1>
    %select_n3A_1308 = arith.select %broadcast_in_dim3A_1307, %select_n3A_1266, %select_n3A_1296 : vector<128x512xi1>, vector<128x512xi32>
    %gt3A_1309 = arith.cmpf ogt, %select_n3A_1299, %select_n3A_1302 : vector<128x512xf32>
    %eq3A_1310 = arith.cmpf oeq, %select_n3A_1299, %select_n3A_1302 : vector<128x512xf32>
    %lt3A_1311 = arith.cmpi slt, %select_n3A_1305, %select_n3A_1308 : vector<128x512xi32>
    %and3A_1312 = arith.andi %eq3A_1310, %lt3A_1311 : vector<128x512xi1>
    %or3A_1313 = arith.ori %gt3A_1309, %and3A_1312 : vector<128x512xi1>
    %xor3A_1314 = vector.broadcast %eq3A_1278 : vector<1x512xi1> to vector<128x512xi1>
    %xor3A_1315 = arith.xori %or3A_1313, %xor3A_1314 : vector<128x512xi1>
    %select_n3A_1316 = arith.select %xor3A_1315, %select_n3A_1287, %select_n3A_1265 : vector<128x512xi1>, vector<128x512xf32>
    %select_n3A_1317 = arith.select %xor3A_1315, %select_n3A_1296, %select_n3A_1266 : vector<128x512xi1>, vector<128x512xi32>
    %and3A_1318 = arith.constant 2 : i32
    %and3A_1319 = vector.broadcast %and3A_1318 : i32 to vector<1x512xi32>
    %and3A_1320 = arith.andi %iota3A_2, %and3A_1319 : vector<1x512xi32>
    %ne3A_1321 = arith.constant 0 : i32
    %ne3A_1322 = vector.broadcast %ne3A_1321 : i32 to vector<1x512xi32>
    %ne3A_1323 = arith.cmpi ne, %and3A_1320, %ne3A_1322 : vector<1x512xi32>
    %and3A_1324 = arith.constant 128 : i32
    %and3A_1325 = vector.broadcast %and3A_1324 : i32 to vector<1x512xi32>
    %and3A_1326 = arith.andi %iota3A_2, %and3A_1325 : vector<1x512xi32>
    %eq3A_1327 = arith.constant 0 : i32
    %eq3A_1328 = vector.broadcast %eq3A_1327 : i32 to vector<1x512xi32>
    %eq3A_1329 = arith.cmpi eq, %and3A_1326, %eq3A_1328 : vector<1x512xi32>
    %slice3A_1330 = vector.extract_strided_slice %select_n3A_1316 {offsets = [0, 510], sizes = [128, 2], strides = [1, 1]} : vector<128x512xf32> to vector<128x2xf32>
    %slice3A_1331 = vector.extract_strided_slice %select_n3A_1316 {offsets = [0, 0], sizes = [128, 510], strides = [1, 1]} : vector<128x512xf32> to vector<128x510xf32>
    %concatenate3A_1332 = tpu.concatenate %slice3A_1330, %slice3A_1331 in 1 : vector<128x2xf32>, vector<128x510xf32> -> vector<128x512xf32>
    %slice3A_1333 = vector.extract_strided_slice %select_n3A_1316 {offsets = [0, 2], sizes = [128, 510], strides = [1, 1]} : vector<128x512xf32> to vector<128x510xf32>
    %slice3A_1334 = vector.extract_strided_slice %select_n3A_1316 {offsets = [0, 0], sizes = [128, 2], strides = [1, 1]} : vector<128x512xf32> to vector<128x2xf32>
    %concatenate3A_1335 = tpu.concatenate %slice3A_1333, %slice3A_1334 in 1 : vector<128x510xf32>, vector<128x2xf32> -> vector<128x512xf32>
    %broadcast_in_dim3A_1336 = vector.shape_cast %ne3A_1323 : vector<1x512xi1> to vector<1x512xi1>
    %broadcast_in_dim3A_1337 = vector.broadcast %broadcast_in_dim3A_1336 : vector<1x512xi1> to vector<128x512xi1>
    %select_n3A_1338 = arith.select %broadcast_in_dim3A_1337, %concatenate3A_1332, %concatenate3A_1335 : vector<128x512xi1>, vector<128x512xf32>
    %slice3A_1339 = vector.extract_strided_slice %select_n3A_1317 {offsets = [0, 510], sizes = [128, 2], strides = [1, 1]} : vector<128x512xi32> to vector<128x2xi32>
    %slice3A_1340 = vector.extract_strided_slice %select_n3A_1317 {offsets = [0, 0], sizes = [128, 510], strides = [1, 1]} : vector<128x512xi32> to vector<128x510xi32>
    %concatenate3A_1341 = tpu.concatenate %slice3A_1339, %slice3A_1340 in 1 : vector<128x2xi32>, vector<128x510xi32> -> vector<128x512xi32>
    %slice3A_1342 = vector.extract_strided_slice %select_n3A_1317 {offsets = [0, 2], sizes = [128, 510], strides = [1, 1]} : vector<128x512xi32> to vector<128x510xi32>
    %slice3A_1343 = vector.extract_strided_slice %select_n3A_1317 {offsets = [0, 0], sizes = [128, 2], strides = [1, 1]} : vector<128x512xi32> to vector<128x2xi32>
    %concatenate3A_1344 = tpu.concatenate %slice3A_1342, %slice3A_1343 in 1 : vector<128x510xi32>, vector<128x2xi32> -> vector<128x512xi32>
    %broadcast_in_dim3A_1345 = vector.shape_cast %ne3A_1323 : vector<1x512xi1> to vector<1x512xi1>
    %broadcast_in_dim3A_1346 = vector.broadcast %broadcast_in_dim3A_1345 : vector<1x512xi1> to vector<128x512xi1>
    %select_n3A_1347 = arith.select %broadcast_in_dim3A_1346, %concatenate3A_1341, %concatenate3A_1344 : vector<128x512xi1>, vector<128x512xi32>
    %broadcast_in_dim3A_1348 = vector.shape_cast %ne3A_1323 : vector<1x512xi1> to vector<1x512xi1>
    %broadcast_in_dim3A_1349 = vector.broadcast %broadcast_in_dim3A_1348 : vector<1x512xi1> to vector<128x512xi1>
    %select_n3A_1350 = arith.select %broadcast_in_dim3A_1349, %select_n3A_1338, %select_n3A_1316 : vector<128x512xi1>, vector<128x512xf32>
    %broadcast_in_dim3A_1351 = vector.shape_cast %ne3A_1323 : vector<1x512xi1> to vector<1x512xi1>
    %broadcast_in_dim3A_1352 = vector.broadcast %broadcast_in_dim3A_1351 : vector<1x512xi1> to vector<128x512xi1>
    %select_n3A_1353 = arith.select %broadcast_in_dim3A_1352, %select_n3A_1316, %select_n3A_1338 : vector<128x512xi1>, vector<128x512xf32>
    %broadcast_in_dim3A_1354 = vector.shape_cast %ne3A_1323 : vector<1x512xi1> to vector<1x512xi1>
    %broadcast_in_dim3A_1355 = vector.broadcast %broadcast_in_dim3A_1354 : vector<1x512xi1> to vector<128x512xi1>
    %select_n3A_1356 = arith.select %broadcast_in_dim3A_1355, %select_n3A_1347, %select_n3A_1317 : vector<128x512xi1>, vector<128x512xi32>
    %broadcast_in_dim3A_1357 = vector.shape_cast %ne3A_1323 : vector<1x512xi1> to vector<1x512xi1>
    %broadcast_in_dim3A_1358 = vector.broadcast %broadcast_in_dim3A_1357 : vector<1x512xi1> to vector<128x512xi1>
    %select_n3A_1359 = arith.select %broadcast_in_dim3A_1358, %select_n3A_1317, %select_n3A_1347 : vector<128x512xi1>, vector<128x512xi32>
    %gt3A_1360 = arith.cmpf ogt, %select_n3A_1350, %select_n3A_1353 : vector<128x512xf32>
    %eq3A_1361 = arith.cmpf oeq, %select_n3A_1350, %select_n3A_1353 : vector<128x512xf32>
    %lt3A_1362 = arith.cmpi slt, %select_n3A_1356, %select_n3A_1359 : vector<128x512xi32>
    %and3A_1363 = arith.andi %eq3A_1361, %lt3A_1362 : vector<128x512xi1>
    %or3A_1364 = arith.ori %gt3A_1360, %and3A_1363 : vector<128x512xi1>
    %xor3A_1365 = vector.broadcast %eq3A_1329 : vector<1x512xi1> to vector<128x512xi1>
    %xor3A_1366 = arith.xori %or3A_1364, %xor3A_1365 : vector<128x512xi1>
    %select_n3A_1367 = arith.select %xor3A_1366, %select_n3A_1338, %select_n3A_1316 : vector<128x512xi1>, vector<128x512xf32>
    %select_n3A_1368 = arith.select %xor3A_1366, %select_n3A_1347, %select_n3A_1317 : vector<128x512xi1>, vector<128x512xi32>
    %and3A_1369 = arith.constant 1 : i32
    %and3A_1370 = vector.broadcast %and3A_1369 : i32 to vector<1x512xi32>
    %and3A_1371 = arith.andi %iota3A_2, %and3A_1370 : vector<1x512xi32>
    %ne3A_1372 = arith.constant 0 : i32
    %ne3A_1373 = vector.broadcast %ne3A_1372 : i32 to vector<1x512xi32>
    %ne3A_1374 = arith.cmpi ne, %and3A_1371, %ne3A_1373 : vector<1x512xi32>
    %and3A_1375 = arith.constant 128 : i32
    %and3A_1376 = vector.broadcast %and3A_1375 : i32 to vector<1x512xi32>
    %and3A_1377 = arith.andi %iota3A_2, %and3A_1376 : vector<1x512xi32>
    %eq3A_1378 = arith.constant 0 : i32
    %eq3A_1379 = vector.broadcast %eq3A_1378 : i32 to vector<1x512xi32>
    %eq3A_1380 = arith.cmpi eq, %and3A_1377, %eq3A_1379 : vector<1x512xi32>
    %slice3A_1381 = vector.extract_strided_slice %select_n3A_1367 {offsets = [0, 511], sizes = [128, 1], strides = [1, 1]} : vector<128x512xf32> to vector<128x1xf32>
    %slice3A_1382 = vector.extract_strided_slice %select_n3A_1367 {offsets = [0, 0], sizes = [128, 511], strides = [1, 1]} : vector<128x512xf32> to vector<128x511xf32>
    %concatenate3A_1383 = tpu.concatenate %slice3A_1381, %slice3A_1382 in 1 : vector<128x1xf32>, vector<128x511xf32> -> vector<128x512xf32>
    %slice3A_1384 = vector.extract_strided_slice %select_n3A_1367 {offsets = [0, 1], sizes = [128, 511], strides = [1, 1]} : vector<128x512xf32> to vector<128x511xf32>
    %slice3A_1385 = vector.extract_strided_slice %select_n3A_1367 {offsets = [0, 0], sizes = [128, 1], strides = [1, 1]} : vector<128x512xf32> to vector<128x1xf32>
    %concatenate3A_1386 = tpu.concatenate %slice3A_1384, %slice3A_1385 in 1 : vector<128x511xf32>, vector<128x1xf32> -> vector<128x512xf32>
    %broadcast_in_dim3A_1387 = vector.shape_cast %ne3A_1374 : vector<1x512xi1> to vector<1x512xi1>
    %broadcast_in_dim3A_1388 = vector.broadcast %broadcast_in_dim3A_1387 : vector<1x512xi1> to vector<128x512xi1>
    %select_n3A_1389 = arith.select %broadcast_in_dim3A_1388, %concatenate3A_1383, %concatenate3A_1386 : vector<128x512xi1>, vector<128x512xf32>
    %slice3A_1390 = vector.extract_strided_slice %select_n3A_1368 {offsets = [0, 511], sizes = [128, 1], strides = [1, 1]} : vector<128x512xi32> to vector<128x1xi32>
    %slice3A_1391 = vector.extract_strided_slice %select_n3A_1368 {offsets = [0, 0], sizes = [128, 511], strides = [1, 1]} : vector<128x512xi32> to vector<128x511xi32>
    %concatenate3A_1392 = tpu.concatenate %slice3A_1390, %slice3A_1391 in 1 : vector<128x1xi32>, vector<128x511xi32> -> vector<128x512xi32>
    %slice3A_1393 = vector.extract_strided_slice %select_n3A_1368 {offsets = [0, 1], sizes = [128, 511], strides = [1, 1]} : vector<128x512xi32> to vector<128x511xi32>
    %slice3A_1394 = vector.extract_strided_slice %select_n3A_1368 {offsets = [0, 0], sizes = [128, 1], strides = [1, 1]} : vector<128x512xi32> to vector<128x1xi32>
    %concatenate3A_1395 = tpu.concatenate %slice3A_1393, %slice3A_1394 in 1 : vector<128x511xi32>, vector<128x1xi32> -> vector<128x512xi32>
    %broadcast_in_dim3A_1396 = vector.shape_cast %ne3A_1374 : vector<1x512xi1> to vector<1x512xi1>
    %broadcast_in_dim3A_1397 = vector.broadcast %broadcast_in_dim3A_1396 : vector<1x512xi1> to vector<128x512xi1>
    %select_n3A_1398 = arith.select %broadcast_in_dim3A_1397, %concatenate3A_1392, %concatenate3A_1395 : vector<128x512xi1>, vector<128x512xi32>
    %broadcast_in_dim3A_1399 = vector.shape_cast %ne3A_1374 : vector<1x512xi1> to vector<1x512xi1>
    %broadcast_in_dim3A_1400 = vector.broadcast %broadcast_in_dim3A_1399 : vector<1x512xi1> to vector<128x512xi1>
    %select_n3A_1401 = arith.select %broadcast_in_dim3A_1400, %select_n3A_1389, %select_n3A_1367 : vector<128x512xi1>, vector<128x512xf32>
    %broadcast_in_dim3A_1402 = vector.shape_cast %ne3A_1374 : vector<1x512xi1> to vector<1x512xi1>
    %broadcast_in_dim3A_1403 = vector.broadcast %broadcast_in_dim3A_1402 : vector<1x512xi1> to vector<128x512xi1>
    %select_n3A_1404 = arith.select %broadcast_in_dim3A_1403, %select_n3A_1367, %select_n3A_1389 : vector<128x512xi1>, vector<128x512xf32>
    %broadcast_in_dim3A_1405 = vector.shape_cast %ne3A_1374 : vector<1x512xi1> to vector<1x512xi1>
    %broadcast_in_dim3A_1406 = vector.broadcast %broadcast_in_dim3A_1405 : vector<1x512xi1> to vector<128x512xi1>
    %select_n3A_1407 = arith.select %broadcast_in_dim3A_1406, %select_n3A_1398, %select_n3A_1368 : vector<128x512xi1>, vector<128x512xi32>
    %broadcast_in_dim3A_1408 = vector.shape_cast %ne3A_1374 : vector<1x512xi1> to vector<1x512xi1>
    %broadcast_in_dim3A_1409 = vector.broadcast %broadcast_in_dim3A_1408 : vector<1x512xi1> to vector<128x512xi1>
    %select_n3A_1410 = arith.select %broadcast_in_dim3A_1409, %select_n3A_1368, %select_n3A_1398 : vector<128x512xi1>, vector<128x512xi32>
    %gt3A_1411 = arith.cmpf ogt, %select_n3A_1401, %select_n3A_1404 : vector<128x512xf32>
    %eq3A_1412 = arith.cmpf oeq, %select_n3A_1401, %select_n3A_1404 : vector<128x512xf32>
    %lt3A_1413 = arith.cmpi slt, %select_n3A_1407, %select_n3A_1410 : vector<128x512xi32>
    %and3A_1414 = arith.andi %eq3A_1412, %lt3A_1413 : vector<128x512xi1>
    %or3A_1415 = arith.ori %gt3A_1411, %and3A_1414 : vector<128x512xi1>
    %xor3A_1416 = vector.broadcast %eq3A_1380 : vector<1x512xi1> to vector<128x512xi1>
    %xor3A_1417 = arith.xori %or3A_1415, %xor3A_1416 : vector<128x512xi1>
    %select_n3A_1418 = arith.select %xor3A_1417, %select_n3A_1389, %select_n3A_1367 : vector<128x512xi1>, vector<128x512xf32>
    %select_n3A_1419 = arith.select %xor3A_1417, %select_n3A_1398, %select_n3A_1368 : vector<128x512xi1>, vector<128x512xi32>
    %and3A_1420 = arith.constant 128 : i32
    %and3A_1421 = vector.broadcast %and3A_1420 : i32 to vector<1x512xi32>
    %and3A_1422 = arith.andi %iota3A_2, %and3A_1421 : vector<1x512xi32>
    %ne3A_1423 = arith.constant 0 : i32
    %ne3A_1424 = vector.broadcast %ne3A_1423 : i32 to vector<1x512xi32>
    %ne3A_1425 = arith.cmpi ne, %and3A_1422, %ne3A_1424 : vector<1x512xi32>
    %and3A_1426 = arith.constant 256 : i32
    %and3A_1427 = vector.broadcast %and3A_1426 : i32 to vector<1x512xi32>
    %and3A_1428 = arith.andi %iota3A_2, %and3A_1427 : vector<1x512xi32>
    %eq3A_1429 = arith.constant 0 : i32
    %eq3A_1430 = vector.broadcast %eq3A_1429 : i32 to vector<1x512xi32>
    %eq3A_1431 = arith.cmpi eq, %and3A_1428, %eq3A_1430 : vector<1x512xi32>
    %slice3A_1432 = vector.extract_strided_slice %select_n3A_1418 {offsets = [0, 384], sizes = [128, 128], strides = [1, 1]} : vector<128x512xf32> to vector<128x128xf32>
    %slice3A_1433 = vector.extract_strided_slice %select_n3A_1418 {offsets = [0, 0], sizes = [128, 384], strides = [1, 1]} : vector<128x512xf32> to vector<128x384xf32>
    %concatenate3A_1434 = tpu.concatenate %slice3A_1432, %slice3A_1433 in 1 : vector<128x128xf32>, vector<128x384xf32> -> vector<128x512xf32>
    %slice3A_1435 = vector.extract_strided_slice %select_n3A_1418 {offsets = [0, 128], sizes = [128, 384], strides = [1, 1]} : vector<128x512xf32> to vector<128x384xf32>
    %slice3A_1436 = vector.extract_strided_slice %select_n3A_1418 {offsets = [0, 0], sizes = [128, 128], strides = [1, 1]} : vector<128x512xf32> to vector<128x128xf32>
    %concatenate3A_1437 = tpu.concatenate %slice3A_1435, %slice3A_1436 in 1 : vector<128x384xf32>, vector<128x128xf32> -> vector<128x512xf32>
    %broadcast_in_dim3A_1438 = vector.shape_cast %ne3A_1425 : vector<1x512xi1> to vector<1x512xi1>
    %broadcast_in_dim3A_1439 = vector.broadcast %broadcast_in_dim3A_1438 : vector<1x512xi1> to vector<128x512xi1>
    %select_n3A_1440 = arith.select %broadcast_in_dim3A_1439, %concatenate3A_1434, %concatenate3A_1437 : vector<128x512xi1>, vector<128x512xf32>
    %slice3A_1441 = vector.extract_strided_slice %select_n3A_1419 {offsets = [0, 384], sizes = [128, 128], strides = [1, 1]} : vector<128x512xi32> to vector<128x128xi32>
    %slice3A_1442 = vector.extract_strided_slice %select_n3A_1419 {offsets = [0, 0], sizes = [128, 384], strides = [1, 1]} : vector<128x512xi32> to vector<128x384xi32>
    %concatenate3A_1443 = tpu.concatenate %slice3A_1441, %slice3A_1442 in 1 : vector<128x128xi32>, vector<128x384xi32> -> vector<128x512xi32>
    %slice3A_1444 = vector.extract_strided_slice %select_n3A_1419 {offsets = [0, 128], sizes = [128, 384], strides = [1, 1]} : vector<128x512xi32> to vector<128x384xi32>
    %slice3A_1445 = vector.extract_strided_slice %select_n3A_1419 {offsets = [0, 0], sizes = [128, 128], strides = [1, 1]} : vector<128x512xi32> to vector<128x128xi32>
    %concatenate3A_1446 = tpu.concatenate %slice3A_1444, %slice3A_1445 in 1 : vector<128x384xi32>, vector<128x128xi32> -> vector<128x512xi32>
    %broadcast_in_dim3A_1447 = vector.shape_cast %ne3A_1425 : vector<1x512xi1> to vector<1x512xi1>
    %broadcast_in_dim3A_1448 = vector.broadcast %broadcast_in_dim3A_1447 : vector<1x512xi1> to vector<128x512xi1>
    %select_n3A_1449 = arith.select %broadcast_in_dim3A_1448, %concatenate3A_1443, %concatenate3A_1446 : vector<128x512xi1>, vector<128x512xi32>
    %broadcast_in_dim3A_1450 = vector.shape_cast %ne3A_1425 : vector<1x512xi1> to vector<1x512xi1>
    %broadcast_in_dim3A_1451 = vector.broadcast %broadcast_in_dim3A_1450 : vector<1x512xi1> to vector<128x512xi1>
    %select_n3A_1452 = arith.select %broadcast_in_dim3A_1451, %select_n3A_1440, %select_n3A_1418 : vector<128x512xi1>, vector<128x512xf32>
    %broadcast_in_dim3A_1453 = vector.shape_cast %ne3A_1425 : vector<1x512xi1> to vector<1x512xi1>
    %broadcast_in_dim3A_1454 = vector.broadcast %broadcast_in_dim3A_1453 : vector<1x512xi1> to vector<128x512xi1>
    %select_n3A_1455 = arith.select %broadcast_in_dim3A_1454, %select_n3A_1418, %select_n3A_1440 : vector<128x512xi1>, vector<128x512xf32>
    %broadcast_in_dim3A_1456 = vector.shape_cast %ne3A_1425 : vector<1x512xi1> to vector<1x512xi1>
    %broadcast_in_dim3A_1457 = vector.broadcast %broadcast_in_dim3A_1456 : vector<1x512xi1> to vector<128x512xi1>
    %select_n3A_1458 = arith.select %broadcast_in_dim3A_1457, %select_n3A_1449, %select_n3A_1419 : vector<128x512xi1>, vector<128x512xi32>
    %broadcast_in_dim3A_1459 = vector.shape_cast %ne3A_1425 : vector<1x512xi1> to vector<1x512xi1>
    %broadcast_in_dim3A_1460 = vector.broadcast %broadcast_in_dim3A_1459 : vector<1x512xi1> to vector<128x512xi1>
    %select_n3A_1461 = arith.select %broadcast_in_dim3A_1460, %select_n3A_1419, %select_n3A_1449 : vector<128x512xi1>, vector<128x512xi32>
    %gt3A_1462 = arith.cmpf ogt, %select_n3A_1452, %select_n3A_1455 : vector<128x512xf32>
    %eq3A_1463 = arith.cmpf oeq, %select_n3A_1452, %select_n3A_1455 : vector<128x512xf32>
    %lt3A_1464 = arith.cmpi slt, %select_n3A_1458, %select_n3A_1461 : vector<128x512xi32>
    %and3A_1465 = arith.andi %eq3A_1463, %lt3A_1464 : vector<128x512xi1>
    %or3A_1466 = arith.ori %gt3A_1462, %and3A_1465 : vector<128x512xi1>
    %xor3A_1467 = vector.broadcast %eq3A_1431 : vector<1x512xi1> to vector<128x512xi1>
    %xor3A_1468 = arith.xori %or3A_1466, %xor3A_1467 : vector<128x512xi1>
    %select_n3A_1469 = arith.select %xor3A_1468, %select_n3A_1440, %select_n3A_1418 : vector<128x512xi1>, vector<128x512xf32>
    %select_n3A_1470 = arith.select %xor3A_1468, %select_n3A_1449, %select_n3A_1419 : vector<128x512xi1>, vector<128x512xi32>
    %and3A_1471 = arith.constant 64 : i32
    %and3A_1472 = vector.broadcast %and3A_1471 : i32 to vector<1x512xi32>
    %and3A_1473 = arith.andi %iota3A_2, %and3A_1472 : vector<1x512xi32>
    %ne3A_1474 = arith.constant 0 : i32
    %ne3A_1475 = vector.broadcast %ne3A_1474 : i32 to vector<1x512xi32>
    %ne3A_1476 = arith.cmpi ne, %and3A_1473, %ne3A_1475 : vector<1x512xi32>
    %and3A_1477 = arith.constant 256 : i32
    %and3A_1478 = vector.broadcast %and3A_1477 : i32 to vector<1x512xi32>
    %and3A_1479 = arith.andi %iota3A_2, %and3A_1478 : vector<1x512xi32>
    %eq3A_1480 = arith.constant 0 : i32
    %eq3A_1481 = vector.broadcast %eq3A_1480 : i32 to vector<1x512xi32>
    %eq3A_1482 = arith.cmpi eq, %and3A_1479, %eq3A_1481 : vector<1x512xi32>
    %slice3A_1483 = vector.extract_strided_slice %select_n3A_1469 {offsets = [0, 448], sizes = [128, 64], strides = [1, 1]} : vector<128x512xf32> to vector<128x64xf32>
    %slice3A_1484 = vector.extract_strided_slice %select_n3A_1469 {offsets = [0, 0], sizes = [128, 448], strides = [1, 1]} : vector<128x512xf32> to vector<128x448xf32>
    %concatenate3A_1485 = tpu.concatenate %slice3A_1483, %slice3A_1484 in 1 : vector<128x64xf32>, vector<128x448xf32> -> vector<128x512xf32>
    %slice3A_1486 = vector.extract_strided_slice %select_n3A_1469 {offsets = [0, 64], sizes = [128, 448], strides = [1, 1]} : vector<128x512xf32> to vector<128x448xf32>
    %slice3A_1487 = vector.extract_strided_slice %select_n3A_1469 {offsets = [0, 0], sizes = [128, 64], strides = [1, 1]} : vector<128x512xf32> to vector<128x64xf32>
    %concatenate3A_1488 = tpu.concatenate %slice3A_1486, %slice3A_1487 in 1 : vector<128x448xf32>, vector<128x64xf32> -> vector<128x512xf32>
    %broadcast_in_dim3A_1489 = vector.shape_cast %ne3A_1476 : vector<1x512xi1> to vector<1x512xi1>
    %broadcast_in_dim3A_1490 = vector.broadcast %broadcast_in_dim3A_1489 : vector<1x512xi1> to vector<128x512xi1>
    %select_n3A_1491 = arith.select %broadcast_in_dim3A_1490, %concatenate3A_1485, %concatenate3A_1488 : vector<128x512xi1>, vector<128x512xf32>
    %slice3A_1492 = vector.extract_strided_slice %select_n3A_1470 {offsets = [0, 448], sizes = [128, 64], strides = [1, 1]} : vector<128x512xi32> to vector<128x64xi32>
    %slice3A_1493 = vector.extract_strided_slice %select_n3A_1470 {offsets = [0, 0], sizes = [128, 448], strides = [1, 1]} : vector<128x512xi32> to vector<128x448xi32>
    %concatenate3A_1494 = tpu.concatenate %slice3A_1492, %slice3A_1493 in 1 : vector<128x64xi32>, vector<128x448xi32> -> vector<128x512xi32>
    %slice3A_1495 = vector.extract_strided_slice %select_n3A_1470 {offsets = [0, 64], sizes = [128, 448], strides = [1, 1]} : vector<128x512xi32> to vector<128x448xi32>
    %slice3A_1496 = vector.extract_strided_slice %select_n3A_1470 {offsets = [0, 0], sizes = [128, 64], strides = [1, 1]} : vector<128x512xi32> to vector<128x64xi32>
    %concatenate3A_1497 = tpu.concatenate %slice3A_1495, %slice3A_1496 in 1 : vector<128x448xi32>, vector<128x64xi32> -> vector<128x512xi32>
    %broadcast_in_dim3A_1498 = vector.shape_cast %ne3A_1476 : vector<1x512xi1> to vector<1x512xi1>
    %broadcast_in_dim3A_1499 = vector.broadcast %broadcast_in_dim3A_1498 : vector<1x512xi1> to vector<128x512xi1>
    %select_n3A_1500 = arith.select %broadcast_in_dim3A_1499, %concatenate3A_1494, %concatenate3A_1497 : vector<128x512xi1>, vector<128x512xi32>
    %broadcast_in_dim3A_1501 = vector.shape_cast %ne3A_1476 : vector<1x512xi1> to vector<1x512xi1>
    %broadcast_in_dim3A_1502 = vector.broadcast %broadcast_in_dim3A_1501 : vector<1x512xi1> to vector<128x512xi1>
    %select_n3A_1503 = arith.select %broadcast_in_dim3A_1502, %select_n3A_1491, %select_n3A_1469 : vector<128x512xi1>, vector<128x512xf32>
    %broadcast_in_dim3A_1504 = vector.shape_cast %ne3A_1476 : vector<1x512xi1> to vector<1x512xi1>
    %broadcast_in_dim3A_1505 = vector.broadcast %broadcast_in_dim3A_1504 : vector<1x512xi1> to vector<128x512xi1>
    %select_n3A_1506 = arith.select %broadcast_in_dim3A_1505, %select_n3A_1469, %select_n3A_1491 : vector<128x512xi1>, vector<128x512xf32>
    %broadcast_in_dim3A_1507 = vector.shape_cast %ne3A_1476 : vector<1x512xi1> to vector<1x512xi1>
    %broadcast_in_dim3A_1508 = vector.broadcast %broadcast_in_dim3A_1507 : vector<1x512xi1> to vector<128x512xi1>
    %select_n3A_1509 = arith.select %broadcast_in_dim3A_1508, %select_n3A_1500, %select_n3A_1470 : vector<128x512xi1>, vector<128x512xi32>
    %broadcast_in_dim3A_1510 = vector.shape_cast %ne3A_1476 : vector<1x512xi1> to vector<1x512xi1>
    %broadcast_in_dim3A_1511 = vector.broadcast %broadcast_in_dim3A_1510 : vector<1x512xi1> to vector<128x512xi1>
    %select_n3A_1512 = arith.select %broadcast_in_dim3A_1511, %select_n3A_1470, %select_n3A_1500 : vector<128x512xi1>, vector<128x512xi32>
    %gt3A_1513 = arith.cmpf ogt, %select_n3A_1503, %select_n3A_1506 : vector<128x512xf32>
    %eq3A_1514 = arith.cmpf oeq, %select_n3A_1503, %select_n3A_1506 : vector<128x512xf32>
    %lt3A_1515 = arith.cmpi slt, %select_n3A_1509, %select_n3A_1512 : vector<128x512xi32>
    %and3A_1516 = arith.andi %eq3A_1514, %lt3A_1515 : vector<128x512xi1>
    %or3A_1517 = arith.ori %gt3A_1513, %and3A_1516 : vector<128x512xi1>
    %xor3A_1518 = vector.broadcast %eq3A_1482 : vector<1x512xi1> to vector<128x512xi1>
    %xor3A_1519 = arith.xori %or3A_1517, %xor3A_1518 : vector<128x512xi1>
    %select_n3A_1520 = arith.select %xor3A_1519, %select_n3A_1491, %select_n3A_1469 : vector<128x512xi1>, vector<128x512xf32>
    %select_n3A_1521 = arith.select %xor3A_1519, %select_n3A_1500, %select_n3A_1470 : vector<128x512xi1>, vector<128x512xi32>
    %and3A_1522 = arith.constant 32 : i32
    %and3A_1523 = vector.broadcast %and3A_1522 : i32 to vector<1x512xi32>
    %and3A_1524 = arith.andi %iota3A_2, %and3A_1523 : vector<1x512xi32>
    %ne3A_1525 = arith.constant 0 : i32
    %ne3A_1526 = vector.broadcast %ne3A_1525 : i32 to vector<1x512xi32>
    %ne3A_1527 = arith.cmpi ne, %and3A_1524, %ne3A_1526 : vector<1x512xi32>
    %and3A_1528 = arith.constant 256 : i32
    %and3A_1529 = vector.broadcast %and3A_1528 : i32 to vector<1x512xi32>
    %and3A_1530 = arith.andi %iota3A_2, %and3A_1529 : vector<1x512xi32>
    %eq3A_1531 = arith.constant 0 : i32
    %eq3A_1532 = vector.broadcast %eq3A_1531 : i32 to vector<1x512xi32>
    %eq3A_1533 = arith.cmpi eq, %and3A_1530, %eq3A_1532 : vector<1x512xi32>
    %slice3A_1534 = vector.extract_strided_slice %select_n3A_1520 {offsets = [0, 480], sizes = [128, 32], strides = [1, 1]} : vector<128x512xf32> to vector<128x32xf32>
    %slice3A_1535 = vector.extract_strided_slice %select_n3A_1520 {offsets = [0, 0], sizes = [128, 480], strides = [1, 1]} : vector<128x512xf32> to vector<128x480xf32>
    %concatenate3A_1536 = tpu.concatenate %slice3A_1534, %slice3A_1535 in 1 : vector<128x32xf32>, vector<128x480xf32> -> vector<128x512xf32>
    %slice3A_1537 = vector.extract_strided_slice %select_n3A_1520 {offsets = [0, 32], sizes = [128, 480], strides = [1, 1]} : vector<128x512xf32> to vector<128x480xf32>
    %slice3A_1538 = vector.extract_strided_slice %select_n3A_1520 {offsets = [0, 0], sizes = [128, 32], strides = [1, 1]} : vector<128x512xf32> to vector<128x32xf32>
    %concatenate3A_1539 = tpu.concatenate %slice3A_1537, %slice3A_1538 in 1 : vector<128x480xf32>, vector<128x32xf32> -> vector<128x512xf32>
    %broadcast_in_dim3A_1540 = vector.shape_cast %ne3A_1527 : vector<1x512xi1> to vector<1x512xi1>
    %broadcast_in_dim3A_1541 = vector.broadcast %broadcast_in_dim3A_1540 : vector<1x512xi1> to vector<128x512xi1>
    %select_n3A_1542 = arith.select %broadcast_in_dim3A_1541, %concatenate3A_1536, %concatenate3A_1539 : vector<128x512xi1>, vector<128x512xf32>
    %slice3A_1543 = vector.extract_strided_slice %select_n3A_1521 {offsets = [0, 480], sizes = [128, 32], strides = [1, 1]} : vector<128x512xi32> to vector<128x32xi32>
    %slice3A_1544 = vector.extract_strided_slice %select_n3A_1521 {offsets = [0, 0], sizes = [128, 480], strides = [1, 1]} : vector<128x512xi32> to vector<128x480xi32>
    %concatenate3A_1545 = tpu.concatenate %slice3A_1543, %slice3A_1544 in 1 : vector<128x32xi32>, vector<128x480xi32> -> vector<128x512xi32>
    %slice3A_1546 = vector.extract_strided_slice %select_n3A_1521 {offsets = [0, 32], sizes = [128, 480], strides = [1, 1]} : vector<128x512xi32> to vector<128x480xi32>
    %slice3A_1547 = vector.extract_strided_slice %select_n3A_1521 {offsets = [0, 0], sizes = [128, 32], strides = [1, 1]} : vector<128x512xi32> to vector<128x32xi32>
    %concatenate3A_1548 = tpu.concatenate %slice3A_1546, %slice3A_1547 in 1 : vector<128x480xi32>, vector<128x32xi32> -> vector<128x512xi32>
    %broadcast_in_dim3A_1549 = vector.shape_cast %ne3A_1527 : vector<1x512xi1> to vector<1x512xi1>
    %broadcast_in_dim3A_1550 = vector.broadcast %broadcast_in_dim3A_1549 : vector<1x512xi1> to vector<128x512xi1>
    %select_n3A_1551 = arith.select %broadcast_in_dim3A_1550, %concatenate3A_1545, %concatenate3A_1548 : vector<128x512xi1>, vector<128x512xi32>
    %broadcast_in_dim3A_1552 = vector.shape_cast %ne3A_1527 : vector<1x512xi1> to vector<1x512xi1>
    %broadcast_in_dim3A_1553 = vector.broadcast %broadcast_in_dim3A_1552 : vector<1x512xi1> to vector<128x512xi1>
    %select_n3A_1554 = arith.select %broadcast_in_dim3A_1553, %select_n3A_1542, %select_n3A_1520 : vector<128x512xi1>, vector<128x512xf32>
    %broadcast_in_dim3A_1555 = vector.shape_cast %ne3A_1527 : vector<1x512xi1> to vector<1x512xi1>
    %broadcast_in_dim3A_1556 = vector.broadcast %broadcast_in_dim3A_1555 : vector<1x512xi1> to vector<128x512xi1>
    %select_n3A_1557 = arith.select %broadcast_in_dim3A_1556, %select_n3A_1520, %select_n3A_1542 : vector<128x512xi1>, vector<128x512xf32>
    %broadcast_in_dim3A_1558 = vector.shape_cast %ne3A_1527 : vector<1x512xi1> to vector<1x512xi1>
    %broadcast_in_dim3A_1559 = vector.broadcast %broadcast_in_dim3A_1558 : vector<1x512xi1> to vector<128x512xi1>
    %select_n3A_1560 = arith.select %broadcast_in_dim3A_1559, %select_n3A_1551, %select_n3A_1521 : vector<128x512xi1>, vector<128x512xi32>
    %broadcast_in_dim3A_1561 = vector.shape_cast %ne3A_1527 : vector<1x512xi1> to vector<1x512xi1>
    %broadcast_in_dim3A_1562 = vector.broadcast %broadcast_in_dim3A_1561 : vector<1x512xi1> to vector<128x512xi1>
    %select_n3A_1563 = arith.select %broadcast_in_dim3A_1562, %select_n3A_1521, %select_n3A_1551 : vector<128x512xi1>, vector<128x512xi32>
    %gt3A_1564 = arith.cmpf ogt, %select_n3A_1554, %select_n3A_1557 : vector<128x512xf32>
    %eq3A_1565 = arith.cmpf oeq, %select_n3A_1554, %select_n3A_1557 : vector<128x512xf32>
    %lt3A_1566 = arith.cmpi slt, %select_n3A_1560, %select_n3A_1563 : vector<128x512xi32>
    %and3A_1567 = arith.andi %eq3A_1565, %lt3A_1566 : vector<128x512xi1>
    %or3A_1568 = arith.ori %gt3A_1564, %and3A_1567 : vector<128x512xi1>
    %xor3A_1569 = vector.broadcast %eq3A_1533 : vector<1x512xi1> to vector<128x512xi1>
    %xor3A_1570 = arith.xori %or3A_1568, %xor3A_1569 : vector<128x512xi1>
    %select_n3A_1571 = arith.select %xor3A_1570, %select_n3A_1542, %select_n3A_1520 : vector<128x512xi1>, vector<128x512xf32>
    %select_n3A_1572 = arith.select %xor3A_1570, %select_n3A_1551, %select_n3A_1521 : vector<128x512xi1>, vector<128x512xi32>
    %and3A_1573 = arith.constant 16 : i32
    %and3A_1574 = vector.broadcast %and3A_1573 : i32 to vector<1x512xi32>
    %and3A_1575 = arith.andi %iota3A_2, %and3A_1574 : vector<1x512xi32>
    %ne3A_1576 = arith.constant 0 : i32
    %ne3A_1577 = vector.broadcast %ne3A_1576 : i32 to vector<1x512xi32>
    %ne3A_1578 = arith.cmpi ne, %and3A_1575, %ne3A_1577 : vector<1x512xi32>
    %and3A_1579 = arith.constant 256 : i32
    %and3A_1580 = vector.broadcast %and3A_1579 : i32 to vector<1x512xi32>
    %and3A_1581 = arith.andi %iota3A_2, %and3A_1580 : vector<1x512xi32>
    %eq3A_1582 = arith.constant 0 : i32
    %eq3A_1583 = vector.broadcast %eq3A_1582 : i32 to vector<1x512xi32>
    %eq3A_1584 = arith.cmpi eq, %and3A_1581, %eq3A_1583 : vector<1x512xi32>
    %slice3A_1585 = vector.extract_strided_slice %select_n3A_1571 {offsets = [0, 496], sizes = [128, 16], strides = [1, 1]} : vector<128x512xf32> to vector<128x16xf32>
    %slice3A_1586 = vector.extract_strided_slice %select_n3A_1571 {offsets = [0, 0], sizes = [128, 496], strides = [1, 1]} : vector<128x512xf32> to vector<128x496xf32>
    %concatenate3A_1587 = tpu.concatenate %slice3A_1585, %slice3A_1586 in 1 : vector<128x16xf32>, vector<128x496xf32> -> vector<128x512xf32>
    %slice3A_1588 = vector.extract_strided_slice %select_n3A_1571 {offsets = [0, 16], sizes = [128, 496], strides = [1, 1]} : vector<128x512xf32> to vector<128x496xf32>
    %slice3A_1589 = vector.extract_strided_slice %select_n3A_1571 {offsets = [0, 0], sizes = [128, 16], strides = [1, 1]} : vector<128x512xf32> to vector<128x16xf32>
    %concatenate3A_1590 = tpu.concatenate %slice3A_1588, %slice3A_1589 in 1 : vector<128x496xf32>, vector<128x16xf32> -> vector<128x512xf32>
    %broadcast_in_dim3A_1591 = vector.shape_cast %ne3A_1578 : vector<1x512xi1> to vector<1x512xi1>
    %broadcast_in_dim3A_1592 = vector.broadcast %broadcast_in_dim3A_1591 : vector<1x512xi1> to vector<128x512xi1>
    %select_n3A_1593 = arith.select %broadcast_in_dim3A_1592, %concatenate3A_1587, %concatenate3A_1590 : vector<128x512xi1>, vector<128x512xf32>
    %slice3A_1594 = vector.extract_strided_slice %select_n3A_1572 {offsets = [0, 496], sizes = [128, 16], strides = [1, 1]} : vector<128x512xi32> to vector<128x16xi32>
    %slice3A_1595 = vector.extract_strided_slice %select_n3A_1572 {offsets = [0, 0], sizes = [128, 496], strides = [1, 1]} : vector<128x512xi32> to vector<128x496xi32>
    %concatenate3A_1596 = tpu.concatenate %slice3A_1594, %slice3A_1595 in 1 : vector<128x16xi32>, vector<128x496xi32> -> vector<128x512xi32>
    %slice3A_1597 = vector.extract_strided_slice %select_n3A_1572 {offsets = [0, 16], sizes = [128, 496], strides = [1, 1]} : vector<128x512xi32> to vector<128x496xi32>
    %slice3A_1598 = vector.extract_strided_slice %select_n3A_1572 {offsets = [0, 0], sizes = [128, 16], strides = [1, 1]} : vector<128x512xi32> to vector<128x16xi32>
    %concatenate3A_1599 = tpu.concatenate %slice3A_1597, %slice3A_1598 in 1 : vector<128x496xi32>, vector<128x16xi32> -> vector<128x512xi32>
    %broadcast_in_dim3A_1600 = vector.shape_cast %ne3A_1578 : vector<1x512xi1> to vector<1x512xi1>
    %broadcast_in_dim3A_1601 = vector.broadcast %broadcast_in_dim3A_1600 : vector<1x512xi1> to vector<128x512xi1>
    %select_n3A_1602 = arith.select %broadcast_in_dim3A_1601, %concatenate3A_1596, %concatenate3A_1599 : vector<128x512xi1>, vector<128x512xi32>
    %broadcast_in_dim3A_1603 = vector.shape_cast %ne3A_1578 : vector<1x512xi1> to vector<1x512xi1>
    %broadcast_in_dim3A_1604 = vector.broadcast %broadcast_in_dim3A_1603 : vector<1x512xi1> to vector<128x512xi1>
    %select_n3A_1605 = arith.select %broadcast_in_dim3A_1604, %select_n3A_1593, %select_n3A_1571 : vector<128x512xi1>, vector<128x512xf32>
    %broadcast_in_dim3A_1606 = vector.shape_cast %ne3A_1578 : vector<1x512xi1> to vector<1x512xi1>
    %broadcast_in_dim3A_1607 = vector.broadcast %broadcast_in_dim3A_1606 : vector<1x512xi1> to vector<128x512xi1>
    %select_n3A_1608 = arith.select %broadcast_in_dim3A_1607, %select_n3A_1571, %select_n3A_1593 : vector<128x512xi1>, vector<128x512xf32>
    %broadcast_in_dim3A_1609 = vector.shape_cast %ne3A_1578 : vector<1x512xi1> to vector<1x512xi1>
    %broadcast_in_dim3A_1610 = vector.broadcast %broadcast_in_dim3A_1609 : vector<1x512xi1> to vector<128x512xi1>
    %select_n3A_1611 = arith.select %broadcast_in_dim3A_1610, %select_n3A_1602, %select_n3A_1572 : vector<128x512xi1>, vector<128x512xi32>
    %broadcast_in_dim3A_1612 = vector.shape_cast %ne3A_1578 : vector<1x512xi1> to vector<1x512xi1>
    %broadcast_in_dim3A_1613 = vector.broadcast %broadcast_in_dim3A_1612 : vector<1x512xi1> to vector<128x512xi1>
    %select_n3A_1614 = arith.select %broadcast_in_dim3A_1613, %select_n3A_1572, %select_n3A_1602 : vector<128x512xi1>, vector<128x512xi32>
    %gt3A_1615 = arith.cmpf ogt, %select_n3A_1605, %select_n3A_1608 : vector<128x512xf32>
    %eq3A_1616 = arith.cmpf oeq, %select_n3A_1605, %select_n3A_1608 : vector<128x512xf32>
    %lt3A_1617 = arith.cmpi slt, %select_n3A_1611, %select_n3A_1614 : vector<128x512xi32>
    %and3A_1618 = arith.andi %eq3A_1616, %lt3A_1617 : vector<128x512xi1>
    %or3A_1619 = arith.ori %gt3A_1615, %and3A_1618 : vector<128x512xi1>
    %xor3A_1620 = vector.broadcast %eq3A_1584 : vector<1x512xi1> to vector<128x512xi1>
    %xor3A_1621 = arith.xori %or3A_1619, %xor3A_1620 : vector<128x512xi1>
    %select_n3A_1622 = arith.select %xor3A_1621, %select_n3A_1593, %select_n3A_1571 : vector<128x512xi1>, vector<128x512xf32>
    %select_n3A_1623 = arith.select %xor3A_1621, %select_n3A_1602, %select_n3A_1572 : vector<128x512xi1>, vector<128x512xi32>
    %and3A_1624 = arith.constant 8 : i32
    %and3A_1625 = vector.broadcast %and3A_1624 : i32 to vector<1x512xi32>
    %and3A_1626 = arith.andi %iota3A_2, %and3A_1625 : vector<1x512xi32>
    %ne3A_1627 = arith.constant 0 : i32
    %ne3A_1628 = vector.broadcast %ne3A_1627 : i32 to vector<1x512xi32>
    %ne3A_1629 = arith.cmpi ne, %and3A_1626, %ne3A_1628 : vector<1x512xi32>
    %and3A_1630 = arith.constant 256 : i32
    %and3A_1631 = vector.broadcast %and3A_1630 : i32 to vector<1x512xi32>
    %and3A_1632 = arith.andi %iota3A_2, %and3A_1631 : vector<1x512xi32>
    %eq3A_1633 = arith.constant 0 : i32
    %eq3A_1634 = vector.broadcast %eq3A_1633 : i32 to vector<1x512xi32>
    %eq3A_1635 = arith.cmpi eq, %and3A_1632, %eq3A_1634 : vector<1x512xi32>
    %slice3A_1636 = vector.extract_strided_slice %select_n3A_1622 {offsets = [0, 504], sizes = [128, 8], strides = [1, 1]} : vector<128x512xf32> to vector<128x8xf32>
    %slice3A_1637 = vector.extract_strided_slice %select_n3A_1622 {offsets = [0, 0], sizes = [128, 504], strides = [1, 1]} : vector<128x512xf32> to vector<128x504xf32>
    %concatenate3A_1638 = tpu.concatenate %slice3A_1636, %slice3A_1637 in 1 : vector<128x8xf32>, vector<128x504xf32> -> vector<128x512xf32>
    %slice3A_1639 = vector.extract_strided_slice %select_n3A_1622 {offsets = [0, 8], sizes = [128, 504], strides = [1, 1]} : vector<128x512xf32> to vector<128x504xf32>
    %slice3A_1640 = vector.extract_strided_slice %select_n3A_1622 {offsets = [0, 0], sizes = [128, 8], strides = [1, 1]} : vector<128x512xf32> to vector<128x8xf32>
    %concatenate3A_1641 = tpu.concatenate %slice3A_1639, %slice3A_1640 in 1 : vector<128x504xf32>, vector<128x8xf32> -> vector<128x512xf32>
    %broadcast_in_dim3A_1642 = vector.shape_cast %ne3A_1629 : vector<1x512xi1> to vector<1x512xi1>
    %broadcast_in_dim3A_1643 = vector.broadcast %broadcast_in_dim3A_1642 : vector<1x512xi1> to vector<128x512xi1>
    %select_n3A_1644 = arith.select %broadcast_in_dim3A_1643, %concatenate3A_1638, %concatenate3A_1641 : vector<128x512xi1>, vector<128x512xf32>
    %slice3A_1645 = vector.extract_strided_slice %select_n3A_1623 {offsets = [0, 504], sizes = [128, 8], strides = [1, 1]} : vector<128x512xi32> to vector<128x8xi32>
    %slice3A_1646 = vector.extract_strided_slice %select_n3A_1623 {offsets = [0, 0], sizes = [128, 504], strides = [1, 1]} : vector<128x512xi32> to vector<128x504xi32>
    %concatenate3A_1647 = tpu.concatenate %slice3A_1645, %slice3A_1646 in 1 : vector<128x8xi32>, vector<128x504xi32> -> vector<128x512xi32>
    %slice3A_1648 = vector.extract_strided_slice %select_n3A_1623 {offsets = [0, 8], sizes = [128, 504], strides = [1, 1]} : vector<128x512xi32> to vector<128x504xi32>
    %slice3A_1649 = vector.extract_strided_slice %select_n3A_1623 {offsets = [0, 0], sizes = [128, 8], strides = [1, 1]} : vector<128x512xi32> to vector<128x8xi32>
    %concatenate3A_1650 = tpu.concatenate %slice3A_1648, %slice3A_1649 in 1 : vector<128x504xi32>, vector<128x8xi32> -> vector<128x512xi32>
    %broadcast_in_dim3A_1651 = vector.shape_cast %ne3A_1629 : vector<1x512xi1> to vector<1x512xi1>
    %broadcast_in_dim3A_1652 = vector.broadcast %broadcast_in_dim3A_1651 : vector<1x512xi1> to vector<128x512xi1>
    %select_n3A_1653 = arith.select %broadcast_in_dim3A_1652, %concatenate3A_1647, %concatenate3A_1650 : vector<128x512xi1>, vector<128x512xi32>
    %broadcast_in_dim3A_1654 = vector.shape_cast %ne3A_1629 : vector<1x512xi1> to vector<1x512xi1>
    %broadcast_in_dim3A_1655 = vector.broadcast %broadcast_in_dim3A_1654 : vector<1x512xi1> to vector<128x512xi1>
    %select_n3A_1656 = arith.select %broadcast_in_dim3A_1655, %select_n3A_1644, %select_n3A_1622 : vector<128x512xi1>, vector<128x512xf32>
    %broadcast_in_dim3A_1657 = vector.shape_cast %ne3A_1629 : vector<1x512xi1> to vector<1x512xi1>
    %broadcast_in_dim3A_1658 = vector.broadcast %broadcast_in_dim3A_1657 : vector<1x512xi1> to vector<128x512xi1>
    %select_n3A_1659 = arith.select %broadcast_in_dim3A_1658, %select_n3A_1622, %select_n3A_1644 : vector<128x512xi1>, vector<128x512xf32>
    %broadcast_in_dim3A_1660 = vector.shape_cast %ne3A_1629 : vector<1x512xi1> to vector<1x512xi1>
    %broadcast_in_dim3A_1661 = vector.broadcast %broadcast_in_dim3A_1660 : vector<1x512xi1> to vector<128x512xi1>
    %select_n3A_1662 = arith.select %broadcast_in_dim3A_1661, %select_n3A_1653, %select_n3A_1623 : vector<128x512xi1>, vector<128x512xi32>
    %broadcast_in_dim3A_1663 = vector.shape_cast %ne3A_1629 : vector<1x512xi1> to vector<1x512xi1>
    %broadcast_in_dim3A_1664 = vector.broadcast %broadcast_in_dim3A_1663 : vector<1x512xi1> to vector<128x512xi1>
    %select_n3A_1665 = arith.select %broadcast_in_dim3A_1664, %select_n3A_1623, %select_n3A_1653 : vector<128x512xi1>, vector<128x512xi32>
    %gt3A_1666 = arith.cmpf ogt, %select_n3A_1656, %select_n3A_1659 : vector<128x512xf32>
    %eq3A_1667 = arith.cmpf oeq, %select_n3A_1656, %select_n3A_1659 : vector<128x512xf32>
    %lt3A_1668 = arith.cmpi slt, %select_n3A_1662, %select_n3A_1665 : vector<128x512xi32>
    %and3A_1669 = arith.andi %eq3A_1667, %lt3A_1668 : vector<128x512xi1>
    %or3A_1670 = arith.ori %gt3A_1666, %and3A_1669 : vector<128x512xi1>
    %xor3A_1671 = vector.broadcast %eq3A_1635 : vector<1x512xi1> to vector<128x512xi1>
    %xor3A_1672 = arith.xori %or3A_1670, %xor3A_1671 : vector<128x512xi1>
    %select_n3A_1673 = arith.select %xor3A_1672, %select_n3A_1644, %select_n3A_1622 : vector<128x512xi1>, vector<128x512xf32>
    %select_n3A_1674 = arith.select %xor3A_1672, %select_n3A_1653, %select_n3A_1623 : vector<128x512xi1>, vector<128x512xi32>
    %and3A_1675 = arith.constant 4 : i32
    %and3A_1676 = vector.broadcast %and3A_1675 : i32 to vector<1x512xi32>
    %and3A_1677 = arith.andi %iota3A_2, %and3A_1676 : vector<1x512xi32>
    %ne3A_1678 = arith.constant 0 : i32
    %ne3A_1679 = vector.broadcast %ne3A_1678 : i32 to vector<1x512xi32>
    %ne3A_1680 = arith.cmpi ne, %and3A_1677, %ne3A_1679 : vector<1x512xi32>
    %and3A_1681 = arith.constant 256 : i32
    %and3A_1682 = vector.broadcast %and3A_1681 : i32 to vector<1x512xi32>
    %and3A_1683 = arith.andi %iota3A_2, %and3A_1682 : vector<1x512xi32>
    %eq3A_1684 = arith.constant 0 : i32
    %eq3A_1685 = vector.broadcast %eq3A_1684 : i32 to vector<1x512xi32>
    %eq3A_1686 = arith.cmpi eq, %and3A_1683, %eq3A_1685 : vector<1x512xi32>
    %slice3A_1687 = vector.extract_strided_slice %select_n3A_1673 {offsets = [0, 508], sizes = [128, 4], strides = [1, 1]} : vector<128x512xf32> to vector<128x4xf32>
    %slice3A_1688 = vector.extract_strided_slice %select_n3A_1673 {offsets = [0, 0], sizes = [128, 508], strides = [1, 1]} : vector<128x512xf32> to vector<128x508xf32>
    %concatenate3A_1689 = tpu.concatenate %slice3A_1687, %slice3A_1688 in 1 : vector<128x4xf32>, vector<128x508xf32> -> vector<128x512xf32>
    %slice3A_1690 = vector.extract_strided_slice %select_n3A_1673 {offsets = [0, 4], sizes = [128, 508], strides = [1, 1]} : vector<128x512xf32> to vector<128x508xf32>
    %slice3A_1691 = vector.extract_strided_slice %select_n3A_1673 {offsets = [0, 0], sizes = [128, 4], strides = [1, 1]} : vector<128x512xf32> to vector<128x4xf32>
    %concatenate3A_1692 = tpu.concatenate %slice3A_1690, %slice3A_1691 in 1 : vector<128x508xf32>, vector<128x4xf32> -> vector<128x512xf32>
    %broadcast_in_dim3A_1693 = vector.shape_cast %ne3A_1680 : vector<1x512xi1> to vector<1x512xi1>
    %broadcast_in_dim3A_1694 = vector.broadcast %broadcast_in_dim3A_1693 : vector<1x512xi1> to vector<128x512xi1>
    %select_n3A_1695 = arith.select %broadcast_in_dim3A_1694, %concatenate3A_1689, %concatenate3A_1692 : vector<128x512xi1>, vector<128x512xf32>
    %slice3A_1696 = vector.extract_strided_slice %select_n3A_1674 {offsets = [0, 508], sizes = [128, 4], strides = [1, 1]} : vector<128x512xi32> to vector<128x4xi32>
    %slice3A_1697 = vector.extract_strided_slice %select_n3A_1674 {offsets = [0, 0], sizes = [128, 508], strides = [1, 1]} : vector<128x512xi32> to vector<128x508xi32>
    %concatenate3A_1698 = tpu.concatenate %slice3A_1696, %slice3A_1697 in 1 : vector<128x4xi32>, vector<128x508xi32> -> vector<128x512xi32>
    %slice3A_1699 = vector.extract_strided_slice %select_n3A_1674 {offsets = [0, 4], sizes = [128, 508], strides = [1, 1]} : vector<128x512xi32> to vector<128x508xi32>
    %slice3A_1700 = vector.extract_strided_slice %select_n3A_1674 {offsets = [0, 0], sizes = [128, 4], strides = [1, 1]} : vector<128x512xi32> to vector<128x4xi32>
    %concatenate3A_1701 = tpu.concatenate %slice3A_1699, %slice3A_1700 in 1 : vector<128x508xi32>, vector<128x4xi32> -> vector<128x512xi32>
    %broadcast_in_dim3A_1702 = vector.shape_cast %ne3A_1680 : vector<1x512xi1> to vector<1x512xi1>
    %broadcast_in_dim3A_1703 = vector.broadcast %broadcast_in_dim3A_1702 : vector<1x512xi1> to vector<128x512xi1>
    %select_n3A_1704 = arith.select %broadcast_in_dim3A_1703, %concatenate3A_1698, %concatenate3A_1701 : vector<128x512xi1>, vector<128x512xi32>
    %broadcast_in_dim3A_1705 = vector.shape_cast %ne3A_1680 : vector<1x512xi1> to vector<1x512xi1>
    %broadcast_in_dim3A_1706 = vector.broadcast %broadcast_in_dim3A_1705 : vector<1x512xi1> to vector<128x512xi1>
    %select_n3A_1707 = arith.select %broadcast_in_dim3A_1706, %select_n3A_1695, %select_n3A_1673 : vector<128x512xi1>, vector<128x512xf32>
    %broadcast_in_dim3A_1708 = vector.shape_cast %ne3A_1680 : vector<1x512xi1> to vector<1x512xi1>
    %broadcast_in_dim3A_1709 = vector.broadcast %broadcast_in_dim3A_1708 : vector<1x512xi1> to vector<128x512xi1>
    %select_n3A_1710 = arith.select %broadcast_in_dim3A_1709, %select_n3A_1673, %select_n3A_1695 : vector<128x512xi1>, vector<128x512xf32>
    %broadcast_in_dim3A_1711 = vector.shape_cast %ne3A_1680 : vector<1x512xi1> to vector<1x512xi1>
    %broadcast_in_dim3A_1712 = vector.broadcast %broadcast_in_dim3A_1711 : vector<1x512xi1> to vector<128x512xi1>
    %select_n3A_1713 = arith.select %broadcast_in_dim3A_1712, %select_n3A_1704, %select_n3A_1674 : vector<128x512xi1>, vector<128x512xi32>
    %broadcast_in_dim3A_1714 = vector.shape_cast %ne3A_1680 : vector<1x512xi1> to vector<1x512xi1>
    %broadcast_in_dim3A_1715 = vector.broadcast %broadcast_in_dim3A_1714 : vector<1x512xi1> to vector<128x512xi1>
    %select_n3A_1716 = arith.select %broadcast_in_dim3A_1715, %select_n3A_1674, %select_n3A_1704 : vector<128x512xi1>, vector<128x512xi32>
    %gt3A_1717 = arith.cmpf ogt, %select_n3A_1707, %select_n3A_1710 : vector<128x512xf32>
    %eq3A_1718 = arith.cmpf oeq, %select_n3A_1707, %select_n3A_1710 : vector<128x512xf32>
    %lt3A_1719 = arith.cmpi slt, %select_n3A_1713, %select_n3A_1716 : vector<128x512xi32>
    %and3A_1720 = arith.andi %eq3A_1718, %lt3A_1719 : vector<128x512xi1>
    %or3A_1721 = arith.ori %gt3A_1717, %and3A_1720 : vector<128x512xi1>
    %xor3A_1722 = vector.broadcast %eq3A_1686 : vector<1x512xi1> to vector<128x512xi1>
    %xor3A_1723 = arith.xori %or3A_1721, %xor3A_1722 : vector<128x512xi1>
    %select_n3A_1724 = arith.select %xor3A_1723, %select_n3A_1695, %select_n3A_1673 : vector<128x512xi1>, vector<128x512xf32>
    %select_n3A_1725 = arith.select %xor3A_1723, %select_n3A_1704, %select_n3A_1674 : vector<128x512xi1>, vector<128x512xi32>
    %and3A_1726 = arith.constant 2 : i32
    %and3A_1727 = vector.broadcast %and3A_1726 : i32 to vector<1x512xi32>
    %and3A_1728 = arith.andi %iota3A_2, %and3A_1727 : vector<1x512xi32>
    %ne3A_1729 = arith.constant 0 : i32
    %ne3A_1730 = vector.broadcast %ne3A_1729 : i32 to vector<1x512xi32>
    %ne3A_1731 = arith.cmpi ne, %and3A_1728, %ne3A_1730 : vector<1x512xi32>
    %and3A_1732 = arith.constant 256 : i32
    %and3A_1733 = vector.broadcast %and3A_1732 : i32 to vector<1x512xi32>
    %and3A_1734 = arith.andi %iota3A_2, %and3A_1733 : vector<1x512xi32>
    %eq3A_1735 = arith.constant 0 : i32
    %eq3A_1736 = vector.broadcast %eq3A_1735 : i32 to vector<1x512xi32>
    %eq3A_1737 = arith.cmpi eq, %and3A_1734, %eq3A_1736 : vector<1x512xi32>
    %slice3A_1738 = vector.extract_strided_slice %select_n3A_1724 {offsets = [0, 510], sizes = [128, 2], strides = [1, 1]} : vector<128x512xf32> to vector<128x2xf32>
    %slice3A_1739 = vector.extract_strided_slice %select_n3A_1724 {offsets = [0, 0], sizes = [128, 510], strides = [1, 1]} : vector<128x512xf32> to vector<128x510xf32>
    %concatenate3A_1740 = tpu.concatenate %slice3A_1738, %slice3A_1739 in 1 : vector<128x2xf32>, vector<128x510xf32> -> vector<128x512xf32>
    %slice3A_1741 = vector.extract_strided_slice %select_n3A_1724 {offsets = [0, 2], sizes = [128, 510], strides = [1, 1]} : vector<128x512xf32> to vector<128x510xf32>
    %slice3A_1742 = vector.extract_strided_slice %select_n3A_1724 {offsets = [0, 0], sizes = [128, 2], strides = [1, 1]} : vector<128x512xf32> to vector<128x2xf32>
    %concatenate3A_1743 = tpu.concatenate %slice3A_1741, %slice3A_1742 in 1 : vector<128x510xf32>, vector<128x2xf32> -> vector<128x512xf32>
    %broadcast_in_dim3A_1744 = vector.shape_cast %ne3A_1731 : vector<1x512xi1> to vector<1x512xi1>
    %broadcast_in_dim3A_1745 = vector.broadcast %broadcast_in_dim3A_1744 : vector<1x512xi1> to vector<128x512xi1>
    %select_n3A_1746 = arith.select %broadcast_in_dim3A_1745, %concatenate3A_1740, %concatenate3A_1743 : vector<128x512xi1>, vector<128x512xf32>
    %slice3A_1747 = vector.extract_strided_slice %select_n3A_1725 {offsets = [0, 510], sizes = [128, 2], strides = [1, 1]} : vector<128x512xi32> to vector<128x2xi32>
    %slice3A_1748 = vector.extract_strided_slice %select_n3A_1725 {offsets = [0, 0], sizes = [128, 510], strides = [1, 1]} : vector<128x512xi32> to vector<128x510xi32>
    %concatenate3A_1749 = tpu.concatenate %slice3A_1747, %slice3A_1748 in 1 : vector<128x2xi32>, vector<128x510xi32> -> vector<128x512xi32>
    %slice3A_1750 = vector.extract_strided_slice %select_n3A_1725 {offsets = [0, 2], sizes = [128, 510], strides = [1, 1]} : vector<128x512xi32> to vector<128x510xi32>
    %slice3A_1751 = vector.extract_strided_slice %select_n3A_1725 {offsets = [0, 0], sizes = [128, 2], strides = [1, 1]} : vector<128x512xi32> to vector<128x2xi32>
    %concatenate3A_1752 = tpu.concatenate %slice3A_1750, %slice3A_1751 in 1 : vector<128x510xi32>, vector<128x2xi32> -> vector<128x512xi32>
    %broadcast_in_dim3A_1753 = vector.shape_cast %ne3A_1731 : vector<1x512xi1> to vector<1x512xi1>
    %broadcast_in_dim3A_1754 = vector.broadcast %broadcast_in_dim3A_1753 : vector<1x512xi1> to vector<128x512xi1>
    %select_n3A_1755 = arith.select %broadcast_in_dim3A_1754, %concatenate3A_1749, %concatenate3A_1752 : vector<128x512xi1>, vector<128x512xi32>
    %broadcast_in_dim3A_1756 = vector.shape_cast %ne3A_1731 : vector<1x512xi1> to vector<1x512xi1>
    %broadcast_in_dim3A_1757 = vector.broadcast %broadcast_in_dim3A_1756 : vector<1x512xi1> to vector<128x512xi1>
    %select_n3A_1758 = arith.select %broadcast_in_dim3A_1757, %select_n3A_1746, %select_n3A_1724 : vector<128x512xi1>, vector<128x512xf32>
    %broadcast_in_dim3A_1759 = vector.shape_cast %ne3A_1731 : vector<1x512xi1> to vector<1x512xi1>
    %broadcast_in_dim3A_1760 = vector.broadcast %broadcast_in_dim3A_1759 : vector<1x512xi1> to vector<128x512xi1>
    %select_n3A_1761 = arith.select %broadcast_in_dim3A_1760, %select_n3A_1724, %select_n3A_1746 : vector<128x512xi1>, vector<128x512xf32>
    %broadcast_in_dim3A_1762 = vector.shape_cast %ne3A_1731 : vector<1x512xi1> to vector<1x512xi1>
    %broadcast_in_dim3A_1763 = vector.broadcast %broadcast_in_dim3A_1762 : vector<1x512xi1> to vector<128x512xi1>
    %select_n3A_1764 = arith.select %broadcast_in_dim3A_1763, %select_n3A_1755, %select_n3A_1725 : vector<128x512xi1>, vector<128x512xi32>
    %broadcast_in_dim3A_1765 = vector.shape_cast %ne3A_1731 : vector<1x512xi1> to vector<1x512xi1>
    %broadcast_in_dim3A_1766 = vector.broadcast %broadcast_in_dim3A_1765 : vector<1x512xi1> to vector<128x512xi1>
    %select_n3A_1767 = arith.select %broadcast_in_dim3A_1766, %select_n3A_1725, %select_n3A_1755 : vector<128x512xi1>, vector<128x512xi32>
    %gt3A_1768 = arith.cmpf ogt, %select_n3A_1758, %select_n3A_1761 : vector<128x512xf32>
    %eq3A_1769 = arith.cmpf oeq, %select_n3A_1758, %select_n3A_1761 : vector<128x512xf32>
    %lt3A_1770 = arith.cmpi slt, %select_n3A_1764, %select_n3A_1767 : vector<128x512xi32>
    %and3A_1771 = arith.andi %eq3A_1769, %lt3A_1770 : vector<128x512xi1>
    %or3A_1772 = arith.ori %gt3A_1768, %and3A_1771 : vector<128x512xi1>
    %xor3A_1773 = vector.broadcast %eq3A_1737 : vector<1x512xi1> to vector<128x512xi1>
    %xor3A_1774 = arith.xori %or3A_1772, %xor3A_1773 : vector<128x512xi1>
    %select_n3A_1775 = arith.select %xor3A_1774, %select_n3A_1746, %select_n3A_1724 : vector<128x512xi1>, vector<128x512xf32>
    %select_n3A_1776 = arith.select %xor3A_1774, %select_n3A_1755, %select_n3A_1725 : vector<128x512xi1>, vector<128x512xi32>
    %and3A_1777 = arith.constant 1 : i32
    %and3A_1778 = vector.broadcast %and3A_1777 : i32 to vector<1x512xi32>
    %and3A_1779 = arith.andi %iota3A_2, %and3A_1778 : vector<1x512xi32>
    %ne3A_1780 = arith.constant 0 : i32
    %ne3A_1781 = vector.broadcast %ne3A_1780 : i32 to vector<1x512xi32>
    %ne3A_1782 = arith.cmpi ne, %and3A_1779, %ne3A_1781 : vector<1x512xi32>
    %and3A_1783 = arith.constant 256 : i32
    %and3A_1784 = vector.broadcast %and3A_1783 : i32 to vector<1x512xi32>
    %and3A_1785 = arith.andi %iota3A_2, %and3A_1784 : vector<1x512xi32>
    %eq3A_1786 = arith.constant 0 : i32
    %eq3A_1787 = vector.broadcast %eq3A_1786 : i32 to vector<1x512xi32>
    %eq3A_1788 = arith.cmpi eq, %and3A_1785, %eq3A_1787 : vector<1x512xi32>
    %slice3A_1789 = vector.extract_strided_slice %select_n3A_1775 {offsets = [0, 511], sizes = [128, 1], strides = [1, 1]} : vector<128x512xf32> to vector<128x1xf32>
    %slice3A_1790 = vector.extract_strided_slice %select_n3A_1775 {offsets = [0, 0], sizes = [128, 511], strides = [1, 1]} : vector<128x512xf32> to vector<128x511xf32>
    %concatenate3A_1791 = tpu.concatenate %slice3A_1789, %slice3A_1790 in 1 : vector<128x1xf32>, vector<128x511xf32> -> vector<128x512xf32>
    %slice3A_1792 = vector.extract_strided_slice %select_n3A_1775 {offsets = [0, 1], sizes = [128, 511], strides = [1, 1]} : vector<128x512xf32> to vector<128x511xf32>
    %slice3A_1793 = vector.extract_strided_slice %select_n3A_1775 {offsets = [0, 0], sizes = [128, 1], strides = [1, 1]} : vector<128x512xf32> to vector<128x1xf32>
    %concatenate3A_1794 = tpu.concatenate %slice3A_1792, %slice3A_1793 in 1 : vector<128x511xf32>, vector<128x1xf32> -> vector<128x512xf32>
    %broadcast_in_dim3A_1795 = vector.shape_cast %ne3A_1782 : vector<1x512xi1> to vector<1x512xi1>
    %broadcast_in_dim3A_1796 = vector.broadcast %broadcast_in_dim3A_1795 : vector<1x512xi1> to vector<128x512xi1>
    %select_n3A_1797 = arith.select %broadcast_in_dim3A_1796, %concatenate3A_1791, %concatenate3A_1794 : vector<128x512xi1>, vector<128x512xf32>
    %slice3A_1798 = vector.extract_strided_slice %select_n3A_1776 {offsets = [0, 511], sizes = [128, 1], strides = [1, 1]} : vector<128x512xi32> to vector<128x1xi32>
    %slice3A_1799 = vector.extract_strided_slice %select_n3A_1776 {offsets = [0, 0], sizes = [128, 511], strides = [1, 1]} : vector<128x512xi32> to vector<128x511xi32>
    %concatenate3A_1800 = tpu.concatenate %slice3A_1798, %slice3A_1799 in 1 : vector<128x1xi32>, vector<128x511xi32> -> vector<128x512xi32>
    %slice3A_1801 = vector.extract_strided_slice %select_n3A_1776 {offsets = [0, 1], sizes = [128, 511], strides = [1, 1]} : vector<128x512xi32> to vector<128x511xi32>
    %slice3A_1802 = vector.extract_strided_slice %select_n3A_1776 {offsets = [0, 0], sizes = [128, 1], strides = [1, 1]} : vector<128x512xi32> to vector<128x1xi32>
    %concatenate3A_1803 = tpu.concatenate %slice3A_1801, %slice3A_1802 in 1 : vector<128x511xi32>, vector<128x1xi32> -> vector<128x512xi32>
    %broadcast_in_dim3A_1804 = vector.shape_cast %ne3A_1782 : vector<1x512xi1> to vector<1x512xi1>
    %broadcast_in_dim3A_1805 = vector.broadcast %broadcast_in_dim3A_1804 : vector<1x512xi1> to vector<128x512xi1>
    %select_n3A_1806 = arith.select %broadcast_in_dim3A_1805, %concatenate3A_1800, %concatenate3A_1803 : vector<128x512xi1>, vector<128x512xi32>
    %broadcast_in_dim3A_1807 = vector.shape_cast %ne3A_1782 : vector<1x512xi1> to vector<1x512xi1>
    %broadcast_in_dim3A_1808 = vector.broadcast %broadcast_in_dim3A_1807 : vector<1x512xi1> to vector<128x512xi1>
    %select_n3A_1809 = arith.select %broadcast_in_dim3A_1808, %select_n3A_1797, %select_n3A_1775 : vector<128x512xi1>, vector<128x512xf32>
    %broadcast_in_dim3A_1810 = vector.shape_cast %ne3A_1782 : vector<1x512xi1> to vector<1x512xi1>
    %broadcast_in_dim3A_1811 = vector.broadcast %broadcast_in_dim3A_1810 : vector<1x512xi1> to vector<128x512xi1>
    %select_n3A_1812 = arith.select %broadcast_in_dim3A_1811, %select_n3A_1775, %select_n3A_1797 : vector<128x512xi1>, vector<128x512xf32>
    %broadcast_in_dim3A_1813 = vector.shape_cast %ne3A_1782 : vector<1x512xi1> to vector<1x512xi1>
    %broadcast_in_dim3A_1814 = vector.broadcast %broadcast_in_dim3A_1813 : vector<1x512xi1> to vector<128x512xi1>
    %select_n3A_1815 = arith.select %broadcast_in_dim3A_1814, %select_n3A_1806, %select_n3A_1776 : vector<128x512xi1>, vector<128x512xi32>
    %broadcast_in_dim3A_1816 = vector.shape_cast %ne3A_1782 : vector<1x512xi1> to vector<1x512xi1>
    %broadcast_in_dim3A_1817 = vector.broadcast %broadcast_in_dim3A_1816 : vector<1x512xi1> to vector<128x512xi1>
    %select_n3A_1818 = arith.select %broadcast_in_dim3A_1817, %select_n3A_1776, %select_n3A_1806 : vector<128x512xi1>, vector<128x512xi32>
    %gt3A_1819 = arith.cmpf ogt, %select_n3A_1809, %select_n3A_1812 : vector<128x512xf32>
    %eq3A_1820 = arith.cmpf oeq, %select_n3A_1809, %select_n3A_1812 : vector<128x512xf32>
    %lt3A_1821 = arith.cmpi slt, %select_n3A_1815, %select_n3A_1818 : vector<128x512xi32>
    %and3A_1822 = arith.andi %eq3A_1820, %lt3A_1821 : vector<128x512xi1>
    %or3A_1823 = arith.ori %gt3A_1819, %and3A_1822 : vector<128x512xi1>
    %xor3A_1824 = vector.broadcast %eq3A_1788 : vector<1x512xi1> to vector<128x512xi1>
    %xor3A_1825 = arith.xori %or3A_1823, %xor3A_1824 : vector<128x512xi1>
    %select_n3A_1826 = arith.select %xor3A_1825, %select_n3A_1797, %select_n3A_1775 : vector<128x512xi1>, vector<128x512xf32>
    %select_n3A_1827 = arith.select %xor3A_1825, %select_n3A_1806, %select_n3A_1776 : vector<128x512xi1>, vector<128x512xi32>
    %and3A_1828 = arith.constant 256 : i32
    %and3A_1829 = vector.broadcast %and3A_1828 : i32 to vector<1x512xi32>
    %and3A_1830 = arith.andi %iota3A_2, %and3A_1829 : vector<1x512xi32>
    %ne3A_1831 = arith.constant 0 : i32
    %ne3A_1832 = vector.broadcast %ne3A_1831 : i32 to vector<1x512xi32>
    %ne3A_1833 = arith.cmpi ne, %and3A_1830, %ne3A_1832 : vector<1x512xi32>
    %broadcast_in_dim3A_1834 = arith.constant true
    %broadcast_in_dim3A_1835 = vector.broadcast %broadcast_in_dim3A_1834 : i1 to vector<1x512xi1>
    %slice3A_1836 = vector.extract_strided_slice %select_n3A_1826 {offsets = [0, 256], sizes = [128, 256], strides = [1, 1]} : vector<128x512xf32> to vector<128x256xf32>
    %slice3A_1837 = vector.extract_strided_slice %select_n3A_1826 {offsets = [0, 0], sizes = [128, 256], strides = [1, 1]} : vector<128x512xf32> to vector<128x256xf32>
    %concatenate3A_1838 = tpu.concatenate %slice3A_1836, %slice3A_1837 in 1 : vector<128x256xf32>, vector<128x256xf32> -> vector<128x512xf32>
    %slice3A_1839 = vector.extract_strided_slice %select_n3A_1826 {offsets = [0, 256], sizes = [128, 256], strides = [1, 1]} : vector<128x512xf32> to vector<128x256xf32>
    %slice3A_1840 = vector.extract_strided_slice %select_n3A_1826 {offsets = [0, 0], sizes = [128, 256], strides = [1, 1]} : vector<128x512xf32> to vector<128x256xf32>
    %concatenate3A_1841 = tpu.concatenate %slice3A_1839, %slice3A_1840 in 1 : vector<128x256xf32>, vector<128x256xf32> -> vector<128x512xf32>
    %broadcast_in_dim3A_1842 = vector.shape_cast %ne3A_1833 : vector<1x512xi1> to vector<1x512xi1>
    %broadcast_in_dim3A_1843 = vector.broadcast %broadcast_in_dim3A_1842 : vector<1x512xi1> to vector<128x512xi1>
    %select_n3A_1844 = arith.select %broadcast_in_dim3A_1843, %concatenate3A_1838, %concatenate3A_1841 : vector<128x512xi1>, vector<128x512xf32>
    %slice3A_1845 = vector.extract_strided_slice %select_n3A_1827 {offsets = [0, 256], sizes = [128, 256], strides = [1, 1]} : vector<128x512xi32> to vector<128x256xi32>
    %slice3A_1846 = vector.extract_strided_slice %select_n3A_1827 {offsets = [0, 0], sizes = [128, 256], strides = [1, 1]} : vector<128x512xi32> to vector<128x256xi32>
    %concatenate3A_1847 = tpu.concatenate %slice3A_1845, %slice3A_1846 in 1 : vector<128x256xi32>, vector<128x256xi32> -> vector<128x512xi32>
    %slice3A_1848 = vector.extract_strided_slice %select_n3A_1827 {offsets = [0, 256], sizes = [128, 256], strides = [1, 1]} : vector<128x512xi32> to vector<128x256xi32>
    %slice3A_1849 = vector.extract_strided_slice %select_n3A_1827 {offsets = [0, 0], sizes = [128, 256], strides = [1, 1]} : vector<128x512xi32> to vector<128x256xi32>
    %concatenate3A_1850 = tpu.concatenate %slice3A_1848, %slice3A_1849 in 1 : vector<128x256xi32>, vector<128x256xi32> -> vector<128x512xi32>
    %broadcast_in_dim3A_1851 = vector.shape_cast %ne3A_1833 : vector<1x512xi1> to vector<1x512xi1>
    %broadcast_in_dim3A_1852 = vector.broadcast %broadcast_in_dim3A_1851 : vector<1x512xi1> to vector<128x512xi1>
    %select_n3A_1853 = arith.select %broadcast_in_dim3A_1852, %concatenate3A_1847, %concatenate3A_1850 : vector<128x512xi1>, vector<128x512xi32>
    %broadcast_in_dim3A_1854 = vector.shape_cast %ne3A_1833 : vector<1x512xi1> to vector<1x512xi1>
    %broadcast_in_dim3A_1855 = vector.broadcast %broadcast_in_dim3A_1854 : vector<1x512xi1> to vector<128x512xi1>
    %select_n3A_1856 = arith.select %broadcast_in_dim3A_1855, %select_n3A_1844, %select_n3A_1826 : vector<128x512xi1>, vector<128x512xf32>
    %broadcast_in_dim3A_1857 = vector.shape_cast %ne3A_1833 : vector<1x512xi1> to vector<1x512xi1>
    %broadcast_in_dim3A_1858 = vector.broadcast %broadcast_in_dim3A_1857 : vector<1x512xi1> to vector<128x512xi1>
    %select_n3A_1859 = arith.select %broadcast_in_dim3A_1858, %select_n3A_1826, %select_n3A_1844 : vector<128x512xi1>, vector<128x512xf32>
    %broadcast_in_dim3A_1860 = vector.shape_cast %ne3A_1833 : vector<1x512xi1> to vector<1x512xi1>
    %broadcast_in_dim3A_1861 = vector.broadcast %broadcast_in_dim3A_1860 : vector<1x512xi1> to vector<128x512xi1>
    %select_n3A_1862 = arith.select %broadcast_in_dim3A_1861, %select_n3A_1853, %select_n3A_1827 : vector<128x512xi1>, vector<128x512xi32>
    %broadcast_in_dim3A_1863 = vector.shape_cast %ne3A_1833 : vector<1x512xi1> to vector<1x512xi1>
    %broadcast_in_dim3A_1864 = vector.broadcast %broadcast_in_dim3A_1863 : vector<1x512xi1> to vector<128x512xi1>
    %select_n3A_1865 = arith.select %broadcast_in_dim3A_1864, %select_n3A_1827, %select_n3A_1853 : vector<128x512xi1>, vector<128x512xi32>
    %gt3A_1866 = arith.cmpf ogt, %select_n3A_1856, %select_n3A_1859 : vector<128x512xf32>
    %eq3A_1867 = arith.cmpf oeq, %select_n3A_1856, %select_n3A_1859 : vector<128x512xf32>
    %lt3A_1868 = arith.cmpi slt, %select_n3A_1862, %select_n3A_1865 : vector<128x512xi32>
    %and3A_1869 = arith.andi %eq3A_1867, %lt3A_1868 : vector<128x512xi1>
    %or3A_1870 = arith.ori %gt3A_1866, %and3A_1869 : vector<128x512xi1>
    %xor3A_1871 = vector.broadcast %broadcast_in_dim3A_1835 : vector<1x512xi1> to vector<128x512xi1>
    %xor3A_1872 = arith.xori %or3A_1870, %xor3A_1871 : vector<128x512xi1>
    %select_n3A_1873 = arith.select %xor3A_1872, %select_n3A_1844, %select_n3A_1826 : vector<128x512xi1>, vector<128x512xf32>
    %select_n3A_1874 = arith.select %xor3A_1872, %select_n3A_1853, %select_n3A_1827 : vector<128x512xi1>, vector<128x512xi32>
    %and3A_1875 = arith.constant 128 : i32
    %and3A_1876 = vector.broadcast %and3A_1875 : i32 to vector<1x512xi32>
    %and3A_1877 = arith.andi %iota3A_2, %and3A_1876 : vector<1x512xi32>
    %ne3A_1878 = arith.constant 0 : i32
    %ne3A_1879 = vector.broadcast %ne3A_1878 : i32 to vector<1x512xi32>
    %ne3A_1880 = arith.cmpi ne, %and3A_1877, %ne3A_1879 : vector<1x512xi32>
    %broadcast_in_dim3A_1881 = arith.constant true
    %broadcast_in_dim3A_1882 = vector.broadcast %broadcast_in_dim3A_1881 : i1 to vector<1x512xi1>
    %slice3A_1883 = vector.extract_strided_slice %select_n3A_1873 {offsets = [0, 384], sizes = [128, 128], strides = [1, 1]} : vector<128x512xf32> to vector<128x128xf32>
    %slice3A_1884 = vector.extract_strided_slice %select_n3A_1873 {offsets = [0, 0], sizes = [128, 384], strides = [1, 1]} : vector<128x512xf32> to vector<128x384xf32>
    %concatenate3A_1885 = tpu.concatenate %slice3A_1883, %slice3A_1884 in 1 : vector<128x128xf32>, vector<128x384xf32> -> vector<128x512xf32>
    %slice3A_1886 = vector.extract_strided_slice %select_n3A_1873 {offsets = [0, 128], sizes = [128, 384], strides = [1, 1]} : vector<128x512xf32> to vector<128x384xf32>
    %slice3A_1887 = vector.extract_strided_slice %select_n3A_1873 {offsets = [0, 0], sizes = [128, 128], strides = [1, 1]} : vector<128x512xf32> to vector<128x128xf32>
    %concatenate3A_1888 = tpu.concatenate %slice3A_1886, %slice3A_1887 in 1 : vector<128x384xf32>, vector<128x128xf32> -> vector<128x512xf32>
    %broadcast_in_dim3A_1889 = vector.shape_cast %ne3A_1880 : vector<1x512xi1> to vector<1x512xi1>
    %broadcast_in_dim3A_1890 = vector.broadcast %broadcast_in_dim3A_1889 : vector<1x512xi1> to vector<128x512xi1>
    %select_n3A_1891 = arith.select %broadcast_in_dim3A_1890, %concatenate3A_1885, %concatenate3A_1888 : vector<128x512xi1>, vector<128x512xf32>
    %slice3A_1892 = vector.extract_strided_slice %select_n3A_1874 {offsets = [0, 384], sizes = [128, 128], strides = [1, 1]} : vector<128x512xi32> to vector<128x128xi32>
    %slice3A_1893 = vector.extract_strided_slice %select_n3A_1874 {offsets = [0, 0], sizes = [128, 384], strides = [1, 1]} : vector<128x512xi32> to vector<128x384xi32>
    %concatenate3A_1894 = tpu.concatenate %slice3A_1892, %slice3A_1893 in 1 : vector<128x128xi32>, vector<128x384xi32> -> vector<128x512xi32>
    %slice3A_1895 = vector.extract_strided_slice %select_n3A_1874 {offsets = [0, 128], sizes = [128, 384], strides = [1, 1]} : vector<128x512xi32> to vector<128x384xi32>
    %slice3A_1896 = vector.extract_strided_slice %select_n3A_1874 {offsets = [0, 0], sizes = [128, 128], strides = [1, 1]} : vector<128x512xi32> to vector<128x128xi32>
    %concatenate3A_1897 = tpu.concatenate %slice3A_1895, %slice3A_1896 in 1 : vector<128x384xi32>, vector<128x128xi32> -> vector<128x512xi32>
    %broadcast_in_dim3A_1898 = vector.shape_cast %ne3A_1880 : vector<1x512xi1> to vector<1x512xi1>
    %broadcast_in_dim3A_1899 = vector.broadcast %broadcast_in_dim3A_1898 : vector<1x512xi1> to vector<128x512xi1>
    %select_n3A_1900 = arith.select %broadcast_in_dim3A_1899, %concatenate3A_1894, %concatenate3A_1897 : vector<128x512xi1>, vector<128x512xi32>
    %broadcast_in_dim3A_1901 = vector.shape_cast %ne3A_1880 : vector<1x512xi1> to vector<1x512xi1>
    %broadcast_in_dim3A_1902 = vector.broadcast %broadcast_in_dim3A_1901 : vector<1x512xi1> to vector<128x512xi1>
    %select_n3A_1903 = arith.select %broadcast_in_dim3A_1902, %select_n3A_1891, %select_n3A_1873 : vector<128x512xi1>, vector<128x512xf32>
    %broadcast_in_dim3A_1904 = vector.shape_cast %ne3A_1880 : vector<1x512xi1> to vector<1x512xi1>
    %broadcast_in_dim3A_1905 = vector.broadcast %broadcast_in_dim3A_1904 : vector<1x512xi1> to vector<128x512xi1>
    %select_n3A_1906 = arith.select %broadcast_in_dim3A_1905, %select_n3A_1873, %select_n3A_1891 : vector<128x512xi1>, vector<128x512xf32>
    %broadcast_in_dim3A_1907 = vector.shape_cast %ne3A_1880 : vector<1x512xi1> to vector<1x512xi1>
    %broadcast_in_dim3A_1908 = vector.broadcast %broadcast_in_dim3A_1907 : vector<1x512xi1> to vector<128x512xi1>
    %select_n3A_1909 = arith.select %broadcast_in_dim3A_1908, %select_n3A_1900, %select_n3A_1874 : vector<128x512xi1>, vector<128x512xi32>
    %broadcast_in_dim3A_1910 = vector.shape_cast %ne3A_1880 : vector<1x512xi1> to vector<1x512xi1>
    %broadcast_in_dim3A_1911 = vector.broadcast %broadcast_in_dim3A_1910 : vector<1x512xi1> to vector<128x512xi1>
    %select_n3A_1912 = arith.select %broadcast_in_dim3A_1911, %select_n3A_1874, %select_n3A_1900 : vector<128x512xi1>, vector<128x512xi32>
    %gt3A_1913 = arith.cmpf ogt, %select_n3A_1903, %select_n3A_1906 : vector<128x512xf32>
    %eq3A_1914 = arith.cmpf oeq, %select_n3A_1903, %select_n3A_1906 : vector<128x512xf32>
    %lt3A_1915 = arith.cmpi slt, %select_n3A_1909, %select_n3A_1912 : vector<128x512xi32>
    %and3A_1916 = arith.andi %eq3A_1914, %lt3A_1915 : vector<128x512xi1>
    %or3A_1917 = arith.ori %gt3A_1913, %and3A_1916 : vector<128x512xi1>
    %xor3A_1918 = vector.broadcast %broadcast_in_dim3A_1882 : vector<1x512xi1> to vector<128x512xi1>
    %xor3A_1919 = arith.xori %or3A_1917, %xor3A_1918 : vector<128x512xi1>
    %select_n3A_1920 = arith.select %xor3A_1919, %select_n3A_1891, %select_n3A_1873 : vector<128x512xi1>, vector<128x512xf32>
    %select_n3A_1921 = arith.select %xor3A_1919, %select_n3A_1900, %select_n3A_1874 : vector<128x512xi1>, vector<128x512xi32>
    %and3A_1922 = arith.constant 64 : i32
    %and3A_1923 = vector.broadcast %and3A_1922 : i32 to vector<1x512xi32>
    %and3A_1924 = arith.andi %iota3A_2, %and3A_1923 : vector<1x512xi32>
    %ne3A_1925 = arith.constant 0 : i32
    %ne3A_1926 = vector.broadcast %ne3A_1925 : i32 to vector<1x512xi32>
    %ne3A_1927 = arith.cmpi ne, %and3A_1924, %ne3A_1926 : vector<1x512xi32>
    %broadcast_in_dim3A_1928 = arith.constant true
    %broadcast_in_dim3A_1929 = vector.broadcast %broadcast_in_dim3A_1928 : i1 to vector<1x512xi1>
    %slice3A_1930 = vector.extract_strided_slice %select_n3A_1920 {offsets = [0, 448], sizes = [128, 64], strides = [1, 1]} : vector<128x512xf32> to vector<128x64xf32>
    %slice3A_1931 = vector.extract_strided_slice %select_n3A_1920 {offsets = [0, 0], sizes = [128, 448], strides = [1, 1]} : vector<128x512xf32> to vector<128x448xf32>
    %concatenate3A_1932 = tpu.concatenate %slice3A_1930, %slice3A_1931 in 1 : vector<128x64xf32>, vector<128x448xf32> -> vector<128x512xf32>
    %slice3A_1933 = vector.extract_strided_slice %select_n3A_1920 {offsets = [0, 64], sizes = [128, 448], strides = [1, 1]} : vector<128x512xf32> to vector<128x448xf32>
    %slice3A_1934 = vector.extract_strided_slice %select_n3A_1920 {offsets = [0, 0], sizes = [128, 64], strides = [1, 1]} : vector<128x512xf32> to vector<128x64xf32>
    %concatenate3A_1935 = tpu.concatenate %slice3A_1933, %slice3A_1934 in 1 : vector<128x448xf32>, vector<128x64xf32> -> vector<128x512xf32>
    %broadcast_in_dim3A_1936 = vector.shape_cast %ne3A_1927 : vector<1x512xi1> to vector<1x512xi1>
    %broadcast_in_dim3A_1937 = vector.broadcast %broadcast_in_dim3A_1936 : vector<1x512xi1> to vector<128x512xi1>
    %select_n3A_1938 = arith.select %broadcast_in_dim3A_1937, %concatenate3A_1932, %concatenate3A_1935 : vector<128x512xi1>, vector<128x512xf32>
    %slice3A_1939 = vector.extract_strided_slice %select_n3A_1921 {offsets = [0, 448], sizes = [128, 64], strides = [1, 1]} : vector<128x512xi32> to vector<128x64xi32>
    %slice3A_1940 = vector.extract_strided_slice %select_n3A_1921 {offsets = [0, 0], sizes = [128, 448], strides = [1, 1]} : vector<128x512xi32> to vector<128x448xi32>
    %concatenate3A_1941 = tpu.concatenate %slice3A_1939, %slice3A_1940 in 1 : vector<128x64xi32>, vector<128x448xi32> -> vector<128x512xi32>
    %slice3A_1942 = vector.extract_strided_slice %select_n3A_1921 {offsets = [0, 64], sizes = [128, 448], strides = [1, 1]} : vector<128x512xi32> to vector<128x448xi32>
    %slice3A_1943 = vector.extract_strided_slice %select_n3A_1921 {offsets = [0, 0], sizes = [128, 64], strides = [1, 1]} : vector<128x512xi32> to vector<128x64xi32>
    %concatenate3A_1944 = tpu.concatenate %slice3A_1942, %slice3A_1943 in 1 : vector<128x448xi32>, vector<128x64xi32> -> vector<128x512xi32>
    %broadcast_in_dim3A_1945 = vector.shape_cast %ne3A_1927 : vector<1x512xi1> to vector<1x512xi1>
    %broadcast_in_dim3A_1946 = vector.broadcast %broadcast_in_dim3A_1945 : vector<1x512xi1> to vector<128x512xi1>
    %select_n3A_1947 = arith.select %broadcast_in_dim3A_1946, %concatenate3A_1941, %concatenate3A_1944 : vector<128x512xi1>, vector<128x512xi32>
    %broadcast_in_dim3A_1948 = vector.shape_cast %ne3A_1927 : vector<1x512xi1> to vector<1x512xi1>
    %broadcast_in_dim3A_1949 = vector.broadcast %broadcast_in_dim3A_1948 : vector<1x512xi1> to vector<128x512xi1>
    %select_n3A_1950 = arith.select %broadcast_in_dim3A_1949, %select_n3A_1938, %select_n3A_1920 : vector<128x512xi1>, vector<128x512xf32>
    %broadcast_in_dim3A_1951 = vector.shape_cast %ne3A_1927 : vector<1x512xi1> to vector<1x512xi1>
    %broadcast_in_dim3A_1952 = vector.broadcast %broadcast_in_dim3A_1951 : vector<1x512xi1> to vector<128x512xi1>
    %select_n3A_1953 = arith.select %broadcast_in_dim3A_1952, %select_n3A_1920, %select_n3A_1938 : vector<128x512xi1>, vector<128x512xf32>
    %broadcast_in_dim3A_1954 = vector.shape_cast %ne3A_1927 : vector<1x512xi1> to vector<1x512xi1>
    %broadcast_in_dim3A_1955 = vector.broadcast %broadcast_in_dim3A_1954 : vector<1x512xi1> to vector<128x512xi1>
    %select_n3A_1956 = arith.select %broadcast_in_dim3A_1955, %select_n3A_1947, %select_n3A_1921 : vector<128x512xi1>, vector<128x512xi32>
    %broadcast_in_dim3A_1957 = vector.shape_cast %ne3A_1927 : vector<1x512xi1> to vector<1x512xi1>
    %broadcast_in_dim3A_1958 = vector.broadcast %broadcast_in_dim3A_1957 : vector<1x512xi1> to vector<128x512xi1>
    %select_n3A_1959 = arith.select %broadcast_in_dim3A_1958, %select_n3A_1921, %select_n3A_1947 : vector<128x512xi1>, vector<128x512xi32>
    %gt3A_1960 = arith.cmpf ogt, %select_n3A_1950, %select_n3A_1953 : vector<128x512xf32>
    %eq3A_1961 = arith.cmpf oeq, %select_n3A_1950, %select_n3A_1953 : vector<128x512xf32>
    %lt3A_1962 = arith.cmpi slt, %select_n3A_1956, %select_n3A_1959 : vector<128x512xi32>
    %and3A_1963 = arith.andi %eq3A_1961, %lt3A_1962 : vector<128x512xi1>
    %or3A_1964 = arith.ori %gt3A_1960, %and3A_1963 : vector<128x512xi1>
    %xor3A_1965 = vector.broadcast %broadcast_in_dim3A_1929 : vector<1x512xi1> to vector<128x512xi1>
    %xor3A_1966 = arith.xori %or3A_1964, %xor3A_1965 : vector<128x512xi1>
    %select_n3A_1967 = arith.select %xor3A_1966, %select_n3A_1938, %select_n3A_1920 : vector<128x512xi1>, vector<128x512xf32>
    %select_n3A_1968 = arith.select %xor3A_1966, %select_n3A_1947, %select_n3A_1921 : vector<128x512xi1>, vector<128x512xi32>
    %and3A_1969 = arith.constant 32 : i32
    %and3A_1970 = vector.broadcast %and3A_1969 : i32 to vector<1x512xi32>
    %and3A_1971 = arith.andi %iota3A_2, %and3A_1970 : vector<1x512xi32>
    %ne3A_1972 = arith.constant 0 : i32
    %ne3A_1973 = vector.broadcast %ne3A_1972 : i32 to vector<1x512xi32>
    %ne3A_1974 = arith.cmpi ne, %and3A_1971, %ne3A_1973 : vector<1x512xi32>
    %broadcast_in_dim3A_1975 = arith.constant true
    %broadcast_in_dim3A_1976 = vector.broadcast %broadcast_in_dim3A_1975 : i1 to vector<1x512xi1>
    %slice3A_1977 = vector.extract_strided_slice %select_n3A_1967 {offsets = [0, 480], sizes = [128, 32], strides = [1, 1]} : vector<128x512xf32> to vector<128x32xf32>
    %slice3A_1978 = vector.extract_strided_slice %select_n3A_1967 {offsets = [0, 0], sizes = [128, 480], strides = [1, 1]} : vector<128x512xf32> to vector<128x480xf32>
    %concatenate3A_1979 = tpu.concatenate %slice3A_1977, %slice3A_1978 in 1 : vector<128x32xf32>, vector<128x480xf32> -> vector<128x512xf32>
    %slice3A_1980 = vector.extract_strided_slice %select_n3A_1967 {offsets = [0, 32], sizes = [128, 480], strides = [1, 1]} : vector<128x512xf32> to vector<128x480xf32>
    %slice3A_1981 = vector.extract_strided_slice %select_n3A_1967 {offsets = [0, 0], sizes = [128, 32], strides = [1, 1]} : vector<128x512xf32> to vector<128x32xf32>
    %concatenate3A_1982 = tpu.concatenate %slice3A_1980, %slice3A_1981 in 1 : vector<128x480xf32>, vector<128x32xf32> -> vector<128x512xf32>
    %broadcast_in_dim3A_1983 = vector.shape_cast %ne3A_1974 : vector<1x512xi1> to vector<1x512xi1>
    %broadcast_in_dim3A_1984 = vector.broadcast %broadcast_in_dim3A_1983 : vector<1x512xi1> to vector<128x512xi1>
    %select_n3A_1985 = arith.select %broadcast_in_dim3A_1984, %concatenate3A_1979, %concatenate3A_1982 : vector<128x512xi1>, vector<128x512xf32>
    %slice3A_1986 = vector.extract_strided_slice %select_n3A_1968 {offsets = [0, 480], sizes = [128, 32], strides = [1, 1]} : vector<128x512xi32> to vector<128x32xi32>
    %slice3A_1987 = vector.extract_strided_slice %select_n3A_1968 {offsets = [0, 0], sizes = [128, 480], strides = [1, 1]} : vector<128x512xi32> to vector<128x480xi32>
    %concatenate3A_1988 = tpu.concatenate %slice3A_1986, %slice3A_1987 in 1 : vector<128x32xi32>, vector<128x480xi32> -> vector<128x512xi32>
    %slice3A_1989 = vector.extract_strided_slice %select_n3A_1968 {offsets = [0, 32], sizes = [128, 480], strides = [1, 1]} : vector<128x512xi32> to vector<128x480xi32>
    %slice3A_1990 = vector.extract_strided_slice %select_n3A_1968 {offsets = [0, 0], sizes = [128, 32], strides = [1, 1]} : vector<128x512xi32> to vector<128x32xi32>
    %concatenate3A_1991 = tpu.concatenate %slice3A_1989, %slice3A_1990 in 1 : vector<128x480xi32>, vector<128x32xi32> -> vector<128x512xi32>
    %broadcast_in_dim3A_1992 = vector.shape_cast %ne3A_1974 : vector<1x512xi1> to vector<1x512xi1>
    %broadcast_in_dim3A_1993 = vector.broadcast %broadcast_in_dim3A_1992 : vector<1x512xi1> to vector<128x512xi1>
    %select_n3A_1994 = arith.select %broadcast_in_dim3A_1993, %concatenate3A_1988, %concatenate3A_1991 : vector<128x512xi1>, vector<128x512xi32>
    %broadcast_in_dim3A_1995 = vector.shape_cast %ne3A_1974 : vector<1x512xi1> to vector<1x512xi1>
    %broadcast_in_dim3A_1996 = vector.broadcast %broadcast_in_dim3A_1995 : vector<1x512xi1> to vector<128x512xi1>
    %select_n3A_1997 = arith.select %broadcast_in_dim3A_1996, %select_n3A_1985, %select_n3A_1967 : vector<128x512xi1>, vector<128x512xf32>
    %broadcast_in_dim3A_1998 = vector.shape_cast %ne3A_1974 : vector<1x512xi1> to vector<1x512xi1>
    %broadcast_in_dim3A_1999 = vector.broadcast %broadcast_in_dim3A_1998 : vector<1x512xi1> to vector<128x512xi1>
    %select_n3A_2000 = arith.select %broadcast_in_dim3A_1999, %select_n3A_1967, %select_n3A_1985 : vector<128x512xi1>, vector<128x512xf32>
    %broadcast_in_dim3A_2001 = vector.shape_cast %ne3A_1974 : vector<1x512xi1> to vector<1x512xi1>
    %broadcast_in_dim3A_2002 = vector.broadcast %broadcast_in_dim3A_2001 : vector<1x512xi1> to vector<128x512xi1>
    %select_n3A_2003 = arith.select %broadcast_in_dim3A_2002, %select_n3A_1994, %select_n3A_1968 : vector<128x512xi1>, vector<128x512xi32>
    %broadcast_in_dim3A_2004 = vector.shape_cast %ne3A_1974 : vector<1x512xi1> to vector<1x512xi1>
    %broadcast_in_dim3A_2005 = vector.broadcast %broadcast_in_dim3A_2004 : vector<1x512xi1> to vector<128x512xi1>
    %select_n3A_2006 = arith.select %broadcast_in_dim3A_2005, %select_n3A_1968, %select_n3A_1994 : vector<128x512xi1>, vector<128x512xi32>
    %gt3A_2007 = arith.cmpf ogt, %select_n3A_1997, %select_n3A_2000 : vector<128x512xf32>
    %eq3A_2008 = arith.cmpf oeq, %select_n3A_1997, %select_n3A_2000 : vector<128x512xf32>
    %lt3A_2009 = arith.cmpi slt, %select_n3A_2003, %select_n3A_2006 : vector<128x512xi32>
    %and3A_2010 = arith.andi %eq3A_2008, %lt3A_2009 : vector<128x512xi1>
    %or3A_2011 = arith.ori %gt3A_2007, %and3A_2010 : vector<128x512xi1>
    %xor3A_2012 = vector.broadcast %broadcast_in_dim3A_1976 : vector<1x512xi1> to vector<128x512xi1>
    %xor3A_2013 = arith.xori %or3A_2011, %xor3A_2012 : vector<128x512xi1>
    %select_n3A_2014 = arith.select %xor3A_2013, %select_n3A_1985, %select_n3A_1967 : vector<128x512xi1>, vector<128x512xf32>
    %select_n3A_2015 = arith.select %xor3A_2013, %select_n3A_1994, %select_n3A_1968 : vector<128x512xi1>, vector<128x512xi32>
    %and3A_2016 = arith.constant 16 : i32
    %and3A_2017 = vector.broadcast %and3A_2016 : i32 to vector<1x512xi32>
    %and3A_2018 = arith.andi %iota3A_2, %and3A_2017 : vector<1x512xi32>
    %ne3A_2019 = arith.constant 0 : i32
    %ne3A_2020 = vector.broadcast %ne3A_2019 : i32 to vector<1x512xi32>
    %ne3A_2021 = arith.cmpi ne, %and3A_2018, %ne3A_2020 : vector<1x512xi32>
    %broadcast_in_dim3A_2022 = arith.constant true
    %broadcast_in_dim3A_2023 = vector.broadcast %broadcast_in_dim3A_2022 : i1 to vector<1x512xi1>
    %slice3A_2024 = vector.extract_strided_slice %select_n3A_2014 {offsets = [0, 496], sizes = [128, 16], strides = [1, 1]} : vector<128x512xf32> to vector<128x16xf32>
    %slice3A_2025 = vector.extract_strided_slice %select_n3A_2014 {offsets = [0, 0], sizes = [128, 496], strides = [1, 1]} : vector<128x512xf32> to vector<128x496xf32>
    %concatenate3A_2026 = tpu.concatenate %slice3A_2024, %slice3A_2025 in 1 : vector<128x16xf32>, vector<128x496xf32> -> vector<128x512xf32>
    %slice3A_2027 = vector.extract_strided_slice %select_n3A_2014 {offsets = [0, 16], sizes = [128, 496], strides = [1, 1]} : vector<128x512xf32> to vector<128x496xf32>
    %slice3A_2028 = vector.extract_strided_slice %select_n3A_2014 {offsets = [0, 0], sizes = [128, 16], strides = [1, 1]} : vector<128x512xf32> to vector<128x16xf32>
    %concatenate3A_2029 = tpu.concatenate %slice3A_2027, %slice3A_2028 in 1 : vector<128x496xf32>, vector<128x16xf32> -> vector<128x512xf32>
    %broadcast_in_dim3A_2030 = vector.shape_cast %ne3A_2021 : vector<1x512xi1> to vector<1x512xi1>
    %broadcast_in_dim3A_2031 = vector.broadcast %broadcast_in_dim3A_2030 : vector<1x512xi1> to vector<128x512xi1>
    %select_n3A_2032 = arith.select %broadcast_in_dim3A_2031, %concatenate3A_2026, %concatenate3A_2029 : vector<128x512xi1>, vector<128x512xf32>
    %slice3A_2033 = vector.extract_strided_slice %select_n3A_2015 {offsets = [0, 496], sizes = [128, 16], strides = [1, 1]} : vector<128x512xi32> to vector<128x16xi32>
    %slice3A_2034 = vector.extract_strided_slice %select_n3A_2015 {offsets = [0, 0], sizes = [128, 496], strides = [1, 1]} : vector<128x512xi32> to vector<128x496xi32>
    %concatenate3A_2035 = tpu.concatenate %slice3A_2033, %slice3A_2034 in 1 : vector<128x16xi32>, vector<128x496xi32> -> vector<128x512xi32>
    %slice3A_2036 = vector.extract_strided_slice %select_n3A_2015 {offsets = [0, 16], sizes = [128, 496], strides = [1, 1]} : vector<128x512xi32> to vector<128x496xi32>
    %slice3A_2037 = vector.extract_strided_slice %select_n3A_2015 {offsets = [0, 0], sizes = [128, 16], strides = [1, 1]} : vector<128x512xi32> to vector<128x16xi32>
    %concatenate3A_2038 = tpu.concatenate %slice3A_2036, %slice3A_2037 in 1 : vector<128x496xi32>, vector<128x16xi32> -> vector<128x512xi32>
    %broadcast_in_dim3A_2039 = vector.shape_cast %ne3A_2021 : vector<1x512xi1> to vector<1x512xi1>
    %broadcast_in_dim3A_2040 = vector.broadcast %broadcast_in_dim3A_2039 : vector<1x512xi1> to vector<128x512xi1>
    %select_n3A_2041 = arith.select %broadcast_in_dim3A_2040, %concatenate3A_2035, %concatenate3A_2038 : vector<128x512xi1>, vector<128x512xi32>
    %broadcast_in_dim3A_2042 = vector.shape_cast %ne3A_2021 : vector<1x512xi1> to vector<1x512xi1>
    %broadcast_in_dim3A_2043 = vector.broadcast %broadcast_in_dim3A_2042 : vector<1x512xi1> to vector<128x512xi1>
    %select_n3A_2044 = arith.select %broadcast_in_dim3A_2043, %select_n3A_2032, %select_n3A_2014 : vector<128x512xi1>, vector<128x512xf32>
    %broadcast_in_dim3A_2045 = vector.shape_cast %ne3A_2021 : vector<1x512xi1> to vector<1x512xi1>
    %broadcast_in_dim3A_2046 = vector.broadcast %broadcast_in_dim3A_2045 : vector<1x512xi1> to vector<128x512xi1>
    %select_n3A_2047 = arith.select %broadcast_in_dim3A_2046, %select_n3A_2014, %select_n3A_2032 : vector<128x512xi1>, vector<128x512xf32>
    %broadcast_in_dim3A_2048 = vector.shape_cast %ne3A_2021 : vector<1x512xi1> to vector<1x512xi1>
    %broadcast_in_dim3A_2049 = vector.broadcast %broadcast_in_dim3A_2048 : vector<1x512xi1> to vector<128x512xi1>
    %select_n3A_2050 = arith.select %broadcast_in_dim3A_2049, %select_n3A_2041, %select_n3A_2015 : vector<128x512xi1>, vector<128x512xi32>
    %broadcast_in_dim3A_2051 = vector.shape_cast %ne3A_2021 : vector<1x512xi1> to vector<1x512xi1>
    %broadcast_in_dim3A_2052 = vector.broadcast %broadcast_in_dim3A_2051 : vector<1x512xi1> to vector<128x512xi1>
    %select_n3A_2053 = arith.select %broadcast_in_dim3A_2052, %select_n3A_2015, %select_n3A_2041 : vector<128x512xi1>, vector<128x512xi32>
    %gt3A_2054 = arith.cmpf ogt, %select_n3A_2044, %select_n3A_2047 : vector<128x512xf32>
    %eq3A_2055 = arith.cmpf oeq, %select_n3A_2044, %select_n3A_2047 : vector<128x512xf32>
    %lt3A_2056 = arith.cmpi slt, %select_n3A_2050, %select_n3A_2053 : vector<128x512xi32>
    %and3A_2057 = arith.andi %eq3A_2055, %lt3A_2056 : vector<128x512xi1>
    %or3A_2058 = arith.ori %gt3A_2054, %and3A_2057 : vector<128x512xi1>
    %xor3A_2059 = vector.broadcast %broadcast_in_dim3A_2023 : vector<1x512xi1> to vector<128x512xi1>
    %xor3A_2060 = arith.xori %or3A_2058, %xor3A_2059 : vector<128x512xi1>
    %select_n3A_2061 = arith.select %xor3A_2060, %select_n3A_2032, %select_n3A_2014 : vector<128x512xi1>, vector<128x512xf32>
    %select_n3A_2062 = arith.select %xor3A_2060, %select_n3A_2041, %select_n3A_2015 : vector<128x512xi1>, vector<128x512xi32>
    %and3A_2063 = arith.constant 8 : i32
    %and3A_2064 = vector.broadcast %and3A_2063 : i32 to vector<1x512xi32>
    %and3A_2065 = arith.andi %iota3A_2, %and3A_2064 : vector<1x512xi32>
    %ne3A_2066 = arith.constant 0 : i32
    %ne3A_2067 = vector.broadcast %ne3A_2066 : i32 to vector<1x512xi32>
    %ne3A_2068 = arith.cmpi ne, %and3A_2065, %ne3A_2067 : vector<1x512xi32>
    %broadcast_in_dim3A_2069 = arith.constant true
    %broadcast_in_dim3A_2070 = vector.broadcast %broadcast_in_dim3A_2069 : i1 to vector<1x512xi1>
    %slice3A_2071 = vector.extract_strided_slice %select_n3A_2061 {offsets = [0, 504], sizes = [128, 8], strides = [1, 1]} : vector<128x512xf32> to vector<128x8xf32>
    %slice3A_2072 = vector.extract_strided_slice %select_n3A_2061 {offsets = [0, 0], sizes = [128, 504], strides = [1, 1]} : vector<128x512xf32> to vector<128x504xf32>
    %concatenate3A_2073 = tpu.concatenate %slice3A_2071, %slice3A_2072 in 1 : vector<128x8xf32>, vector<128x504xf32> -> vector<128x512xf32>
    %slice3A_2074 = vector.extract_strided_slice %select_n3A_2061 {offsets = [0, 8], sizes = [128, 504], strides = [1, 1]} : vector<128x512xf32> to vector<128x504xf32>
    %slice3A_2075 = vector.extract_strided_slice %select_n3A_2061 {offsets = [0, 0], sizes = [128, 8], strides = [1, 1]} : vector<128x512xf32> to vector<128x8xf32>
    %concatenate3A_2076 = tpu.concatenate %slice3A_2074, %slice3A_2075 in 1 : vector<128x504xf32>, vector<128x8xf32> -> vector<128x512xf32>
    %broadcast_in_dim3A_2077 = vector.shape_cast %ne3A_2068 : vector<1x512xi1> to vector<1x512xi1>
    %broadcast_in_dim3A_2078 = vector.broadcast %broadcast_in_dim3A_2077 : vector<1x512xi1> to vector<128x512xi1>
    %select_n3A_2079 = arith.select %broadcast_in_dim3A_2078, %concatenate3A_2073, %concatenate3A_2076 : vector<128x512xi1>, vector<128x512xf32>
    %slice3A_2080 = vector.extract_strided_slice %select_n3A_2062 {offsets = [0, 504], sizes = [128, 8], strides = [1, 1]} : vector<128x512xi32> to vector<128x8xi32>
    %slice3A_2081 = vector.extract_strided_slice %select_n3A_2062 {offsets = [0, 0], sizes = [128, 504], strides = [1, 1]} : vector<128x512xi32> to vector<128x504xi32>
    %concatenate3A_2082 = tpu.concatenate %slice3A_2080, %slice3A_2081 in 1 : vector<128x8xi32>, vector<128x504xi32> -> vector<128x512xi32>
    %slice3A_2083 = vector.extract_strided_slice %select_n3A_2062 {offsets = [0, 8], sizes = [128, 504], strides = [1, 1]} : vector<128x512xi32> to vector<128x504xi32>
    %slice3A_2084 = vector.extract_strided_slice %select_n3A_2062 {offsets = [0, 0], sizes = [128, 8], strides = [1, 1]} : vector<128x512xi32> to vector<128x8xi32>
    %concatenate3A_2085 = tpu.concatenate %slice3A_2083, %slice3A_2084 in 1 : vector<128x504xi32>, vector<128x8xi32> -> vector<128x512xi32>
    %broadcast_in_dim3A_2086 = vector.shape_cast %ne3A_2068 : vector<1x512xi1> to vector<1x512xi1>
    %broadcast_in_dim3A_2087 = vector.broadcast %broadcast_in_dim3A_2086 : vector<1x512xi1> to vector<128x512xi1>
    %select_n3A_2088 = arith.select %broadcast_in_dim3A_2087, %concatenate3A_2082, %concatenate3A_2085 : vector<128x512xi1>, vector<128x512xi32>
    %broadcast_in_dim3A_2089 = vector.shape_cast %ne3A_2068 : vector<1x512xi1> to vector<1x512xi1>
    %broadcast_in_dim3A_2090 = vector.broadcast %broadcast_in_dim3A_2089 : vector<1x512xi1> to vector<128x512xi1>
    %select_n3A_2091 = arith.select %broadcast_in_dim3A_2090, %select_n3A_2079, %select_n3A_2061 : vector<128x512xi1>, vector<128x512xf32>
    %broadcast_in_dim3A_2092 = vector.shape_cast %ne3A_2068 : vector<1x512xi1> to vector<1x512xi1>
    %broadcast_in_dim3A_2093 = vector.broadcast %broadcast_in_dim3A_2092 : vector<1x512xi1> to vector<128x512xi1>
    %select_n3A_2094 = arith.select %broadcast_in_dim3A_2093, %select_n3A_2061, %select_n3A_2079 : vector<128x512xi1>, vector<128x512xf32>
    %broadcast_in_dim3A_2095 = vector.shape_cast %ne3A_2068 : vector<1x512xi1> to vector<1x512xi1>
    %broadcast_in_dim3A_2096 = vector.broadcast %broadcast_in_dim3A_2095 : vector<1x512xi1> to vector<128x512xi1>
    %select_n3A_2097 = arith.select %broadcast_in_dim3A_2096, %select_n3A_2088, %select_n3A_2062 : vector<128x512xi1>, vector<128x512xi32>
    %broadcast_in_dim3A_2098 = vector.shape_cast %ne3A_2068 : vector<1x512xi1> to vector<1x512xi1>
    %broadcast_in_dim3A_2099 = vector.broadcast %broadcast_in_dim3A_2098 : vector<1x512xi1> to vector<128x512xi1>
    %select_n3A_2100 = arith.select %broadcast_in_dim3A_2099, %select_n3A_2062, %select_n3A_2088 : vector<128x512xi1>, vector<128x512xi32>
    %gt3A_2101 = arith.cmpf ogt, %select_n3A_2091, %select_n3A_2094 : vector<128x512xf32>
    %eq3A_2102 = arith.cmpf oeq, %select_n3A_2091, %select_n3A_2094 : vector<128x512xf32>
    %lt3A_2103 = arith.cmpi slt, %select_n3A_2097, %select_n3A_2100 : vector<128x512xi32>
    %and3A_2104 = arith.andi %eq3A_2102, %lt3A_2103 : vector<128x512xi1>
    %or3A_2105 = arith.ori %gt3A_2101, %and3A_2104 : vector<128x512xi1>
    %xor3A_2106 = vector.broadcast %broadcast_in_dim3A_2070 : vector<1x512xi1> to vector<128x512xi1>
    %xor3A_2107 = arith.xori %or3A_2105, %xor3A_2106 : vector<128x512xi1>
    %select_n3A_2108 = arith.select %xor3A_2107, %select_n3A_2079, %select_n3A_2061 : vector<128x512xi1>, vector<128x512xf32>
    %select_n3A_2109 = arith.select %xor3A_2107, %select_n3A_2088, %select_n3A_2062 : vector<128x512xi1>, vector<128x512xi32>
    %and3A_2110 = arith.constant 4 : i32
    %and3A_2111 = vector.broadcast %and3A_2110 : i32 to vector<1x512xi32>
    %and3A_2112 = arith.andi %iota3A_2, %and3A_2111 : vector<1x512xi32>
    %ne3A_2113 = arith.constant 0 : i32
    %ne3A_2114 = vector.broadcast %ne3A_2113 : i32 to vector<1x512xi32>
    %ne3A_2115 = arith.cmpi ne, %and3A_2112, %ne3A_2114 : vector<1x512xi32>
    %broadcast_in_dim3A_2116 = arith.constant true
    %broadcast_in_dim3A_2117 = vector.broadcast %broadcast_in_dim3A_2116 : i1 to vector<1x512xi1>
    %slice3A_2118 = vector.extract_strided_slice %select_n3A_2108 {offsets = [0, 508], sizes = [128, 4], strides = [1, 1]} : vector<128x512xf32> to vector<128x4xf32>
    %slice3A_2119 = vector.extract_strided_slice %select_n3A_2108 {offsets = [0, 0], sizes = [128, 508], strides = [1, 1]} : vector<128x512xf32> to vector<128x508xf32>
    %concatenate3A_2120 = tpu.concatenate %slice3A_2118, %slice3A_2119 in 1 : vector<128x4xf32>, vector<128x508xf32> -> vector<128x512xf32>
    %slice3A_2121 = vector.extract_strided_slice %select_n3A_2108 {offsets = [0, 4], sizes = [128, 508], strides = [1, 1]} : vector<128x512xf32> to vector<128x508xf32>
    %slice3A_2122 = vector.extract_strided_slice %select_n3A_2108 {offsets = [0, 0], sizes = [128, 4], strides = [1, 1]} : vector<128x512xf32> to vector<128x4xf32>
    %concatenate3A_2123 = tpu.concatenate %slice3A_2121, %slice3A_2122 in 1 : vector<128x508xf32>, vector<128x4xf32> -> vector<128x512xf32>
    %broadcast_in_dim3A_2124 = vector.shape_cast %ne3A_2115 : vector<1x512xi1> to vector<1x512xi1>
    %broadcast_in_dim3A_2125 = vector.broadcast %broadcast_in_dim3A_2124 : vector<1x512xi1> to vector<128x512xi1>
    %select_n3A_2126 = arith.select %broadcast_in_dim3A_2125, %concatenate3A_2120, %concatenate3A_2123 : vector<128x512xi1>, vector<128x512xf32>
    %slice3A_2127 = vector.extract_strided_slice %select_n3A_2109 {offsets = [0, 508], sizes = [128, 4], strides = [1, 1]} : vector<128x512xi32> to vector<128x4xi32>
    %slice3A_2128 = vector.extract_strided_slice %select_n3A_2109 {offsets = [0, 0], sizes = [128, 508], strides = [1, 1]} : vector<128x512xi32> to vector<128x508xi32>
    %concatenate3A_2129 = tpu.concatenate %slice3A_2127, %slice3A_2128 in 1 : vector<128x4xi32>, vector<128x508xi32> -> vector<128x512xi32>
    %slice3A_2130 = vector.extract_strided_slice %select_n3A_2109 {offsets = [0, 4], sizes = [128, 508], strides = [1, 1]} : vector<128x512xi32> to vector<128x508xi32>
    %slice3A_2131 = vector.extract_strided_slice %select_n3A_2109 {offsets = [0, 0], sizes = [128, 4], strides = [1, 1]} : vector<128x512xi32> to vector<128x4xi32>
    %concatenate3A_2132 = tpu.concatenate %slice3A_2130, %slice3A_2131 in 1 : vector<128x508xi32>, vector<128x4xi32> -> vector<128x512xi32>
    %broadcast_in_dim3A_2133 = vector.shape_cast %ne3A_2115 : vector<1x512xi1> to vector<1x512xi1>
    %broadcast_in_dim3A_2134 = vector.broadcast %broadcast_in_dim3A_2133 : vector<1x512xi1> to vector<128x512xi1>
    %select_n3A_2135 = arith.select %broadcast_in_dim3A_2134, %concatenate3A_2129, %concatenate3A_2132 : vector<128x512xi1>, vector<128x512xi32>
    %broadcast_in_dim3A_2136 = vector.shape_cast %ne3A_2115 : vector<1x512xi1> to vector<1x512xi1>
    %broadcast_in_dim3A_2137 = vector.broadcast %broadcast_in_dim3A_2136 : vector<1x512xi1> to vector<128x512xi1>
    %select_n3A_2138 = arith.select %broadcast_in_dim3A_2137, %select_n3A_2126, %select_n3A_2108 : vector<128x512xi1>, vector<128x512xf32>
    %broadcast_in_dim3A_2139 = vector.shape_cast %ne3A_2115 : vector<1x512xi1> to vector<1x512xi1>
    %broadcast_in_dim3A_2140 = vector.broadcast %broadcast_in_dim3A_2139 : vector<1x512xi1> to vector<128x512xi1>
    %select_n3A_2141 = arith.select %broadcast_in_dim3A_2140, %select_n3A_2108, %select_n3A_2126 : vector<128x512xi1>, vector<128x512xf32>
    %broadcast_in_dim3A_2142 = vector.shape_cast %ne3A_2115 : vector<1x512xi1> to vector<1x512xi1>
    %broadcast_in_dim3A_2143 = vector.broadcast %broadcast_in_dim3A_2142 : vector<1x512xi1> to vector<128x512xi1>
    %select_n3A_2144 = arith.select %broadcast_in_dim3A_2143, %select_n3A_2135, %select_n3A_2109 : vector<128x512xi1>, vector<128x512xi32>
    %broadcast_in_dim3A_2145 = vector.shape_cast %ne3A_2115 : vector<1x512xi1> to vector<1x512xi1>
    %broadcast_in_dim3A_2146 = vector.broadcast %broadcast_in_dim3A_2145 : vector<1x512xi1> to vector<128x512xi1>
    %select_n3A_2147 = arith.select %broadcast_in_dim3A_2146, %select_n3A_2109, %select_n3A_2135 : vector<128x512xi1>, vector<128x512xi32>
    %gt3A_2148 = arith.cmpf ogt, %select_n3A_2138, %select_n3A_2141 : vector<128x512xf32>
    %eq3A_2149 = arith.cmpf oeq, %select_n3A_2138, %select_n3A_2141 : vector<128x512xf32>
    %lt3A_2150 = arith.cmpi slt, %select_n3A_2144, %select_n3A_2147 : vector<128x512xi32>
    %and3A_2151 = arith.andi %eq3A_2149, %lt3A_2150 : vector<128x512xi1>
    %or3A_2152 = arith.ori %gt3A_2148, %and3A_2151 : vector<128x512xi1>
    %xor3A_2153 = vector.broadcast %broadcast_in_dim3A_2117 : vector<1x512xi1> to vector<128x512xi1>
    %xor3A_2154 = arith.xori %or3A_2152, %xor3A_2153 : vector<128x512xi1>
    %select_n3A_2155 = arith.select %xor3A_2154, %select_n3A_2126, %select_n3A_2108 : vector<128x512xi1>, vector<128x512xf32>
    %select_n3A_2156 = arith.select %xor3A_2154, %select_n3A_2135, %select_n3A_2109 : vector<128x512xi1>, vector<128x512xi32>
    %and3A_2157 = arith.constant 2 : i32
    %and3A_2158 = vector.broadcast %and3A_2157 : i32 to vector<1x512xi32>
    %and3A_2159 = arith.andi %iota3A_2, %and3A_2158 : vector<1x512xi32>
    %ne3A_2160 = arith.constant 0 : i32
    %ne3A_2161 = vector.broadcast %ne3A_2160 : i32 to vector<1x512xi32>
    %ne3A_2162 = arith.cmpi ne, %and3A_2159, %ne3A_2161 : vector<1x512xi32>
    %broadcast_in_dim3A_2163 = arith.constant true
    %broadcast_in_dim3A_2164 = vector.broadcast %broadcast_in_dim3A_2163 : i1 to vector<1x512xi1>
    %slice3A_2165 = vector.extract_strided_slice %select_n3A_2155 {offsets = [0, 510], sizes = [128, 2], strides = [1, 1]} : vector<128x512xf32> to vector<128x2xf32>
    %slice3A_2166 = vector.extract_strided_slice %select_n3A_2155 {offsets = [0, 0], sizes = [128, 510], strides = [1, 1]} : vector<128x512xf32> to vector<128x510xf32>
    %concatenate3A_2167 = tpu.concatenate %slice3A_2165, %slice3A_2166 in 1 : vector<128x2xf32>, vector<128x510xf32> -> vector<128x512xf32>
    %slice3A_2168 = vector.extract_strided_slice %select_n3A_2155 {offsets = [0, 2], sizes = [128, 510], strides = [1, 1]} : vector<128x512xf32> to vector<128x510xf32>
    %slice3A_2169 = vector.extract_strided_slice %select_n3A_2155 {offsets = [0, 0], sizes = [128, 2], strides = [1, 1]} : vector<128x512xf32> to vector<128x2xf32>
    %concatenate3A_2170 = tpu.concatenate %slice3A_2168, %slice3A_2169 in 1 : vector<128x510xf32>, vector<128x2xf32> -> vector<128x512xf32>
    %broadcast_in_dim3A_2171 = vector.shape_cast %ne3A_2162 : vector<1x512xi1> to vector<1x512xi1>
    %broadcast_in_dim3A_2172 = vector.broadcast %broadcast_in_dim3A_2171 : vector<1x512xi1> to vector<128x512xi1>
    %select_n3A_2173 = arith.select %broadcast_in_dim3A_2172, %concatenate3A_2167, %concatenate3A_2170 : vector<128x512xi1>, vector<128x512xf32>
    %slice3A_2174 = vector.extract_strided_slice %select_n3A_2156 {offsets = [0, 510], sizes = [128, 2], strides = [1, 1]} : vector<128x512xi32> to vector<128x2xi32>
    %slice3A_2175 = vector.extract_strided_slice %select_n3A_2156 {offsets = [0, 0], sizes = [128, 510], strides = [1, 1]} : vector<128x512xi32> to vector<128x510xi32>
    %concatenate3A_2176 = tpu.concatenate %slice3A_2174, %slice3A_2175 in 1 : vector<128x2xi32>, vector<128x510xi32> -> vector<128x512xi32>
    %slice3A_2177 = vector.extract_strided_slice %select_n3A_2156 {offsets = [0, 2], sizes = [128, 510], strides = [1, 1]} : vector<128x512xi32> to vector<128x510xi32>
    %slice3A_2178 = vector.extract_strided_slice %select_n3A_2156 {offsets = [0, 0], sizes = [128, 2], strides = [1, 1]} : vector<128x512xi32> to vector<128x2xi32>
    %concatenate3A_2179 = tpu.concatenate %slice3A_2177, %slice3A_2178 in 1 : vector<128x510xi32>, vector<128x2xi32> -> vector<128x512xi32>
    %broadcast_in_dim3A_2180 = vector.shape_cast %ne3A_2162 : vector<1x512xi1> to vector<1x512xi1>
    %broadcast_in_dim3A_2181 = vector.broadcast %broadcast_in_dim3A_2180 : vector<1x512xi1> to vector<128x512xi1>
    %select_n3A_2182 = arith.select %broadcast_in_dim3A_2181, %concatenate3A_2176, %concatenate3A_2179 : vector<128x512xi1>, vector<128x512xi32>
    %broadcast_in_dim3A_2183 = vector.shape_cast %ne3A_2162 : vector<1x512xi1> to vector<1x512xi1>
    %broadcast_in_dim3A_2184 = vector.broadcast %broadcast_in_dim3A_2183 : vector<1x512xi1> to vector<128x512xi1>
    %select_n3A_2185 = arith.select %broadcast_in_dim3A_2184, %select_n3A_2173, %select_n3A_2155 : vector<128x512xi1>, vector<128x512xf32>
    %broadcast_in_dim3A_2186 = vector.shape_cast %ne3A_2162 : vector<1x512xi1> to vector<1x512xi1>
    %broadcast_in_dim3A_2187 = vector.broadcast %broadcast_in_dim3A_2186 : vector<1x512xi1> to vector<128x512xi1>
    %select_n3A_2188 = arith.select %broadcast_in_dim3A_2187, %select_n3A_2155, %select_n3A_2173 : vector<128x512xi1>, vector<128x512xf32>
    %broadcast_in_dim3A_2189 = vector.shape_cast %ne3A_2162 : vector<1x512xi1> to vector<1x512xi1>
    %broadcast_in_dim3A_2190 = vector.broadcast %broadcast_in_dim3A_2189 : vector<1x512xi1> to vector<128x512xi1>
    %select_n3A_2191 = arith.select %broadcast_in_dim3A_2190, %select_n3A_2182, %select_n3A_2156 : vector<128x512xi1>, vector<128x512xi32>
    %broadcast_in_dim3A_2192 = vector.shape_cast %ne3A_2162 : vector<1x512xi1> to vector<1x512xi1>
    %broadcast_in_dim3A_2193 = vector.broadcast %broadcast_in_dim3A_2192 : vector<1x512xi1> to vector<128x512xi1>
    %select_n3A_2194 = arith.select %broadcast_in_dim3A_2193, %select_n3A_2156, %select_n3A_2182 : vector<128x512xi1>, vector<128x512xi32>
    %gt3A_2195 = arith.cmpf ogt, %select_n3A_2185, %select_n3A_2188 : vector<128x512xf32>
    %eq3A_2196 = arith.cmpf oeq, %select_n3A_2185, %select_n3A_2188 : vector<128x512xf32>
    %lt3A_2197 = arith.cmpi slt, %select_n3A_2191, %select_n3A_2194 : vector<128x512xi32>
    %and3A_2198 = arith.andi %eq3A_2196, %lt3A_2197 : vector<128x512xi1>
    %or3A_2199 = arith.ori %gt3A_2195, %and3A_2198 : vector<128x512xi1>
    %xor3A_2200 = vector.broadcast %broadcast_in_dim3A_2164 : vector<1x512xi1> to vector<128x512xi1>
    %xor3A_2201 = arith.xori %or3A_2199, %xor3A_2200 : vector<128x512xi1>
    %select_n3A_2202 = arith.select %xor3A_2201, %select_n3A_2173, %select_n3A_2155 : vector<128x512xi1>, vector<128x512xf32>
    %select_n3A_2203 = arith.select %xor3A_2201, %select_n3A_2182, %select_n3A_2156 : vector<128x512xi1>, vector<128x512xi32>
    %and3A_2204 = arith.constant 1 : i32
    %and3A_2205 = vector.broadcast %and3A_2204 : i32 to vector<1x512xi32>
    %and3A_2206 = arith.andi %iota3A_2, %and3A_2205 : vector<1x512xi32>
    %ne3A_2207 = arith.constant 0 : i32
    %ne3A_2208 = vector.broadcast %ne3A_2207 : i32 to vector<1x512xi32>
    %ne3A_2209 = arith.cmpi ne, %and3A_2206, %ne3A_2208 : vector<1x512xi32>
    %broadcast_in_dim3A_2210 = arith.constant true
    %broadcast_in_dim3A_2211 = vector.broadcast %broadcast_in_dim3A_2210 : i1 to vector<1x512xi1>
    %slice3A_2212 = vector.extract_strided_slice %select_n3A_2202 {offsets = [0, 511], sizes = [128, 1], strides = [1, 1]} : vector<128x512xf32> to vector<128x1xf32>
    %slice3A_2213 = vector.extract_strided_slice %select_n3A_2202 {offsets = [0, 0], sizes = [128, 511], strides = [1, 1]} : vector<128x512xf32> to vector<128x511xf32>
    %concatenate3A_2214 = tpu.concatenate %slice3A_2212, %slice3A_2213 in 1 : vector<128x1xf32>, vector<128x511xf32> -> vector<128x512xf32>
    %slice3A_2215 = vector.extract_strided_slice %select_n3A_2202 {offsets = [0, 1], sizes = [128, 511], strides = [1, 1]} : vector<128x512xf32> to vector<128x511xf32>
    %slice3A_2216 = vector.extract_strided_slice %select_n3A_2202 {offsets = [0, 0], sizes = [128, 1], strides = [1, 1]} : vector<128x512xf32> to vector<128x1xf32>
    %concatenate3A_2217 = tpu.concatenate %slice3A_2215, %slice3A_2216 in 1 : vector<128x511xf32>, vector<128x1xf32> -> vector<128x512xf32>
    %broadcast_in_dim3A_2218 = vector.shape_cast %ne3A_2209 : vector<1x512xi1> to vector<1x512xi1>
    %broadcast_in_dim3A_2219 = vector.broadcast %broadcast_in_dim3A_2218 : vector<1x512xi1> to vector<128x512xi1>
    %select_n3A_2220 = arith.select %broadcast_in_dim3A_2219, %concatenate3A_2214, %concatenate3A_2217 : vector<128x512xi1>, vector<128x512xf32>
    %slice3A_2221 = vector.extract_strided_slice %select_n3A_2203 {offsets = [0, 511], sizes = [128, 1], strides = [1, 1]} : vector<128x512xi32> to vector<128x1xi32>
    %slice3A_2222 = vector.extract_strided_slice %select_n3A_2203 {offsets = [0, 0], sizes = [128, 511], strides = [1, 1]} : vector<128x512xi32> to vector<128x511xi32>
    %concatenate3A_2223 = tpu.concatenate %slice3A_2221, %slice3A_2222 in 1 : vector<128x1xi32>, vector<128x511xi32> -> vector<128x512xi32>
    %slice3A_2224 = vector.extract_strided_slice %select_n3A_2203 {offsets = [0, 1], sizes = [128, 511], strides = [1, 1]} : vector<128x512xi32> to vector<128x511xi32>
    %slice3A_2225 = vector.extract_strided_slice %select_n3A_2203 {offsets = [0, 0], sizes = [128, 1], strides = [1, 1]} : vector<128x512xi32> to vector<128x1xi32>
    %concatenate3A_2226 = tpu.concatenate %slice3A_2224, %slice3A_2225 in 1 : vector<128x511xi32>, vector<128x1xi32> -> vector<128x512xi32>
    %broadcast_in_dim3A_2227 = vector.shape_cast %ne3A_2209 : vector<1x512xi1> to vector<1x512xi1>
    %broadcast_in_dim3A_2228 = vector.broadcast %broadcast_in_dim3A_2227 : vector<1x512xi1> to vector<128x512xi1>
    %select_n3A_2229 = arith.select %broadcast_in_dim3A_2228, %concatenate3A_2223, %concatenate3A_2226 : vector<128x512xi1>, vector<128x512xi32>
    %broadcast_in_dim3A_2230 = vector.shape_cast %ne3A_2209 : vector<1x512xi1> to vector<1x512xi1>
    %broadcast_in_dim3A_2231 = vector.broadcast %broadcast_in_dim3A_2230 : vector<1x512xi1> to vector<128x512xi1>
    %select_n3A_2232 = arith.select %broadcast_in_dim3A_2231, %select_n3A_2220, %select_n3A_2202 : vector<128x512xi1>, vector<128x512xf32>
    %broadcast_in_dim3A_2233 = vector.shape_cast %ne3A_2209 : vector<1x512xi1> to vector<1x512xi1>
    %broadcast_in_dim3A_2234 = vector.broadcast %broadcast_in_dim3A_2233 : vector<1x512xi1> to vector<128x512xi1>
    %select_n3A_2235 = arith.select %broadcast_in_dim3A_2234, %select_n3A_2202, %select_n3A_2220 : vector<128x512xi1>, vector<128x512xf32>
    %broadcast_in_dim3A_2236 = vector.shape_cast %ne3A_2209 : vector<1x512xi1> to vector<1x512xi1>
    %broadcast_in_dim3A_2237 = vector.broadcast %broadcast_in_dim3A_2236 : vector<1x512xi1> to vector<128x512xi1>
    %select_n3A_2238 = arith.select %broadcast_in_dim3A_2237, %select_n3A_2229, %select_n3A_2203 : vector<128x512xi1>, vector<128x512xi32>
    %broadcast_in_dim3A_2239 = vector.shape_cast %ne3A_2209 : vector<1x512xi1> to vector<1x512xi1>
    %broadcast_in_dim3A_2240 = vector.broadcast %broadcast_in_dim3A_2239 : vector<1x512xi1> to vector<128x512xi1>
    %select_n3A_2241 = arith.select %broadcast_in_dim3A_2240, %select_n3A_2203, %select_n3A_2229 : vector<128x512xi1>, vector<128x512xi32>
    %gt3A_2242 = arith.cmpf ogt, %select_n3A_2232, %select_n3A_2235 : vector<128x512xf32>
    %eq3A_2243 = arith.cmpf oeq, %select_n3A_2232, %select_n3A_2235 : vector<128x512xf32>
    %lt3A_2244 = arith.cmpi slt, %select_n3A_2238, %select_n3A_2241 : vector<128x512xi32>
    %and3A_2245 = arith.andi %eq3A_2243, %lt3A_2244 : vector<128x512xi1>
    %or3A_2246 = arith.ori %gt3A_2242, %and3A_2245 : vector<128x512xi1>
    %xor3A_2247 = vector.broadcast %broadcast_in_dim3A_2211 : vector<1x512xi1> to vector<128x512xi1>
    %xor3A_2248 = arith.xori %or3A_2246, %xor3A_2247 : vector<128x512xi1>
    %select_n3A_2249 = arith.select %xor3A_2248, %select_n3A_2229, %select_n3A_2203 : vector<128x512xi1>, vector<128x512xi32>
    %slice3A_2250 = vector.extract_strided_slice %select_n3A_2249 {offsets = [0, 0], sizes = [128, 160], strides = [1, 1]} : vector<128x512xi32> to vector<128x160xi32>
    %iota3A_2251 = tpu.iota {dimensions = array<i32: 1>} : vector<1x160xi32>
    %lt3A_2252 = arith.constant 153 : i32
    %lt3A_2253 = vector.broadcast %lt3A_2252 : i32 to vector<1x160xi32>
    %lt3A_2254 = arith.cmpi slt, %iota3A_2251, %lt3A_2253 : vector<1x160xi32>
    %jit3A = arith.constant -1 : i32
    %broadcast_in_dim3A_2255 = vector.shape_cast %lt3A_2254 : vector<1x160xi1> to vector<1x160xi1>
    %broadcast_in_dim3A_2256 = vector.broadcast %broadcast_in_dim3A_2255 : vector<1x160xi1> to vector<128x160xi1>
    %broadcast_in_dim3A_2257 = vector.broadcast %jit3A : i32 to vector<128x160xi32>
    %select_n3A_2258 = arith.select %broadcast_in_dim3A_2256, %slice3A_2250, %broadcast_in_dim3A_2257 : vector<128x160xi1>, vector<128x160xi32>
    %swap3A = arith.constant 0 : index
    %swap3A_2259 = arith.constant 0 : index
    %swap3A_2260 = vector.load %arg1[%swap3A, %swap3A_2259] : memref<128x160xi32, #tpu.memory_space<vmem>>, vector<128x160xi32>
    tpu.vector_store %arg1[%swap3A, %swap3A_2259], %select_n3A_2258 {strides = array<i32>} : memref<128x160xi32, #tpu.memory_space<vmem>>, vector<128x160xi32>,
    return
  }
}

module attributes {stable_mosaic.version = 14 : i64} {
  func.func @_gather_stats_kernel(%arg0: i32, %arg1: memref<1x512x512xf32, #tpu.memory_space<vmem>>, %arg2: memref<1x1x160xi32, #tpu.memory_space<vmem>>, %arg3: memref<1x160x512xf32, #tpu.memory_space<vmem>>, %arg4: memref<512x512xf32, #tpu.memory_space<vmem>>, %arg5: memref<1x512xf32, #tpu.memory_space<vmem>>, %arg6: memref<512x512xf32, #tpu.memory_space<vmem>>, %arg7: memref<1x512xf32, #tpu.memory_space<vmem>>) attributes {dimension_semantics = [#tpu.dimension_semantics<arbitrary>], iteration_bounds = array<i64: 128>, scalar_prefetch = 0 : i64, scratch_operands = 2 : i64, tpu.core_type = #tpu.core_type<tc>, window_params = [{transform_indices = @transform_0, window_bounds = array<i64: 1, 512, 512>}, {transform_indices = @transform_1, window_bounds = array<i64: 1, 1, 160>}, {transform_indices = @transform_2, window_bounds = array<i64: 1, 160, 512>}, {pipeline_mode = #tpu.pipeline_mode<synchronous>, transform_indices = @transform_3, window_bounds = array<i64: 512, 512>}, {pipeline_mode = #tpu.pipeline_mode<synchronous>, transform_indices = @transform_4, window_bounds = array<i64: 1, 512>}]} {
    %get3A = arith.constant 0 : index
    %get3A_0 = arith.constant 0 : index
    %get3A_1 = arith.constant 0 : index
    %get3A_2 = vector.load %arg1[%get3A, %get3A_0, %get3A_1] : memref<1x512x512xf32, #tpu.memory_space<vmem>>, vector<1x512x512xf32>
    %get3A_3 = vector.shape_cast %get3A_2 : vector<1x512x512xf32> to vector<512x512xf32>
    %get3A_4 = arith.constant 0 : index
    %get3A_5 = arith.constant 0 : index
    %get3A_6 = arith.constant 0 : index
    %get3A_7 = vector.load %arg2[%get3A_4, %get3A_5, %get3A_6] : memref<1x1x160xi32, #tpu.memory_space<vmem>>, vector<1x1x160xi32>
    %get3A_8 = vector.shape_cast %get3A_7 : vector<1x1x160xi32> to vector<1x160xi32>
    %iota3A = tpu.iota {dimensions = array<i32: 0>} : vector<512x160xi32>
    %eq3A = vector.broadcast %get3A_8 : vector<1x160xi32> to vector<512x160xi32>
    %eq3A_9 = arith.cmpi eq, %iota3A, %eq3A : vector<512x160xi32>
    %convert_element_type3A = arith.extui %eq3A_9 : vector<512x160xi1> to vector<512x160xi32>
    %convert_element_type3A_10 = arith.sitofp %convert_element_type3A : vector<512x160xi32> to vector<512x160xf32>
    %convert_element_type3A_11 = arith.truncf %get3A_3 : vector<512x512xf32> to vector<512x512xbf16>
    %convert_element_type3A_12 = arith.extf %convert_element_type3A_11 : vector<512x512xbf16> to vector<512x512xf32>
    %sub3A = arith.subf %get3A_3, %convert_element_type3A_12 : vector<512x512xf32>
    %dot_general3A = arith.constant dense<0.000000e+00> : vector<160x512xf32>
    %dot_general3A_13 = tpu.matmul %convert_element_type3A_10, %convert_element_type3A_12, %dot_general3A {dimension_numbers = #tpu.dot_dimension_numbers<[0], [0], [1], [1], [0, 1, 1, 1], [], []>, transpose_lhs_hint = false} : vector<512x160xf32>, vector<512x512xf32>, vector<160x512xf32> -> vector<160x512xf32>
    %dot_general3A_14 = arith.constant dense<0.000000e+00> : vector<160x512xf32>
    %dot_general3A_15 = tpu.matmul %convert_element_type3A_10, %sub3A, %dot_general3A_14 {dimension_numbers = #tpu.dot_dimension_numbers<[0], [0], [1], [1], [0, 1, 1, 1], [], []>, transpose_lhs_hint = false} : vector<512x160xf32>, vector<512x512xf32>, vector<160x512xf32> -> vector<160x512xf32>
    %add3A = arith.addf %dot_general3A_13, %dot_general3A_15 : vector<160x512xf32>
    %mul3A = arith.mulf %add3A, %add3A : vector<160x512xf32>
    %reduce_sum3A = arith.constant dense<0.000000e+00> : vector<160xf32>
    %reduce_sum3A_16 = vector.multi_reduction <add>, %mul3A, %reduce_sum3A [1] : vector<160x512xf32> to vector<160xf32>
    %broadcast_in_dim3A = vector.shape_cast %reduce_sum3A_16 : vector<160xf32> to vector<160x1xf32>
    %sqrt3A = math.sqrt %broadcast_in_dim3A : vector<160x1xf32>
    %add3A_17 = arith.constant 9.99999993E-9 : f32
    %add3A_18 = vector.broadcast %add3A_17 : f32 to vector<160x1xf32>
    %add3A_19 = arith.addf %sqrt3A, %add3A_18 : vector<160x1xf32>
    %div3A = vector.broadcast %add3A_19 : vector<160x1xf32> to vector<160x512xf32>
    %div3A_20 = arith.divf %add3A, %div3A : vector<160x512xf32>
    %swap3A = arith.constant 0 : index
    %swap3A_21 = arith.constant 0 : index
    %swap3A_22 = arith.constant 0 : index
    %swap3A_23 = vector.load %arg3[%swap3A, %swap3A_21, %swap3A_22] : memref<1x160x512xf32, #tpu.memory_space<vmem>>, vector<1x160x512xf32>
    %swap3A_24 = vector.shape_cast %swap3A_23 : vector<1x160x512xf32> to vector<160x512xf32>
    %swap3A_25 = vector.shape_cast %div3A_20 : vector<160x512xf32> to vector<1x160x512xf32>
    tpu.vector_store %arg3[%swap3A, %swap3A_21, %swap3A_22], %swap3A_25 {strides = array<i32>} : memref<1x160x512xf32, #tpu.memory_space<vmem>>, vector<1x160x512xf32>,
    %dot_general3A_26 = arith.constant dense<0.000000e+00> : vector<512x512xf32>
    %dot_general3A_27 = tpu.matmul %div3A_20, %div3A_20, %dot_general3A_26 {dimension_numbers = #tpu.dot_dimension_numbers<[0], [0], [1], [1], [0, 1, 1, 1], [], []>, transpose_lhs_hint = false} : vector<160x512xf32>, vector<160x512xf32>, vector<512x512xf32> -> vector<512x512xf32>
    %reduce_sum3A_28 = arith.constant dense<0.000000e+00> : vector<512xf32>
    %reduce_sum3A_29 = vector.multi_reduction <add>, %div3A_20, %reduce_sum3A_28 [0] : vector<160x512xf32> to vector<512xf32>
    %broadcast_in_dim3A_30 = vector.shape_cast %reduce_sum3A_29 : vector<512xf32> to vector<1x512xf32>
    %eq3A_31 = arith.constant 0 : i32
    %eq3A_32 = arith.cmpi eq, %arg0, %eq3A_31 : i32
    %convert_element_type3A_33 = arith.extui %eq3A_32 : i1 to i32
    %cond3A = arith.constant 0 : i32
    %cond3A_34 = arith.cmpi ne, %convert_element_type3A_33, %cond3A : i32
    scf.if %cond3A_34 {
      %broadcast_in_dim3A_54 = arith.constant 0.000000e+00 : f32
      %broadcast_in_dim3A_55 = vector.broadcast %broadcast_in_dim3A_54 : f32 to vector<512x512xf32>
      %swap3A_56 = arith.constant 0 : index
      %swap3A_57 = arith.constant 0 : index
      %swap3A_58 = vector.load %arg6[%swap3A_56, %swap3A_57] : memref<512x512xf32, #tpu.memory_space<vmem>>, vector<512x512xf32>
      tpu.vector_store %arg6[%swap3A_56, %swap3A_57], %broadcast_in_dim3A_55 {strides = array<i32>} : memref<512x512xf32, #tpu.memory_space<vmem>>, vector<512x512xf32>,
      %broadcast_in_dim3A_59 = arith.constant 0.000000e+00 : f32
      %broadcast_in_dim3A_60 = vector.broadcast %broadcast_in_dim3A_59 : f32 to vector<1x512xf32>
      %swap3A_61 = arith.constant 0 : index
      %swap3A_62 = arith.constant 0 : index
      %swap3A_63 = vector.load %arg7[%swap3A_61, %swap3A_62] : memref<1x512xf32, #tpu.memory_space<vmem>>, vector<1x512xf32>
      tpu.vector_store %arg7[%swap3A_61, %swap3A_62], %broadcast_in_dim3A_60 {strides = array<i32>} : memref<1x512xf32, #tpu.memory_space<vmem>>, vector<1x512xf32>,
    } else {
    }
    %get3A_35 = arith.constant 0 : index
    %get3A_36 = arith.constant 0 : index
    %get3A_37 = vector.load %arg6[%get3A_35, %get3A_36] : memref<512x512xf32, #tpu.memory_space<vmem>>, vector<512x512xf32>
    %add3A_38 = arith.addf %get3A_37, %dot_general3A_27 : vector<512x512xf32>
    %swap3A_39 = arith.constant 0 : index
    %swap3A_40 = arith.constant 0 : index
    %swap3A_41 = vector.load %arg6[%swap3A_39, %swap3A_40] : memref<512x512xf32, #tpu.memory_space<vmem>>, vector<512x512xf32>
    tpu.vector_store %arg6[%swap3A_39, %swap3A_40], %add3A_38 {strides = array<i32>} : memref<512x512xf32, #tpu.memory_space<vmem>>, vector<512x512xf32>,
    %get3A_42 = arith.constant 0 : index
    %get3A_43 = arith.constant 0 : index
    %get3A_44 = vector.load %arg7[%get3A_42, %get3A_43] : memref<1x512xf32, #tpu.memory_space<vmem>>, vector<1x512xf32>
    %add3A_45 = arith.addf %get3A_44, %broadcast_in_dim3A_30 : vector<1x512xf32>
    %swap3A_46 = arith.constant 0 : index
    %swap3A_47 = arith.constant 0 : index
    %swap3A_48 = vector.load %arg7[%swap3A_46, %swap3A_47] : memref<1x512xf32, #tpu.memory_space<vmem>>, vector<1x512xf32>
    tpu.vector_store %arg7[%swap3A_46, %swap3A_47], %add3A_45 {strides = array<i32>} : memref<1x512xf32, #tpu.memory_space<vmem>>, vector<1x512xf32>,
    %eq3A_49 = arith.constant 127 : i32
    %eq3A_50 = arith.cmpi eq, %arg0, %eq3A_49 : i32
    %convert_element_type3A_51 = arith.extui %eq3A_50 : i1 to i32
    %cond3A_52 = arith.constant 0 : i32
    %cond3A_53 = arith.cmpi ne, %convert_element_type3A_51, %cond3A_52 : i32
    scf.if %cond3A_53 {
      %get3A_54 = arith.constant 0 : index
      %get3A_55 = arith.constant 0 : index
      %get3A_56 = vector.load %arg6[%get3A_54, %get3A_55] : memref<512x512xf32, #tpu.memory_space<vmem>>, vector<512x512xf32>
      %swap3A_57 = arith.constant 0 : index
      %swap3A_58 = arith.constant 0 : index
      %swap3A_59 = vector.load %arg4[%swap3A_57, %swap3A_58] : memref<512x512xf32, #tpu.memory_space<vmem>>, vector<512x512xf32>
      tpu.vector_store %arg4[%swap3A_57, %swap3A_58], %get3A_56 {strides = array<i32>} : memref<512x512xf32, #tpu.memory_space<vmem>>, vector<512x512xf32>,
      %get3A_60 = arith.constant 0 : index
      %get3A_61 = arith.constant 0 : index
      %get3A_62 = vector.load %arg7[%get3A_60, %get3A_61] : memref<1x512xf32, #tpu.memory_space<vmem>>, vector<1x512xf32>
      %swap3A_63 = arith.constant 0 : index
      %swap3A_64 = arith.constant 0 : index
      %swap3A_65 = vector.load %arg5[%swap3A_63, %swap3A_64] : memref<1x512xf32, #tpu.memory_space<vmem>>, vector<1x512xf32>
      tpu.vector_store %arg5[%swap3A_63, %swap3A_64], %get3A_62 {strides = array<i32>} : memref<1x512xf32, #tpu.memory_space<vmem>>, vector<1x512xf32>,
    } else {
    }
    return
  }
  func.func @transform_0(%arg0: i32) -> (i32, i32, i32) {
    %c0_i32 = arith.constant 0 : i32
    %c0_i32_0 = arith.constant 0 : i32
    %c0_i32_1 = arith.constant 0 : i32
    return %arg0, %c0_i32, %c0_i32_0 : i32, i32, i32
  }
  func.func @transform_1(%arg0: i32) -> (i32, i32, i32) {
    %c0_i32 = arith.constant 0 : i32
    %c0_i32_0 = arith.constant 0 : i32
    %c0_i32_1 = arith.constant 0 : i32
    return %arg0, %c0_i32, %c0_i32_0 : i32, i32, i32
  }
  func.func @transform_2(%arg0: i32) -> (i32, i32, i32) {
    %c0_i32 = arith.constant 0 : i32
    %c0_i32_0 = arith.constant 0 : i32
    %c0_i32_1 = arith.constant 0 : i32
    return %arg0, %c0_i32, %c0_i32_0 : i32, i32, i32
  }
  func.func @transform_3(%arg0: i32) -> (i32, i32) {
    %c0_i32 = arith.constant 0 : i32
    %c0_i32_0 = arith.constant 0 : i32
    %c0_i32_1 = arith.constant 0 : i32
    return %c0_i32, %c0_i32_0 : i32, i32
  }
  func.func @transform_4(%arg0: i32) -> (i32, i32) {
    %c0_i32 = arith.constant 0 : i32
    %c0_i32_0 = arith.constant 0 : i32
    %c0_i32_1 = arith.constant 0 : i32
    return %c0_i32, %c0_i32_0 : i32, i32
  }
}

module attributes {stable_mosaic.version = 14 : i64} {
  func.func @_final_kernel(%arg0: i32, %arg1: memref<1x160x512xf32, #tpu.memory_space<vmem>>, %arg2: memref<512x512xf32, #tpu.memory_space<vmem>>, %arg3: memref<1x512xf32, #tpu.memory_space<vmem>>, %arg4: memref<1024x512xf32, #tpu.memory_space<vmem>>, %arg5: memref<1x1024xf32, #tpu.memory_space<vmem>>, %arg6: memref<512x512xf32, #tpu.memory_space<vmem>>, %arg7: memref<1x512xf32, #tpu.memory_space<vmem>>, %arg8: memref<1x512xf32, #tpu.memory_space<vmem>>, %arg9: memref<1x512xf32, #tpu.memory_space<vmem>>, %arg10: memref<1024x512xf32, #tpu.memory_space<vmem>>, %arg11: memref<1x1024xf32, #tpu.memory_space<vmem>>, %arg12: memref<1x160x1024xf32, #tpu.memory_space<vmem>>, %arg13: memref<1x512xf32, #tpu.memory_space<vmem>>, %arg14: memref<1x512xf32, #tpu.memory_space<vmem>>) attributes {dimension_semantics = [#tpu.dimension_semantics<arbitrary>], iteration_bounds = array<i64: 128>, scalar_prefetch = 0 : i64, scratch_operands = 2 : i64, tpu.core_type = #tpu.core_type<tc>, window_params = [{transform_indices = @transform_0, window_bounds = array<i64: 1, 160, 512>}, {pipeline_mode = #tpu.pipeline_mode<synchronous>, transform_indices = @transform_1, window_bounds = array<i64: 512, 512>}, {pipeline_mode = #tpu.pipeline_mode<synchronous>, transform_indices = @transform_2, window_bounds = array<i64: 1, 512>}, {pipeline_mode = #tpu.pipeline_mode<synchronous>, transform_indices = @transform_3, window_bounds = array<i64: 1024, 512>}, {pipeline_mode = #tpu.pipeline_mode<synchronous>, transform_indices = @transform_4, window_bounds = array<i64: 1, 1024>}, {pipeline_mode = #tpu.pipeline_mode<synchronous>, transform_indices = @transform_5, window_bounds = array<i64: 512, 512>}, {pipeline_mode = #tpu.pipeline_mode<synchronous>, transform_indices = @transform_6, window_bounds = array<i64: 1, 512>}, {pipeline_mode = #tpu.pipeline_mode<synchronous>, transform_indices = @transform_7, window_bounds = array<i64: 1, 512>}, {pipeline_mode = #tpu.pipeline_mode<synchronous>, transform_indices = @transform_8, window_bounds = array<i64: 1, 512>}, {pipeline_mode = #tpu.pipeline_mode<synchronous>, transform_indices = @transform_9, window_bounds = array<i64: 1024, 512>}, {pipeline_mode = #tpu.pipeline_mode<synchronous>, transform_indices = @transform_10, window_bounds = array<i64: 1, 1024>}, {transform_indices = @transform_11, window_bounds = array<i64: 1, 160, 1024>}]} {
    %eq3A = arith.constant 0 : i32
    %eq3A_0 = arith.cmpi eq, %arg0, %eq3A : i32
    %convert_element_type3A = arith.extui %eq3A_0 : i1 to i32
    %cond3A = arith.constant 0 : i32
    %cond3A_1 = arith.cmpi ne, %convert_element_type3A, %cond3A : i32
    scf.if %cond3A_1 {
      %get3A_51 = arith.constant 0 : index
      %get3A_52 = arith.constant 0 : index
      %get3A_53 = vector.load %arg6[%get3A_51, %get3A_52] : memref<512x512xf32, #tpu.memory_space<vmem>>, vector<512x512xf32>
      %get3A_54 = arith.constant 0 : index
      %get3A_55 = arith.constant 0 : index
      %get3A_56 = vector.load %arg3[%get3A_54, %get3A_55] : memref<1x512xf32, #tpu.memory_space<vmem>>, vector<1x512xf32>
      %div3A = arith.constant 1.958400e+04 : f32
      %div3A_57 = vector.broadcast %div3A : f32 to vector<1x512xf32>
      %div3A_58 = arith.divf %get3A_56, %div3A_57 : vector<1x512xf32>
      %get3A_59 = arith.constant 0 : index
      %get3A_60 = arith.constant 0 : index
      %get3A_61 = vector.load %arg2[%get3A_59, %get3A_60] : memref<512x512xf32, #tpu.memory_space<vmem>>, vector<512x512xf32>
      %div3A_62 = arith.constant 1.958400e+04 : f32
      %div3A_63 = vector.broadcast %div3A_62 : f32 to vector<512x512xf32>
      %div3A_64 = arith.divf %get3A_61, %div3A_63 : vector<512x512xf32>
      %dot_general3A_65 = arith.constant dense<0.000000e+00> : vector<1x512xf32>
      %dot_general3A_66 = tpu.matmul %div3A_58, %get3A_53, %dot_general3A_65 {dimension_numbers = #tpu.dot_dimension_numbers<[1], [1], [0], [0], [0, 0, 1, 0], [], []>, transpose_lhs_hint = false} : vector<1x512xf32>, vector<512x512xf32>, vector<1x512xf32> -> vector<1x512xf32>
      %dot_general3A_67 = arith.constant dense<0.000000e+00> : vector<512x512xf32>
      %dot_general3A_68 = tpu.matmul %get3A_53, %div3A_64, %dot_general3A_67 {dimension_numbers = #tpu.dot_dimension_numbers<[1], [0], [0], [1], [0, 0, 1, 1], [], []>, transpose_lhs_hint = false} : vector<512x512xf32>, vector<512x512xf32>, vector<512x512xf32> -> vector<512x512xf32>
      %broadcast_in_dim3A = arith.constant 1.000000e+00 : f32
      %broadcast_in_dim3A_69 = vector.broadcast %broadcast_in_dim3A : f32 to vector<1x512xf32>
      %mul3A_70 = arith.mulf %dot_general3A_68, %get3A_53 : vector<512x512xf32>
      %dot_general3A_71 = arith.constant dense<0.000000e+00> : vector<1x512xf32>
      %dot_general3A_72 = tpu.matmul %broadcast_in_dim3A_69, %mul3A_70, %dot_general3A_71 {dimension_numbers = #tpu.dot_dimension_numbers<[1], [1], [0], [0], [0, 0, 1, 0], [], []>, transpose_lhs_hint = false} : vector<1x512xf32>, vector<512x512xf32>, vector<1x512xf32> -> vector<1x512xf32>
      %mul3A_73 = arith.mulf %dot_general3A_66, %dot_general3A_66 : vector<1x512xf32>
      %sub3A = arith.subf %dot_general3A_72, %mul3A_73 : vector<1x512xf32>
      %get3A_74 = arith.constant 0 : index
      %get3A_75 = arith.constant 0 : index
      %get3A_76 = vector.load %arg7[%get3A_74, %get3A_75] : memref<1x512xf32, #tpu.memory_space<vmem>>, vector<1x512xf32>
      %add3A_77 = arith.addf %dot_general3A_66, %get3A_76 : vector<1x512xf32>
      %get3A_78 = arith.constant 0 : index
      %get3A_79 = arith.constant 0 : index
      %get3A_80 = vector.load %arg8[%get3A_78, %get3A_79] : memref<1x512xf32, #tpu.memory_space<vmem>>, vector<1x512xf32>
      %add3A_81 = arith.constant 9.99999974E-6 : f32
      %add3A_82 = vector.broadcast %add3A_81 : f32 to vector<1x512xf32>
      %add3A_83 = arith.addf %sub3A, %add3A_82 : vector<1x512xf32>
      %rsqrt3A = math.rsqrt %add3A_83 : vector<1x512xf32>
      %mul3A_84 = arith.mulf %get3A_80, %rsqrt3A : vector<1x512xf32>
      %swap3A_85 = arith.constant 0 : index
      %swap3A_86 = arith.constant 0 : index
      %swap3A_87 = vector.load %arg13[%swap3A_85, %swap3A_86] : memref<1x512xf32, #tpu.memory_space<vmem>>, vector<1x512xf32>
      tpu.vector_store %arg13[%swap3A_85, %swap3A_86], %mul3A_84 {strides = array<i32>} : memref<1x512xf32, #tpu.memory_space<vmem>>, vector<1x512xf32>,
      %get3A_88 = arith.constant 0 : index
      %get3A_89 = arith.constant 0 : index
      %get3A_90 = vector.load %arg9[%get3A_88, %get3A_89] : memref<1x512xf32, #tpu.memory_space<vmem>>, vector<1x512xf32>
      %mul3A_91 = arith.mulf %add3A_77, %mul3A_84 : vector<1x512xf32>
      %sub3A_92 = arith.subf %get3A_90, %mul3A_91 : vector<1x512xf32>
      %swap3A_93 = arith.constant 0 : index
      %swap3A_94 = arith.constant 0 : index
      %swap3A_95 = vector.load %arg14[%swap3A_93, %swap3A_94] : memref<1x512xf32, #tpu.memory_space<vmem>>, vector<1x512xf32>
      tpu.vector_store %arg14[%swap3A_93, %swap3A_94], %sub3A_92 {strides = array<i32>} : memref<1x512xf32, #tpu.memory_space<vmem>>, vector<1x512xf32>,
    } else {
    }
    %get3A = arith.constant 0 : index
    %get3A_2 = arith.constant 0 : index
    %get3A_3 = arith.constant 0 : index
    %get3A_4 = vector.load %arg1[%get3A, %get3A_2, %get3A_3] : memref<1x160x512xf32, #tpu.memory_space<vmem>>, vector<1x160x512xf32>
    %get3A_5 = vector.shape_cast %get3A_4 : vector<1x160x512xf32> to vector<160x512xf32>
    %get3A_6 = arith.constant 0 : index
    %get3A_7 = arith.constant 0 : index
    %get3A_8 = vector.load %arg4[%get3A_6, %get3A_7] : memref<1024x512xf32, #tpu.memory_space<vmem>>, vector<1024x512xf32>
    %dot_general3A = arith.constant dense<0.000000e+00> : vector<160x1024xf32>
    %dot_general3A_9 = tpu.matmul %get3A_5, %get3A_8, %dot_general3A {dimension_numbers = #tpu.dot_dimension_numbers<[1], [1], [0], [0], [0, 0, 1, 0], [], []>, transpose_lhs_hint = false} : vector<160x512xf32>, vector<1024x512xf32>, vector<160x1024xf32> -> vector<160x1024xf32>
    %get3A_10 = arith.constant 0 : index
    %get3A_11 = arith.constant 0 : index
    %get3A_12 = vector.load %arg5[%get3A_10, %get3A_11] : memref<1x1024xf32, #tpu.memory_space<vmem>>, vector<1x1024xf32>
    %add3A = vector.broadcast %get3A_12 : vector<1x1024xf32> to vector<160x1024xf32>
    %add3A_13 = arith.addf %dot_general3A_9, %add3A : vector<160x1024xf32>
    %get3A_14 = arith.constant 0 : index
    %get3A_15 = arith.constant 0 : index
    %get3A_16 = vector.load %arg6[%get3A_14, %get3A_15] : memref<512x512xf32, #tpu.memory_space<vmem>>, vector<512x512xf32>
    %dot_general3A_17 = arith.constant dense<0.000000e+00> : vector<160x512xf32>
    %dot_general3A_18 = tpu.matmul %get3A_5, %get3A_16, %dot_general3A_17 {dimension_numbers = #tpu.dot_dimension_numbers<[1], [1], [0], [0], [0, 0, 1, 0], [], []>, transpose_lhs_hint = false} : vector<160x512xf32>, vector<512x512xf32>, vector<160x512xf32> -> vector<160x512xf32>
    %get3A_19 = arith.constant 0 : index
    %get3A_20 = arith.constant 0 : index
    %get3A_21 = vector.load %arg7[%get3A_19, %get3A_20] : memref<1x512xf32, #tpu.memory_space<vmem>>, vector<1x512xf32>
    %add3A_22 = vector.broadcast %get3A_21 : vector<1x512xf32> to vector<160x512xf32>
    %add3A_23 = arith.addf %dot_general3A_18, %add3A_22 : vector<160x512xf32>
    %get3A_24 = arith.constant 0 : index
    %get3A_25 = arith.constant 0 : index
    %get3A_26 = vector.load %arg13[%get3A_24, %get3A_25] : memref<1x512xf32, #tpu.memory_space<vmem>>, vector<1x512xf32>
    %mul3A = vector.broadcast %get3A_26 : vector<1x512xf32> to vector<160x512xf32>
    %mul3A_27 = arith.mulf %add3A_23, %mul3A : vector<160x512xf32>
    %get3A_28 = arith.constant 0 : index
    %get3A_29 = arith.constant 0 : index
    %get3A_30 = vector.load %arg14[%get3A_28, %get3A_29] : memref<1x512xf32, #tpu.memory_space<vmem>>, vector<1x512xf32>
    %add3A_31 = vector.broadcast %get3A_30 : vector<1x512xf32> to vector<160x512xf32>
    %add3A_32 = arith.addf %mul3A_27, %add3A_31 : vector<160x512xf32>
    %max3A = arith.constant 0.000000e+00 : f32
    %max3A_33 = vector.broadcast %max3A : f32 to vector<160x512xf32>
    %max3A_34 = arith.maximumf %add3A_32, %max3A_33 : vector<160x512xf32>
    %get3A_35 = arith.constant 0 : index
    %get3A_36 = arith.constant 0 : index
    %get3A_37 = vector.load %arg10[%get3A_35, %get3A_36] : memref<1024x512xf32, #tpu.memory_space<vmem>>, vector<1024x512xf32>
    %dot_general3A_38 = arith.constant dense<0.000000e+00> : vector<160x1024xf32>
    %dot_general3A_39 = tpu.matmul %max3A_34, %get3A_37, %dot_general3A_38 {dimension_numbers = #tpu.dot_dimension_numbers<[1], [1], [0], [0], [0, 0, 1, 0], [], []>, transpose_lhs_hint = false} : vector<160x512xf32>, vector<1024x512xf32>, vector<160x1024xf32> -> vector<160x1024xf32>
    %get3A_40 = arith.constant 0 : index
    %get3A_41 = arith.constant 0 : index
    %get3A_42 = vector.load %arg11[%get3A_40, %get3A_41] : memref<1x1024xf32, #tpu.memory_space<vmem>>, vector<1x1024xf32>
    %add3A_43 = vector.broadcast %get3A_42 : vector<1x1024xf32> to vector<160x1024xf32>
    %add3A_44 = arith.addf %dot_general3A_39, %add3A_43 : vector<160x1024xf32>
    %add3A_45 = arith.addf %add3A_44, %add3A_13 : vector<160x1024xf32>
    %swap3A = arith.constant 0 : index
    %swap3A_46 = arith.constant 0 : index
    %swap3A_47 = arith.constant 0 : index
    %swap3A_48 = vector.load %arg12[%swap3A, %swap3A_46, %swap3A_47] : memref<1x160x1024xf32, #tpu.memory_space<vmem>>, vector<1x160x1024xf32>
    %swap3A_49 = vector.shape_cast %swap3A_48 : vector<1x160x1024xf32> to vector<160x1024xf32>
    %swap3A_50 = vector.shape_cast %add3A_45 : vector<160x1024xf32> to vector<1x160x1024xf32>
    tpu.vector_store %arg12[%swap3A, %swap3A_46, %swap3A_47], %swap3A_50 {strides = array<i32>} : memref<1x160x1024xf32, #tpu.memory_space<vmem>>, vector<1x160x1024xf32>,
    return
  }
  func.func @transform_0(%arg0: i32) -> (i32, i32, i32) {
    %c0_i32 = arith.constant 0 : i32
    %c0_i32_0 = arith.constant 0 : i32
    %c0_i32_1 = arith.constant 0 : i32
    return %arg0, %c0_i32, %c0_i32_0 : i32, i32, i32
  }
  func.func @transform_1(%arg0: i32) -> (i32, i32) {
    %c0_i32 = arith.constant 0 : i32
    %c0_i32_0 = arith.constant 0 : i32
    %c0_i32_1 = arith.constant 0 : i32
    return %c0_i32, %c0_i32_0 : i32, i32
  }
  func.func @transform_2(%arg0: i32) -> (i32, i32) {
    %c0_i32 = arith.constant 0 : i32
    %c0_i32_0 = arith.constant 0 : i32
    %c0_i32_1 = arith.constant 0 : i32
    return %c0_i32, %c0_i32_0 : i32, i32
  }
  func.func @transform_3(%arg0: i32) -> (i32, i32) {
    %c0_i32 = arith.constant 0 : i32
    %c0_i32_0 = arith.constant 0 : i32
    %c0_i32_1 = arith.constant 0 : i32
    return %c0_i32, %c0_i32_0 : i32, i32
  }
  func.func @transform_4(%arg0: i32) -> (i32, i32) {
    %c0_i32 = arith.constant 0 : i32
    %c0_i32_0 = arith.constant 0 : i32
    %c0_i32_1 = arith.constant 0 : i32
    return %c0_i32, %c0_i32_0 : i32, i32
  }
  func.func @transform_5(%arg0: i32) -> (i32, i32) {
    %c0_i32 = arith.constant 0 : i32
    %c0_i32_0 = arith.constant 0 : i32
    %c0_i32_1 = arith.constant 0 : i32
    return %c0_i32, %c0_i32_0 : i32, i32
  }
  func.func @transform_6(%arg0: i32) -> (i32, i32) {
    %c0_i32 = arith.constant 0 : i32
    %c0_i32_0 = arith.constant 0 : i32
    %c0_i32_1 = arith.constant 0 : i32
    return %c0_i32, %c0_i32_0 : i32, i32
  }
  func.func @transform_7(%arg0: i32) -> (i32, i32) {
    %c0_i32 = arith.constant 0 : i32
    %c0_i32_0 = arith.constant 0 : i32
    %c0_i32_1 = arith.constant 0 : i32
    return %c0_i32, %c0_i32_0 : i32, i32
  }
  func.func @transform_8(%arg0: i32) -> (i32, i32) {
    %c0_i32 = arith.constant 0 : i32
    %c0_i32_0 = arith.constant 0 : i32
    %c0_i32_1 = arith.constant 0 : i32
    return %c0_i32, %c0_i32_0 : i32, i32
  }
  func.func @transform_9(%arg0: i32) -> (i32, i32) {
    %c0_i32 = arith.constant 0 : i32
    %c0_i32_0 = arith.constant 0 : i32
    %c0_i32_1 = arith.constant 0 : i32
    return %c0_i32, %c0_i32_0 : i32, i32
  }
  func.func @transform_10(%arg0: i32) -> (i32, i32) {
    %c0_i32 = arith.constant 0 : i32
    %c0_i32_0 = arith.constant 0 : i32
    %c0_i32_1 = arith.constant 0 : i32
    return %c0_i32, %c0_i32_0 : i32, i32
  }
  func.func @transform_11(%arg0: i32) -> (i32, i32, i32) {
    %c0_i32 = arith.constant 0 : i32
    %c0_i32_0 = arith.constant 0 : i32
    %c0_i32_1 = arith.constant 0 : i32
    return %arg0, %c0_i32, %c0_i32_0 : i32, i32, i32
  }
}

</mosaic_0001>

<sc_bundles>
// kernel: sparse-core-data-format-call.cloned.1.call-start
scs
called_computation_lowered:
.L_overlay_start_0:
0x0: {  	s2 =	sld [smem:$0x3FD9]  }
0x1: {  	s3 =	sld [smem:$0x3FFE];
	_ =	sdelay $0x1  }
0x2: {  	s1 =	srdreg.scid  }
0x3: {  	s0 =	sand.u32 $0x1, s1  }
0x4: {  	s18 =	sshll.u32 s0, $0xA;
	s2 =	sadd.s32 s3, s2  }
0x5: {  	s2 =	sadd.s32 s2, s18  }
0x6: {  	[smem:$0x3FBD] =	sst s2  }
0x7: {  	_ = 	snop  }
0x8: {  	s2 =	sld [smem:$0x3FD0];
	(tm) =	ssettm $0x1  }
0x9: {  	s19 =	sld [smem:$0x3FFB];
	_ =	sdelay $0x3  }
0xa: {  	_ =	strace s19  }
0xb: {  	s3 =	sld [smem:$0x3FFC];
	_ =	sdelay $0x3  }
0xc: {  	_ =	strace s3  }
0xd: {  	s3 =	sld [smem:$0x3FFD];
	_ =	sdelay $0x3  }
0xe: {  	_ =	strace s3  }
0xf: {  	_ =	strace $0x8FFFFFFF  }
0x10: {  	s20 =	sld [smem:$0x3FDB];
	_ =	sdelay $0x1  }
0x11: {  	s4 =	simm.s32 $_scs_section_size  }
0x12: {  	s5 =	simm.s32 $_size__tile_overlayer_lowered;
	s6 =	simm.s32 $_tile_overlayer_lowered  }
0x13: {  	s23 =	simm.s32 $0x1BFF;
	s22 =	sshll.u32 s6, $0x1;
	s3 =	sadd.s32 s4, s20  }
0x14: {  	s7 =	simm.s32 $0x0;
	s21 =	sshll.u32 s5, $0x1;
	s5 =	sadd.s32 s22, s3  }
0x15: {  	[timem:s7], [sflag:s23] =	dma.local [hbm:s5], s21  }
0x16: {  	_ =	swait.ge [sflag:s23], s21  }
0x17: {  	s4 =	ssub.s32 $0x0, s21;
	[sflag:s23] =	ssyncset.done $0x0  }
0x18: {  	[sflag:s23] =	ssyncadd.s32 s4;
	_ =	sdelay $0x1  }
0x19: {  	s24 =	simm.s32 $0x1B8B  }
0x1a: {  	_ =	swait.ge [sflag:s24], $0x1  }
0x1b: {  	[sflag:s24] =	ssyncset.done $0x0  }
0x1c: {  	s26 =	simm.s32 $0x1B8E;
	s25 =	sld [smem:$0x3FFE];
	[sflag:s24] =	ssyncadd.s32 $0xFFFFFFFF  }
0x1d: {  	s27 =	simm.s32 $execute0_lowered;
	[smem:$0x3FD2] =	sst s26  }
0x1e: {  	s5 =	sshll.u32 s27, $0x1;
	_ =	strace $0x80000046;
	[dreg:$0x1] =	wrdreg $0xFFFFFFFF  }
0x1f: {  	s28 =	simm.s32 $_size_execute0_lowered;
	s3 =	sadd.s32 s3, s5;
	[dreg:$0x0] =	wrdreg $0x0  }
0x20: {  	s5 =	sshll.u32 s28, $0x1;
	[dreg:$0x2] =	wrdreg s3  }
0x21: {  	[dreg:$0x3] =	wrdreg s5  }
0x22: {  	[dreg:$0x4] =	wrdreg $0xC0  }
0x23: {  	_ =	task [dreg:s7], $0x5FFFF  }
0x24: {  	[dreg:$0x1] =	wrdreg $0xFFFFFFFF  }
0x25: {  	[dreg:$0x0] =	wrdreg $0x60  }
0x26: {  	[dreg:$0x2] =	wrdreg s25  }
0x27: {  	[dreg:$0x3] =	wrdreg s2  }
0x28: {  	[dreg:$0x4] =	wrdreg $0x9  }
0x29: {  	_ =	task.clear_ibuf [dreg:s7], $0x5FFFF;
	_ =	strace $0x90000046  }
0x2a: {  	s29 =	simm.s32 $0x9;
	_ =	strace $0x80000048  }
0x2b: {  	_ =	swait.ge [sflag:s29], $0x1  }
0x2c: {  	[sflag:s29] =	ssyncadd.s32 $0xFFFFFFFF  }
0x2d: {  	_ =	strace $0x90000048  }
0x2e: {  	_ =	sfence  }
0x2f: {  	s30 =	sld [smem:$0x0];
	_ =	sdelay $0x2  }
0x30: {  	s31 =	sshll.u32 s1, $0xD;
	s1 =	sshrl.u32 s1, $0x2  }
0x31: {  	s3 =	sand.u32 $0x4000, s31;
	s1 =	sadd.s32 s1, s30  }
0x32: {  	s0 =	sor.u32 s3, s0;
	s1 =	sshll.u32 s1, $0x11  }
0x33: {  	s0 =	sor.u32 s1, s0  }
0x34: {  	s0 =	sadd.s32 $0x8F2B, s0  }
0x35: {  	[sflag:s0] =	ssyncadd.remote.s32 $0x1  }
0x36: {  	_ =	sfence.sel $0xFFFF  }
0x37: {  	[dreg:$0x0] =	wrdreg $0xFFFFFFFF;
	(pc) =	sbr.abs _section_cstart, $3  }
0x38: {  	[dreg:$0x1] =	wrdreg $0xFFFFFFFF  }
0x39: {  	_ =	task.clear_ibuf [dreg:s7], $0x2FFFF;
	_ =	strace $0x9FFFFFFF  }
0x3a: {  	(tm) =	ssettm $0x7FFFFFFF  }
0x3b: {  	_ =	shalt  }
tec
execute0_lowered:
.L_overlay_start_1:
0x0: {  	(tag) =	ssettag $0x1  }
0x1: {  	s0 =	srdreg.scid  }
0x2: {  	s7 =	rddreg [dreg:$0x0];
	s1 =	sshll.u32 s0, $0x4  }
0x3: {  	s2 =	rddreg [dreg:$0x1];
	s0 =	stileid.u32;
	s1 =	sand.u32 $0x10, s1  }
0x4: {  	s31 =	simm.s32 $0x2;
	s16 =	simm.s32 $0x0;
	s8 =	sor.u32 s0, s1  }
0x5: {  	s11 =	simm.s32 $0x2000;
	s12 =	simm.s32 $0x0;
	s1 =	sshll.u32 s8, $0x5  }
0x6: {  	s17 =	simm.s32 $0x0;
	s18 =	simm.s32 $0x0;
	s3 =	sand.u32 $0x380, s1  }
0x7: {  	s14 =	simm.s32 $0x0;
	s15 =	simm.s32 $0x0;
	s5 =	ssub.s32 $0x400, s3  }
0x8: {  	s7 =	sadd.s32 $0x1400, s7;
	s4 =	sand.u32 $0x3, s0;
	s6 =	sand.u32 $0x380, s5  }
0x9: {  	s9 =	ssub.s32 $0x9C, s4;
	p0 =	sne.s32 s6, $0x0;
	s6 =	simm.s32 $0x1  }
.Ltmp0:
0xa: {  	s10 =	sshrl.u32 s5, $0xA;
	s6 =	simm.s32 @!p0 $0x0;
	(pc) =	sbr.rel .LBB1_1-.Ltmp0, $4  }
0xb: {  	s9 =	sshrl.u32 s9, $0x2;
	s1 =	rddreg [dreg:$0x2];
	s6 =	sadd.s32 s6, s10  }
0xc: {  	_ =	strace $0x80000047;
	s5 =	simm.s32 $0x1;
	s6 =	smul.u32 s9, s6  }
0xd: {  	s13 =	smov.u32 s4;
	s8 =	sshll.u32 s8, $0x8;
	[sflag:s5] =	ssyncpa.u1 $0x0  }
0xe: {  	[sflag:s31] =	ssyncpa.u1 $0x0;
	s10 =	simm.s32 $0x400;
	s9 =	sadd.s32 $0x1, s6  }
.LBB1_4:
0xf: {  	_ =	sdelay $0x3  }
0x10: {  	[tilespmem:v0+s21+$0xFFFFFFD0 ss:$0x1] =	vst.idx.msk $0xffff, v6  }
0x11: {  	v56 =	vld.idx.msk [tilespmem:v1+s20+$0x0 ss:$0x1], $0xffff;
	[tilespmem:v0+s21+$0xFFFFFFE0 ss:$0x1] =	vst.idx.msk $0xffff, v4  }
0x12: {  	v57 =	vld.idx.msk [tilespmem:v1+s20+$0xFFFFFF90 ss:$0x1], $0xffff;
	[tilespmem:v0+s21+$0xFFFFFFF0 ss:$0x1] =	vst.idx.msk $0xffff, v2  }
0x13: {  	v58 =	vld.idx.msk [tilespmem:v1+s20+$0xFFFFFFA0 ss:$0x1], $0xffff;
	[tilespmem:v0+s21+$0x0 ss:$0x1] =	vst.idx.msk $0xffff, v3  }
0x14: {  	v59 =	vld.idx.msk [tilespmem:v1+s20+$0xFFFFFFB0 ss:$0x1], $0xffff;
	[tilespmem:v0+s21+$0x10 ss:$0x1] =	vst.idx.msk $0xffff, v5  }
0x15: {  	v60 =	vld.idx.msk [tilespmem:v1+s20+$0xFFFFFFC0 ss:$0x1], $0xffff;
	[tilespmem:v0+s21+$0x20 ss:$0x1] =	vst.idx.msk $0xffff, v7  }
0x16: {  	v61 =	vld.idx.msk [tilespmem:v1+s20+$0xFFFFFFD0 ss:$0x1], $0xffff;
	[tilespmem:v0+s20+$0x30 ss:$0x1] =	vst.idx.msk $0xffff, v56  }
0x17: {  	v62 =	vld.idx.msk [tilespmem:v1+s20+$0xFFFFFFE0 ss:$0x1], $0xffff;
	[tilespmem:v0+s20+$0xFFFFFFC0 ss:$0x1] =	vst.idx.msk $0xffff, v57  }
0x18: {  	v63 =	vld.idx.msk [tilespmem:v1+s20+$0xFFFFFFF0 ss:$0x1], $0xffff;
	[tilespmem:v0+s20+$0xFFFFFFD0 ss:$0x1] =	vst.idx.msk $0xffff, v58  }
0x19: {  	[tilespmem:v0+s20+$0xFFFFFFE0 ss:$0x1] =	vst.idx.msk $0xffff, v59  }
0x1a: {  	s30 =	sshll.u32 s18, $0x7;
	s17 =	sshll.u32 s17, $0xE;
	s31 =	sshll.u32 s18, $0x4;
	[tilespmem:v0+s20+$0xFFFFFFF0 ss:$0x1] =	vst.idx.msk $0xffff, v60  }
0x1b: {  	s21 =	sand.u32 $0x3C00, s30;
	s18 =	sand.u32 $0x70, s31;
	s17 =	sadd.s32 s2, s17;
	[tilespmem:v0+s20+$0x0 ss:$0x1] =	vst.idx.msk $0xffff, v61  }
0x1c: {  	s16 =	sor.u32 s16, s21;
	s17 =	sadd.s32 s18, s17;
	[tilespmem:v0+s20+$0x10 ss:$0x1] =	vst.idx.msk $0xffff, v62  }
0x1d: {  	s16 =	sadd.s32 s16, s17;
	[tilespmem:v0+s20+$0x20 ss:$0x1] =	vst.idx.msk $0xffff, v63  }
0x1e: {  	[hbm4b:s16+s10] =	stream.strided.scatter [tilespmem:s19], [sflag:$0x2], $0x4000, s11, s10, $0x38;
	[tilespmem:$0x10000] =	vst v63  }
.LBB1_5:
0x1f: {  	s19 =	sadd.s32 $0x4, s13  }
0x20: {  	s17 =	sadd.s32 $0x80, s14;
	s20 =	smov.u32 s14;
	p1 =	sgt.s32 s19, $0x98  }
0x21: {  	s20 =	smov.u32 @p1 s17  }
0x22: {  	s19 =	smov.u32 @p1 s4;
	p1 =	sgt.s32 s20, $0x7F  }
0x23: {  	s20 =	simm.s32 @p1 $0x0;
	p1 =	sne.s32 s15, s9  }
.Ltmp1:
0x24: {  	p0 =	slt.u32 s15, $0x2;
	(pc) =	sbr.rel @!p1 .LBB1_6-.Ltmp1, $4  }
0x25: {  	s18 =	smov.u32 s14;
	s16 =	simm.s32 @!p0 $0x2  }
0x26: {  	s12 =	sadd.s32 $0x4000, s12;
	_ =	swait.ge @!p0 [sflag:s16], $0x4000;
	s17 =	smov.u32 s13  }
0x27: {  	[sflag:s16] =	ssyncset.done @!p0 $0x0;
	s13 =	smov.u32 s19;
	s15 =	sadd.s32 $0x1, s15  }
0x28: {  	[sflag:s16] =	ssyncadd.s32 @!p0 $0xFFFFC000;
	s16 =	smov.u32 s3;
	s14 =	smov.u32 s20  }
.LBB1_1:
0x29: {  	p0 =	sge.u32 s15, s6  }
0x2a: {  	s19 =	sshll.u32 @!p0 s13, $0xA  }
0x2b: {  	s19 =	sand.u32 @!p0 $0xFFFFE000, s19  }
0x2c: {  	s19 =	sor.u32 @!p0 s8, s19  }
0x2d: {  	s19 =	sshrl.u32 @!p0 s19, $0xA  }
0x2e: {  	s20 =	smulhi.u32 @!p0 $0x199999A, s19;
	_ =	sdelay $0x1  }
0x2f: {  	s20 =	smul.u32 @!p0 $0xA0, s20  }
0x30: {  	s31 =	sadd.s32 $0xFFFFFFFF, s15;
	s21 =	smul.u32 @!p0 $0x5000, s14  }
0x31: {  	s22 =	sxor.u32 @!p0 $0xFFFFFFFF, s15;
	s19 =	ssub.s32 @!p0 s19, s20;
	s20 =	sshll.u32 @!p0 s13, $0x4  }
0x32: {  	s22 =	sshll.u32 @!p0 s22, $0xE;
	s21 =	sadd.s32 @!p0 s7, s21;
	s20 =	sand.u32 @!p0 $0x70, s20  }
0x33: {  	s22 =	sand.u32 @!p0 $0x4000, s22;
	s19 =	sshll.u32 @!p0 s19, $0x7;
	s20 =	sadd.s32 @!p0 s20, s21  }
0x34: {  	s21 =	simm.s32 @!p0 $0x28000;
	s19 =	sadd.s32 @!p0 s19, s20;
	s20 =	simm.s32 @!p0 $0x80  }
0x35: {  	[tilespmem:s22], [sflag:$0x1] =	stream.strided.gather @!p0 [hbm4b:s19+s20], $0x4000, s21, s20, $0x38;
	[tilespmem:$0x10000] =	vst v63  }
0x36: {  	p0 =	sge.u32 s31, s6  }
.Ltmp2:
0x37: {  	_ = 	snop;
	(pc) =	sbr.rel @p0 .LBB1_5-.Ltmp2, $1  }
0x38: {  	_ =	sdelay $0x3  }
0x39: {  	s19 =	sand.u32 $0x4000, s12  }
0x3a: {  	s20 =	sor.u32 $0x70, s19  }
0x3b: {  	v1 =	vmov s20;
	_ =	sdelay $0x1  }
0x3c: {  	_ =	swait.ge [sflag:s5], $0x4000  }
0x3d: {  	[sflag:s5] =	ssyncset.done $0x0  }
0x3e: {  	s21 =	simm.s32 $0x0;
	[sflag:s5] =	ssyncadd.s32 $0xFFFFC000  }
0x3f: {  	s19 =	sor.u32 $0x8040, s19;
	v7 =	vld.idx.msk [tilespmem:v1+s21+$0x0 ss:$0x1], $0xffff  }
0x40: {  	v0 =	vmov s19;
	v8 =	vld.idx.msk [tilespmem:v1+s21+$0xFFFFFF90 ss:$0x1], $0xffff  }
0x41: {  	v6 =	vld.idx.msk [tilespmem:v1+s21+$0xFFFFFFA0 ss:$0x1], $0xffff  }
0x42: {  	v4 =	vld.idx.msk [tilespmem:v1+s21+$0xFFFFFFB0 ss:$0x1], $0xffff  }
0x43: {  	v2 =	vld.idx.msk [tilespmem:v1+s21+$0xFFFFFFC0 ss:$0x1], $0xffff  }
0x44: {  	s31 =	sshll.u32 s15, $0xE;
	v3 =	vld.idx.msk [tilespmem:v1+s21+$0xFFFFFFD0 ss:$0x1], $0xffff  }
0x45: {  	s19 =	sand.u32 $0x4000, s31;
	v5 =	vld.idx.msk [tilespmem:v1+s21+$0xFFFFFFE0 ss:$0x1], $0xffff;
	[tilespmem:v0+s21+$0x30 ss:$0x1] =	vst.idx.msk $0xffff, v7  }
0x46: {  	s22 =	simm.s32 $0x400;
	s20 =	simm.s32 $0x80;
	s19 =	sor.u32 $0x8000, s19;
	[tilespmem:v0+s21+$0xFFFFFFC0 ss:$0x1] =	vst.idx.msk $0xffff, v8;
	v7 =	vld.idx.msk [tilespmem:v1+s21+$0xFFFFFFF0 ss:$0x1], $0xffff  }
.LBB1_3:
0x47: {  	p0 =	sne.s32 s22, $0xFE00;
	v8 =	vld.idx.msk [tilespmem:v1+s20+$0x0 ss:$0x1], $0xffff;
	[tilespmem:v0+s21+$0xFFFFFFD0 ss:$0x1] =	vst.idx.msk $0xffff, v6  }
0x48: {  	v9 =	vld.idx.msk [tilespmem:v1+s20+$0xFFFFFF90 ss:$0x1], $0xffff;
	[tilespmem:v0+s21+$0xFFFFFFE0 ss:$0x1] =	vst.idx.msk $0xffff, v4  }
0x49: {  	v6 =	vld.idx.msk [tilespmem:v1+s20+$0xFFFFFFA0 ss:$0x1], $0xffff;
	[tilespmem:v0+s21+$0xFFFFFFF0 ss:$0x1] =	vst.idx.msk $0xffff, v2  }
.Ltmp3:
0x4a: {  	v4 =	vld.idx.msk [tilespmem:v1+s20+$0xFFFFFFB0 ss:$0x1], $0xffff;
	[tilespmem:v0+s21+$0x0 ss:$0x1] =	vst.idx.msk $0xffff, v3;
	(pc) =	sbr.rel @p0 .LBB1_3-.Ltmp3, $4  }
0x4b: {  	v2 =	vld.idx.msk [tilespmem:v1+s20+$0xFFFFFFC0 ss:$0x1], $0xffff;
	[tilespmem:v0+s21+$0x10 ss:$0x1] =	vst.idx.msk $0xffff, v5  }
0x4c: {  	v3 =	vld.idx.msk [tilespmem:v1+s20+$0xFFFFFFD0 ss:$0x1], $0xffff;
	[tilespmem:v0+s21+$0x20 ss:$0x1] =	vst.idx.msk $0xffff, v7;
	s21 =	smov.u32 s20  }
0x4d: {  	v5 =	vld.idx.msk [tilespmem:v1+s21+$0xFFFFFFE0 ss:$0x1], $0xffff;
	[tilespmem:v0+s21+$0x30 ss:$0x1] =	vst.idx.msk $0xffff, v8  }
0x4e: {  	s20 =	sshra.s32 s22, $0x2;
	s22 =	sadd.s32 $0x200, s22;
	[tilespmem:v0+s21+$0xFFFFFFC0 ss:$0x1] =	vst.idx.msk $0xffff, v9;
	v7 =	vld.idx.msk [tilespmem:v1+s21+$0xFFFFFFF0 ss:$0x1], $0xffff  }
.Ltmp4:
0x4f: {  	_ = 	snop;
	(pc) =	sbr.rel .LBB1_4-.Ltmp4, $1  }
0x50: {  	_ =	sdelay $0x3  }
.LBB1_6:
0x51: {  	_ =	sfence.sel $0x180000  }
0x52: {  	s2 =	simm.s32 $0x1;
	[bflag:$0x0] =	sbarrier.arrive $0xFFFF  }
0x53: {  	s31 =	simm.s32 $0x2;
	[sflag:s2] =	ssyncpa.u1 $0x1  }
0x54: {  	[sflag:s31] =	ssyncpa.u1 $0x1  }
0x55: {  	p0 =	sne.s32 s0, $0x0;
	_ =	strace $0x90000047  }
0x56: {  	s0 =	sadd.s32 @!p0 $0x100000, s1;
	[bflag:$0x2] =	sbarrier.arrive $0xFFFF  }
0x57: {  	[sflag:s0] =	ssyncadd.tile.s32 @!p0 $0x1;
	_ =	shalt  }
.Lfunc_end1:
_tile_overlayer_lowered:
.L_overlay_start_2:
0x58: {  	(tag) =	ssettag $0x2  }
0x59: {  	s0 =	rddreg [dreg:$0x0];
	s2 =	stileid.u32  }
0x5a: {  	s1 =	rddreg [dreg:$0x1];
	p0 =	sne.s32 s2, $0x0  }
0x5b: {  	s3 =	rddreg [dreg:$0x2];
	[bflag:$0x3] =	sbarrier.arrive $0xFFFF;
	s2 =	simm.s32 @!p0 $0x1C01  }
0x5c: {  	[timem:s3], [sflag:s2] =	dma.local @!p0 [hbm:s0], s1  }
0x5d: {  	s0 =	simm.s32 @!p0 $0x1  }
0x5e: {  	_ =	swait.ge @!p0 [sflag:s0], s1  }
0x5f: {  	s1 =	ssub.s32 @!p0 $0x0, s1;
	[sflag:s0] =	ssyncset.done @!p0 $0x0  }
0x60: {  	[sflag:s0] =	ssyncadd.s32 @!p0 s1  }
0x61: {  	[bflag:$0x3] =	sbarrier.arrive $0xFFFF  }
0x62: {  	_ =	shalt  }

</sc_bundles>
